<compile_context>
chip_gen: v7x
topology: tpu7x:2x2x1
jax: 0.10.2.dev20260603
libtpu: 0.0.44.dev20260713+nightly
codegen_flags: <defaults>
</compile_context>

<pallas_src>
import functools

import jax
import jax.numpy as jnp
from jax import lax
from jax.experimental import pallas as pl
from jax.experimental.pallas import tpu as pltpu
from jax.experimental.pallas import tpu_sc as plsc

N = 10000
E = 320000
D = 128
H = 128

NC = 2
NS = 16
LANES = 16
NW = NC * NS
CW = 128
TPR = 80
EP = NW * TPR * CW
TROWS = NW * TPR
SUBROWS = 632
LASTROWS = N - (NS - 1) * SUBROWS
NPAD = N + 8

R = 2000
GRID = N // R


def _zero_acc(sid, zeros_v, acc_sh):
  @pl.loop(0, 4)
  def _(k):
    pltpu.sync_copy(zeros_v, acc_sh.at[pl.ds(sid * SUBROWS + k * CW, CW)])

  @pl.when(sid < NS - 1)
  def _():
    pltpu.sync_copy(zeros_v.at[pl.ds(0, SUBROWS - 4 * CW)],
                    acc_sh.at[pl.ds(sid * SUBROWS + 4 * CW, SUBROWS - 4 * CW)])

  @pl.when(sid == NS - 1)
  def _():
    pltpu.sync_copy(zeros_v.at[pl.ds(0, NPAD - (NS - 1) * SUBROWS - 4 * CW)],
                    acc_sh.at[pl.ds((NS - 1) * SUBROWS + 4 * CW,
                                    NPAD - (NS - 1) * SUBROWS - 4 * CW)])


def _sc_degree(dst2):
  mesh = plsc.VectorSubcoreMesh(core_axis_name="c", subcore_axis_name="s")

  @functools.partial(
      pl.kernel,
      out_type=jax.ShapeDtypeStruct((NC * N, LANES), jnp.float32),
      mesh=mesh,
      scratch_types=[
          pltpu.VMEM((TPR, CW), jnp.int32),
          pltpu.VMEM((CW, LANES), jnp.float32),
          pltpu.VMEM((CW, LANES), jnp.float32),
          pltpu.VMEM_SHARED((NPAD, LANES), jnp.float32),
          pltpu.SemaphoreType.DMA,
      ],
  )
  def deg_kernel(dst_hbm, out_hbm, idx_v, ones_v, zeros_v, acc_sh, sem):
    cid = lax.axis_index("c")
    sid = lax.axis_index("s")
    wid = sid * NC + cid

    @pl.loop(0, CW)
    def _(i):
      ones_v[i, :] = jnp.ones((LANES,), jnp.float32)
      zeros_v[i, :] = jnp.zeros((LANES,), jnp.float32)

    _zero_acc(sid, zeros_v, acc_sh)
    plsc.subcore_barrier()

    pltpu.sync_copy(dst_hbm.at[pl.ds(wid * TPR, TPR)], idx_v)

    @pl.loop(0, TPR)
    def _(j):
      pltpu.sync_copy(ones_v, acc_sh.at[idx_v.at[j]], add=True)

    plsc.subcore_barrier()

    @pl.when(sid < NS - 1)
    def _():
      pltpu.sync_copy(acc_sh.at[pl.ds(sid * SUBROWS, SUBROWS)],
                      out_hbm.at[pl.ds(cid * N + sid * SUBROWS, SUBROWS)])

    @pl.when(sid == NS - 1)
    def _():
      pltpu.sync_copy(acc_sh.at[pl.ds((NS - 1) * SUBROWS, LASTROWS)],
                      out_hbm.at[pl.ds(cid * N + (NS - 1) * SUBROWS,
                                       LASTROWS)])

  return deg_kernel(dst2)


NBUF = 2
PH = 2
TPP = TPR // PH
NITER = TPP // NBUF


def _sc_scatter(y, src2, dst2):
  mesh = plsc.VectorSubcoreMesh(core_axis_name="c", subcore_axis_name="s")

  @functools.partial(
      pl.kernel,
      out_type=jax.ShapeDtypeStruct((NC * N, D), jnp.float32),
      mesh=mesh,
      scratch_types=[
          pltpu.VMEM((TPP, CW), jnp.int32),
          pltpu.VMEM((TPP, CW), jnp.int32),
      ] + [pltpu.VMEM((CW, D), jnp.float32)] * NBUF + [
          pltpu.VMEM_SHARED((NPAD, D), jnp.float32),
      ] + [pltpu.SemaphoreType.DMA] * (2 * NBUF),
  )
  def scat_kernel(y_hbm, src_hbm, dst_hbm, out_hbm,
                  src_v, dst_v, *rest):
    rows = rest[:NBUF]
    acc_sh = rest[NBUF]
    gsem = rest[NBUF + 1:NBUF + 1 + NBUF]
    ssem = rest[NBUF + 1 + NBUF:]
    cid = lax.axis_index("c")
    sid = lax.axis_index("s")
    wid = sid * NC + cid

    @pl.loop(0, CW)
    def _(i):
      @pl.loop(0, D, step=LANES)
      def _(d):
        rows[0][i, pl.ds(d, LANES)] = jnp.zeros((LANES,), jnp.float32)

    _zero_acc(sid, rows[0], acc_sh)
    plsc.subcore_barrier()

    for ph in range(PH):
      base = wid * TPR + ph * TPP
      pltpu.sync_copy(src_hbm.at[pl.ds(base, TPP)], src_v)
      pltpu.sync_copy(dst_hbm.at[pl.ds(base, TPP)], dst_v)

      for b in range(NBUF):
        pltpu.async_copy(y_hbm.at[src_v.at[b]], rows[b], gsem[b])

      @pl.loop(0, NITER)
      def _(it):
        g = it * NBUF
        for b in range(NBUF):
          j = g + b
          pltpu.make_async_copy(y_hbm.at[src_v.at[j]], rows[b],
                                gsem[b]).wait()
          pltpu.async_copy(rows[b], acc_sh.at[dst_v.at[j]], ssem[b],
                           add=True)

        @pl.when(it < NITER - 1)
        def _():
          for b in range(NBUF):
            j = g + b
            pltpu.make_async_copy(rows[b], acc_sh.at[dst_v.at[j]],
                                  ssem[b]).wait()
            pltpu.async_copy(y_hbm.at[src_v.at[g + NBUF + b]], rows[b],
                             gsem[b])

      for b in range(NBUF):
        j = (NITER - 1) * NBUF + b
        pltpu.make_async_copy(rows[b], acc_sh.at[dst_v.at[j]], ssem[b]).wait()

    plsc.subcore_barrier()

    @pl.when(sid < NS - 1)
    def _():
      pltpu.sync_copy(acc_sh.at[pl.ds(sid * SUBROWS, SUBROWS)],
                      out_hbm.at[pl.ds(cid * N + sid * SUBROWS, SUBROWS)])

    @pl.when(sid == NS - 1)
    def _():
      pltpu.sync_copy(acc_sh.at[pl.ds((NS - 1) * SUBROWS, LASTROWS)],
                      out_hbm.at[pl.ds(cid * N + (NS - 1) * SUBROWS,
                                       LASTROWS)])

  return scat_kernel(y, src2, dst2)


def _dinv_block(d0, d1):
  deg = d0[:, :1] + d1[:, :1] + 1.0
  return lax.rsqrt(deg), deg


def _tc_prep(degp, x):
  def body(d0, d1, x_ref, y_ref):
    dinv, _ = _dinv_block(d0[...], d1[...])
    y_ref[...] = x_ref[...] * dinv

  return pl.pallas_call(
      body,
      grid=(GRID,),
      in_specs=[
          pl.BlockSpec((R, LANES), lambda i: (i, 0)),
          pl.BlockSpec((R, LANES), lambda i: (i + GRID, 0)),
          pl.BlockSpec((R, D), lambda i: (i, 0)),
      ],
      out_specs=pl.BlockSpec((R, D), lambda i: (i, 0)),
      out_shape=jax.ShapeDtypeStruct((N, D), jnp.float32),
  )(degp, degp, x)


def _tc_layer1(degp, s1, x, W1, b1):
  def body(d0, d1, p0, p1, x_ref, w_ref, b_ref, h_ref, y2_ref):
    dinv, deg = _dinv_block(d0[...], d1[...])
    g = (p0[...] + p1[...]) * dinv + x_ref[...] * (1.0 / deg)
    h = jnp.dot(g, w_ref[...], preferred_element_type=jnp.float32) + b_ref[...]
    h = jnp.maximum(h, 0.0)
    h_ref[...] = h
    y2_ref[...] = h * dinv

  return pl.pallas_call(
      body,
      grid=(GRID,),
      in_specs=[
          pl.BlockSpec((R, LANES), lambda i: (i, 0)),
          pl.BlockSpec((R, LANES), lambda i: (i + GRID, 0)),
          pl.BlockSpec((R, D), lambda i: (i, 0)),
          pl.BlockSpec((R, D), lambda i: (i + GRID, 0)),
          pl.BlockSpec((R, D), lambda i: (i, 0)),
          pl.BlockSpec((D, H), lambda i: (0, 0)),
          pl.BlockSpec((1, H), lambda i: (0, 0)),
      ],
      out_specs=[
          pl.BlockSpec((R, H), lambda i: (i, 0)),
          pl.BlockSpec((R, H), lambda i: (i, 0)),
      ],
      out_shape=[
          jax.ShapeDtypeStruct((N, H), jnp.float32),
          jax.ShapeDtypeStruct((N, H), jnp.float32),
      ],
  )(degp, degp, s1, s1, x, W1, b1)


def _tc_layer2(degp, s2, h, Wmu, bmu, Wls, bls, noise):
  def body(d0, d1, p0, p1, h_ref, wm, bm, wl, bl, nz,
           z_ref, mu_ref, ls_ref):
    dinv, deg = _dinv_block(d0[...], d1[...])
    g = (p0[...] + p1[...]) * dinv + h_ref[...] * (1.0 / deg)
    mu = jnp.dot(g, wm[...], preferred_element_type=jnp.float32) + bm[...]
    ls = jnp.dot(g, wl[...], preferred_element_type=jnp.float32) + bl[...]
    mu_ref[...] = mu
    ls_ref[...] = ls
    z_ref[...] = mu + jnp.exp(ls) * nz[...]

  return pl.pallas_call(
      body,
      grid=(GRID,),
      in_specs=[
          pl.BlockSpec((R, LANES), lambda i: (i, 0)),
          pl.BlockSpec((R, LANES), lambda i: (i + GRID, 0)),
          pl.BlockSpec((R, H), lambda i: (i, 0)),
          pl.BlockSpec((R, H), lambda i: (i + GRID, 0)),
          pl.BlockSpec((R, H), lambda i: (i, 0)),
          pl.BlockSpec((H, H), lambda i: (0, 0)),
          pl.BlockSpec((1, H), lambda i: (0, 0)),
          pl.BlockSpec((H, H), lambda i: (0, 0)),
          pl.BlockSpec((1, H), lambda i: (0, 0)),
          pl.BlockSpec((R, H), lambda i: (i, 0)),
      ],
      out_specs=[
          pl.BlockSpec((R, H), lambda i: (i, 0)),
          pl.BlockSpec((R, H), lambda i: (i, 0)),
          pl.BlockSpec((R, H), lambda i: (i, 0)),
      ],
      out_shape=[
          jax.ShapeDtypeStruct((N, H), jnp.float32),
          jax.ShapeDtypeStruct((N, H), jnp.float32),
          jax.ShapeDtypeStruct((N, H), jnp.float32),
      ],
  )(degp, degp, s2, s2, h, Wmu, bmu, Wls, bls, noise)


def kernel(x, edge_index, W1, b1, Wmu, bmu, Wls, bls, noise):
  src = edge_index[0].astype(jnp.int32)
  dst = edge_index[1].astype(jnp.int32)
  pad = EP - E
  src2 = jnp.concatenate([src, jnp.zeros((pad,), jnp.int32)]).reshape(TROWS, CW)
  dst2 = jnp.concatenate([dst, jnp.full((pad,), N, jnp.int32)]).reshape(TROWS, CW)

  degp = _sc_degree(dst2)
  y1 = _tc_prep(degp, x)
  s1 = _sc_scatter(y1, src2, dst2)
  h, y2 = _tc_layer1(degp, s1, x, W1.astype(jnp.float32), b1.reshape(1, H))
  s2 = _sc_scatter(y2, src2, dst2)
  z, mu, logstd = _tc_layer2(degp, s2, h, Wmu, bmu.reshape(1, H),
                             Wls, bls.reshape(1, H), noise)
  return (z, mu, logstd)

# --- scband reference (transcript-rebuilt; emitter-appended) ---
"""Pipeline reference for scband-encoder-23639499997379 (READ-ONLY COPY).

The authoritative reference and input builder live on the scoring server;
editing this copy changes nothing except your own understanding.
"""

import jax, jax.numpy as jnp
import numpy as np

N = 10000
E = 320000
D = 128
H = 128


def gcn_conv(x, edge_index, W, b):
    n = x.shape[0]
    src = edge_index[0]
    dst = edge_index[1]
    loop = jnp.arange(n, dtype=src.dtype)
    src = jnp.concatenate([src, loop])
    dst = jnp.concatenate([dst, loop])
    deg = jnp.zeros((n,), jnp.float32).at[dst].add(1.0)
    dinv = jnp.where(deg > 0, jax.lax.rsqrt(deg), 0.0)
    norm = dinv[src] * dinv[dst]
    h = x @ W
    msg = jnp.take(h, src, axis=0) * norm[:, None]
    out = jnp.zeros((n, h.shape[1]), h.dtype).at[dst].add(msg)
    return out + b


def glorot(key, fan_in, fan_out):
    s = float(np.sqrt(6.0 / (fan_in + fan_out)))
    return jax.random.uniform(key, (fan_in, fan_out), jnp.float32, -s, s)


def setup_inputs(seed: int = 0):
    key = jax.random.key(seed)
    ks = jax.random.split(key, 8)
    x = jax.random.normal(ks[0], (N, D), jnp.float32)
    edge_index = jax.random.randint(ks[1], (2, E), 0, N)
    W1 = glorot(ks[2], D, H)
    b1 = jnp.zeros((H,), jnp.float32)
    Wmu = glorot(ks[3], H, H)
    bmu = jnp.zeros((H,), jnp.float32)
    Wls = glorot(ks[4], H, H)
    bls = jnp.zeros((H,), jnp.float32)
    noise = jax.random.normal(ks[5], (N, H), jnp.float32)
    return {"x": x, "edge_index": edge_index, "W1": W1, "b1": b1, "Wmu": Wmu, "bmu": bmu, "Wls": Wls, "bls": bls, "noise": noise}


def reference(x, edge_index, W1, b1, Wmu, bmu, Wls, bls, noise):
    h = jax.nn.relu(gcn_conv(x, edge_index, W1, b1))
    mu = gcn_conv(h, edge_index, Wmu, bmu)
    logstd = gcn_conv(h, edge_index, Wls, bls)
    std = jnp.exp(logstd)
    z = mu + std * noise
    return (z, mu, logstd)

if __name__ == "__main__":
    import jax
    _d = setup_inputs()
    print(jax.jit(kernel)(*tuple(_d.values())))

</pallas_src>

<mosaic_0001>
#map = affine_map<(d0, d1) -> (0, 0)>
module attributes {stable_mosaic.version = 14 : i64} {
  func.func @deg_kernel(%arg0: i32, %arg1: i32, %arg2: memref<2560x128xi32, #tpu.memory_space<hbm>>, %arg3: memref<20000x16xf32, #tpu.memory_space<hbm>>, %arg4: memref<80x128xi32, #tpu.memory_space<vmem>>, %arg5: memref<128x16xf32, #tpu.memory_space<vmem>>, %arg6: memref<128x16xf32, #tpu.memory_space<vmem>>, %arg7: memref<10008x16xf32, #tpu.memory_space<vmem_shared>>, %arg8: memref<!tpu.dma_semaphore, #tpu.memory_space<semaphore_mem>>) attributes {dimension_semantics = [#tpu.dimension_semantics<core_parallel>, #tpu.dimension_semantics<subcore_parallel>], iteration_bounds = array<i64: 2, 16>, scalar_prefetch = 0 : i64, scratch_operands = 5 : i64, tpu.core_type = #tpu.core_type<sc_vector_subcore>, window_params = [{transform_indices = #map}, {transform_indices = #map}]} {
    %mul3A = arith.constant 2 : i32
    %mul3A_0 = arith.muli %arg1, %mul3A : i32
    %add3A = arith.addi %mul3A_0, %arg0 : i32
    %scan3A = arith.constant 0 : i32
    %scan3A_1 = arith.constant 128 : i32
    %scan3A_2 = arith.addi %scan3A, %scan3A_1 : i32
    %scan3A_3 = arith.constant 1 : i32
    scf.for %scan3A_34 = %scan3A to %scan3A_2 step %scan3A_3  : i32 {
      %mul3A_35 = arith.constant 1 : i32
      %mul3A_36 = arith.muli %scan3A_34, %mul3A_35 : i32
      %add3A_37 = arith.constant 0 : i32
      %add3A_38 = arith.addi %add3A_37, %mul3A_36 : i32
      %broadcast_in_dim3A = arith.constant 1.000000e+00 : f32
      %broadcast_in_dim3A_39 = vector.broadcast %broadcast_in_dim3A : f32 to vector<16xf32>
      %swap3A = arith.index_cast %add3A_38 : i32 to index
      %swap3A_40 = arith.constant 0 : index
      %swap3A_41 = tpu.vector_load %arg5[%swap3A, %swap3A_40] {strides = array<i32>} : memref<128x16xf32, #tpu.memory_space<vmem>>, vector<1x16xf32>,
      %swap3A_42 = vector.shape_cast %swap3A_41 : vector<1x16xf32> to vector<16xf32>
      %swap3A_43 = vector.shape_cast %broadcast_in_dim3A_39 : vector<16xf32> to vector<1x16xf32>
      tpu.vector_store %arg5[%swap3A, %swap3A_40], %swap3A_43 {strides = array<i32>} : memref<128x16xf32, #tpu.memory_space<vmem>>, vector<1x16xf32>,
      %broadcast_in_dim3A_44 = arith.constant 0.000000e+00 : f32
      %broadcast_in_dim3A_45 = vector.broadcast %broadcast_in_dim3A_44 : f32 to vector<16xf32>
      %swap3A_46 = arith.index_cast %add3A_38 : i32 to index
      %swap3A_47 = arith.constant 0 : index
      %swap3A_48 = tpu.vector_load %arg6[%swap3A_46, %swap3A_47] {strides = array<i32>} : memref<128x16xf32, #tpu.memory_space<vmem>>, vector<1x16xf32>,
      %swap3A_49 = vector.shape_cast %swap3A_48 : vector<1x16xf32> to vector<16xf32>
      %swap3A_50 = vector.shape_cast %broadcast_in_dim3A_45 : vector<16xf32> to vector<1x16xf32>
      tpu.vector_store %arg6[%swap3A_46, %swap3A_47], %swap3A_50 {strides = array<i32>} : memref<128x16xf32, #tpu.memory_space<vmem>>, vector<1x16xf32>,
    }
    %scan3A_4 = arith.constant 128 : i32
    %scan3A_5 = arith.constant 0 : i32
    %scan3A_6 = arith.constant 4 : i32
    %scan3A_7 = arith.addi %scan3A_5, %scan3A_6 : i32
    %scan3A_8 = arith.constant 1 : i32
    scf.for %scan3A_34 = %scan3A_5 to %scan3A_7 step %scan3A_8  : i32 {
      %mul3A_35 = arith.constant 1 : i32
      %mul3A_36 = arith.muli %scan3A_34, %mul3A_35 : i32
      %add3A_37 = arith.constant 0 : i32
      %add3A_38 = arith.addi %add3A_37, %mul3A_36 : i32
      %mul3A_39 = arith.constant 632 : i32
      %mul3A_40 = arith.muli %arg1, %mul3A_39 : i32
      %mul3A_41 = arith.constant 128 : i32
      %mul3A_42 = arith.muli %add3A_38, %mul3A_41 : i32
      %add3A_43 = arith.addi %mul3A_40, %mul3A_42 : i32
      "tpu.region"() ({
        %run_scoped3A = tpu.sem_alloc : memref<!tpu.dma_semaphore, #tpu.memory_space<semaphore_mem>>
        %dma_start3A = arith.constant 0 : i32
        %dma_start3A_44 = tpu.memref_slice %arg7[%add3A_43, %dma_start3A] : memref<10008x16xf32, #tpu.memory_space<vmem_shared>> -> memref<128x16xf32, #tpu.memory_space<vmem_shared>>
        %dma_start3A_45 = arith.constant 0 : i32
        %dma_start3A_46 = tpu.memref_slice %arg7[%add3A_43, %dma_start3A_45] : memref<10008x16xf32, #tpu.memory_space<vmem_shared>> -> memref<128x16xf32, #tpu.memory_space<vmem_shared>>
        tpu.enqueue_dma source(%arg6 : memref<128x16xf32, #tpu.memory_space<vmem>>) target(%dma_start3A_46 : memref<128x16xf32, #tpu.memory_space<vmem_shared>>) target_semaphore(%run_scoped3A : memref<!tpu.dma_semaphore, #tpu.memory_space<semaphore_mem>>)
        %dma_wait3A = arith.constant 0 : i32
        %dma_wait3A_47 = tpu.memref_slice %arg7[%add3A_43, %dma_wait3A] : memref<10008x16xf32, #tpu.memory_space<vmem_shared>> -> memref<128x16xf32, #tpu.memory_space<vmem_shared>>
        %dma_wait3A_48 = arith.constant 0 : i32
        %dma_wait3A_49 = tpu.memref_slice %arg7[%add3A_43, %dma_wait3A_48] : memref<10008x16xf32, #tpu.memory_space<vmem_shared>> -> memref<128x16xf32, #tpu.memory_space<vmem_shared>>
        tpu.wait_dma2 semaphore(%run_scoped3A : memref<!tpu.dma_semaphore, #tpu.memory_space<semaphore_mem>>) src(%arg6 : memref<128x16xf32, #tpu.memory_space<vmem>>) dst(%dma_wait3A_49 : memref<128x16xf32, #tpu.memory_space<vmem_shared>>)
        tpu.yield
      }) : () -> ()
    }
    %scan3A_9 = arith.constant 4 : i32
    %lt3A = arith.constant 15 : i32
    %lt3A_10 = arith.cmpi slt, %arg1, %lt3A : i32
    %convert_element_type3A = arith.extui %lt3A_10 : i1 to i32
    %cond3A = arith.constant 0 : i32
    %cond3A_11 = arith.cmpi ne, %convert_element_type3A, %cond3A : i32
    scf.if %cond3A_11 {
      %mul3A_34 = arith.constant 632 : i32
      %mul3A_35 = arith.muli %arg1, %mul3A_34 : i32
      %add3A_36 = arith.constant 512 : i32
      %add3A_37 = arith.addi %mul3A_35, %add3A_36 : i32
      "tpu.region"() ({
        %run_scoped3A = tpu.sem_alloc : memref<!tpu.dma_semaphore, #tpu.memory_space<semaphore_mem>>
        %dma_start3A = arith.constant 0 : i32
        %dma_start3A_38 = arith.constant 0 : i32
        %dma_start3A_39 = tpu.memref_slice %arg6[%dma_start3A, %dma_start3A_38] : memref<128x16xf32, #tpu.memory_space<vmem>> -> memref<120x16xf32, #tpu.memory_space<vmem>>
        %dma_start3A_40 = arith.constant 0 : i32
        %dma_start3A_41 = tpu.memref_slice %arg7[%add3A_37, %dma_start3A_40] : memref<10008x16xf32, #tpu.memory_space<vmem_shared>> -> memref<120x16xf32, #tpu.memory_space<vmem_shared>>
        %dma_start3A_42 = arith.constant 0 : i32
        %dma_start3A_43 = tpu.memref_slice %arg7[%add3A_37, %dma_start3A_42] : memref<10008x16xf32, #tpu.memory_space<vmem_shared>> -> memref<120x16xf32, #tpu.memory_space<vmem_shared>>
        %dma_start3A_44 = arith.constant 0 : i32
        %dma_start3A_45 = arith.constant 0 : i32
        %dma_start3A_46 = tpu.memref_slice %arg6[%dma_start3A_44, %dma_start3A_45] : memref<128x16xf32, #tpu.memory_space<vmem>> -> memref<120x16xf32, #tpu.memory_space<vmem>>
        tpu.enqueue_dma source(%dma_start3A_46 : memref<120x16xf32, #tpu.memory_space<vmem>>) target(%dma_start3A_43 : memref<120x16xf32, #tpu.memory_space<vmem_shared>>) target_semaphore(%run_scoped3A : memref<!tpu.dma_semaphore, #tpu.memory_space<semaphore_mem>>)
        %dma_wait3A = arith.constant 0 : i32
        %dma_wait3A_47 = arith.constant 0 : i32
        %dma_wait3A_48 = tpu.memref_slice %arg6[%dma_wait3A, %dma_wait3A_47] : memref<128x16xf32, #tpu.memory_space<vmem>> -> memref<120x16xf32, #tpu.memory_space<vmem>>
        %dma_wait3A_49 = arith.constant 0 : i32
        %dma_wait3A_50 = tpu.memref_slice %arg7[%add3A_37, %dma_wait3A_49] : memref<10008x16xf32, #tpu.memory_space<vmem_shared>> -> memref<120x16xf32, #tpu.memory_space<vmem_shared>>
        %dma_wait3A_51 = arith.constant 0 : i32
        %dma_wait3A_52 = tpu.memref_slice %arg7[%add3A_37, %dma_wait3A_51] : memref<10008x16xf32, #tpu.memory_space<vmem_shared>> -> memref<120x16xf32, #tpu.memory_space<vmem_shared>>
        %dma_wait3A_53 = arith.constant 0 : i32
        %dma_wait3A_54 = arith.constant 0 : i32
        %dma_wait3A_55 = tpu.memref_slice %arg6[%dma_wait3A_53, %dma_wait3A_54] : memref<128x16xf32, #tpu.memory_space<vmem>> -> memref<120x16xf32, #tpu.memory_space<vmem>>
        tpu.wait_dma2 semaphore(%run_scoped3A : memref<!tpu.dma_semaphore, #tpu.memory_space<semaphore_mem>>) src(%dma_wait3A_55 : memref<120x16xf32, #tpu.memory_space<vmem>>) dst(%dma_wait3A_52 : memref<120x16xf32, #tpu.memory_space<vmem_shared>>)
        tpu.yield
      }) : () -> ()
    } else {
    }
    %eq3A = arith.constant 15 : i32
    %eq3A_12 = arith.cmpi eq, %arg1, %eq3A : i32
    %convert_element_type3A_13 = arith.extui %eq3A_12 : i1 to i32
    %cond3A_14 = arith.constant 0 : i32
    %cond3A_15 = arith.cmpi ne, %convert_element_type3A_13, %cond3A_14 : i32
    scf.if %cond3A_15 {
      "tpu.region"() ({
        %run_scoped3A = tpu.sem_alloc : memref<!tpu.dma_semaphore, #tpu.memory_space<semaphore_mem>>
        %dma_start3A = arith.constant 0 : i32
        %dma_start3A_34 = arith.constant 0 : i32
        %dma_start3A_35 = tpu.memref_slice %arg6[%dma_start3A, %dma_start3A_34] : memref<128x16xf32, #tpu.memory_space<vmem>> -> memref<16x16xf32, #tpu.memory_space<vmem>>
        %dma_start3A_36 = arith.constant 9992 : i32
        %dma_start3A_37 = arith.constant 0 : i32
        %dma_start3A_38 = tpu.memref_slice %arg7[%dma_start3A_36, %dma_start3A_37] : memref<10008x16xf32, #tpu.memory_space<vmem_shared>> -> memref<16x16xf32, #tpu.memory_space<vmem_shared>>
        %dma_start3A_39 = arith.constant 9992 : i32
        %dma_start3A_40 = arith.constant 0 : i32
        %dma_start3A_41 = tpu.memref_slice %arg7[%dma_start3A_39, %dma_start3A_40] : memref<10008x16xf32, #tpu.memory_space<vmem_shared>> -> memref<16x16xf32, #tpu.memory_space<vmem_shared>>
        %dma_start3A_42 = arith.constant 0 : i32
        %dma_start3A_43 = arith.constant 0 : i32
        %dma_start3A_44 = tpu.memref_slice %arg6[%dma_start3A_42, %dma_start3A_43] : memref<128x16xf32, #tpu.memory_space<vmem>> -> memref<16x16xf32, #tpu.memory_space<vmem>>
        tpu.enqueue_dma source(%dma_start3A_44 : memref<16x16xf32, #tpu.memory_space<vmem>>) target(%dma_start3A_41 : memref<16x16xf32, #tpu.memory_space<vmem_shared>>) target_semaphore(%run_scoped3A : memref<!tpu.dma_semaphore, #tpu.memory_space<semaphore_mem>>)
        %dma_wait3A = arith.constant 0 : i32
        %dma_wait3A_45 = arith.constant 0 : i32
        %dma_wait3A_46 = tpu.memref_slice %arg6[%dma_wait3A, %dma_wait3A_45] : memref<128x16xf32, #tpu.memory_space<vmem>> -> memref<16x16xf32, #tpu.memory_space<vmem>>
        %dma_wait3A_47 = arith.constant 9992 : i32
        %dma_wait3A_48 = arith.constant 0 : i32
        %dma_wait3A_49 = tpu.memref_slice %arg7[%dma_wait3A_47, %dma_wait3A_48] : memref<10008x16xf32, #tpu.memory_space<vmem_shared>> -> memref<16x16xf32, #tpu.memory_space<vmem_shared>>
        %dma_wait3A_50 = arith.constant 9992 : i32
        %dma_wait3A_51 = arith.constant 0 : i32
        %dma_wait3A_52 = tpu.memref_slice %arg7[%dma_wait3A_50, %dma_wait3A_51] : memref<10008x16xf32, #tpu.memory_space<vmem_shared>> -> memref<16x16xf32, #tpu.memory_space<vmem_shared>>
        %dma_wait3A_53 = arith.constant 0 : i32
        %dma_wait3A_54 = arith.constant 0 : i32
        %dma_wait3A_55 = tpu.memref_slice %arg6[%dma_wait3A_53, %dma_wait3A_54] : memref<128x16xf32, #tpu.memory_space<vmem>> -> memref<16x16xf32, #tpu.memory_space<vmem>>
        tpu.wait_dma2 semaphore(%run_scoped3A : memref<!tpu.dma_semaphore, #tpu.memory_space<semaphore_mem>>) src(%dma_wait3A_55 : memref<16x16xf32, #tpu.memory_space<vmem>>) dst(%dma_wait3A_52 : memref<16x16xf32, #tpu.memory_space<vmem_shared>>)
        tpu.yield
      }) : () -> ()
    } else {
    }
    %barrier3A = arith.constant 0 : index
    tpu.barrier barrier_id(%barrier3A)
    %mul3A_16 = arith.constant 80 : i32
    %mul3A_17 = arith.muli %add3A, %mul3A_16 : i32
    "tpu.region"() ({
      %run_scoped3A = tpu.sem_alloc : memref<!tpu.dma_semaphore, #tpu.memory_space<semaphore_mem>>
      %dma_start3A = arith.constant 0 : i32
      %dma_start3A_34 = tpu.memref_slice %arg2[%mul3A_17, %dma_start3A] : memref<2560x128xi32, #tpu.memory_space<hbm>> -> memref<80x128xi32, #tpu.memory_space<hbm>>
      %dma_start3A_35 = arith.constant 0 : i32
      %dma_start3A_36 = tpu.memref_slice %arg2[%mul3A_17, %dma_start3A_35] : memref<2560x128xi32, #tpu.memory_space<hbm>> -> memref<80x128xi32, #tpu.memory_space<hbm>>
      tpu.enqueue_dma source(%dma_start3A_36 : memref<80x128xi32, #tpu.memory_space<hbm>>) target(%arg4 : memref<80x128xi32, #tpu.memory_space<vmem>>) target_semaphore(%run_scoped3A : memref<!tpu.dma_semaphore, #tpu.memory_space<semaphore_mem>>)
      %dma_wait3A = arith.constant 0 : i32
      %dma_wait3A_37 = tpu.memref_slice %arg2[%mul3A_17, %dma_wait3A] : memref<2560x128xi32, #tpu.memory_space<hbm>> -> memref<80x128xi32, #tpu.memory_space<hbm>>
      %dma_wait3A_38 = arith.constant 0 : i32
      %dma_wait3A_39 = tpu.memref_slice %arg2[%mul3A_17, %dma_wait3A_38] : memref<2560x128xi32, #tpu.memory_space<hbm>> -> memref<80x128xi32, #tpu.memory_space<hbm>>
      tpu.wait_dma2 semaphore(%run_scoped3A : memref<!tpu.dma_semaphore, #tpu.memory_space<semaphore_mem>>) src(%dma_wait3A_39 : memref<80x128xi32, #tpu.memory_space<hbm>>) dst(%arg4 : memref<80x128xi32, #tpu.memory_space<vmem>>)
      tpu.yield
    }) : () -> ()
    %scan3A_18 = arith.constant 0 : i32
    %scan3A_19 = arith.constant 80 : i32
    %scan3A_20 = arith.addi %scan3A_18, %scan3A_19 : i32
    %scan3A_21 = arith.constant 1 : i32
    scf.for %scan3A_34 = %scan3A_18 to %scan3A_20 step %scan3A_21  : i32 {
      %mul3A_35 = arith.constant 1 : i32
      %mul3A_36 = arith.muli %scan3A_34, %mul3A_35 : i32
      %add3A_37 = arith.constant 0 : i32
      %add3A_38 = arith.addi %add3A_37, %mul3A_36 : i32
      "tpu.region"() ({
        %run_scoped3A = tpu.sem_alloc : memref<!tpu.dma_semaphore, #tpu.memory_space<semaphore_mem>>
        %dma_start3A = arith.constant 0 : i32
        %dma_start3A_39 = tpu.memref_slice %arg4[%add3A_38, %dma_start3A] : memref<80x128xi32, #tpu.memory_space<vmem>> -> memref<1x128xi32, #tpu.memory_space<vmem>>
        %dma_start3A_40 = tpu.memref_squeeze %dma_start3A_39 : memref<1x128xi32, #tpu.memory_space<vmem>> -> memref<128xi32, #tpu.memory_space<vmem>>
        %dma_start3A_41 = arith.constant 0 : i32
        %dma_start3A_42 = arith.constant 0 : i32
        %dma_start3A_43 = tpu.memref_slice %arg7[%dma_start3A_41, %dma_start3A_42] : memref<10008x16xf32, #tpu.memory_space<vmem_shared>> -> memref<10008x16xf32, #tpu.memory_space<vmem_shared>>
        tpu.enqueue_indirect_dma source(%arg5 : memref<128x16xf32, #tpu.memory_space<vmem>>) target(%dma_start3A_43 : memref<10008x16xf32, #tpu.memory_space<vmem_shared>>) offsets(%dma_start3A_40 : memref<128xi32, #tpu.memory_space<vmem>>) semaphore(%run_scoped3A : memref<!tpu.dma_semaphore, #tpu.memory_space<semaphore_mem>>) {add = true}
        %dma_wait3A = arith.constant 0 : i32
        %dma_wait3A_44 = tpu.memref_slice %arg4[%add3A_38, %dma_wait3A] : memref<80x128xi32, #tpu.memory_space<vmem>> -> memref<1x128xi32, #tpu.memory_space<vmem>>
        %dma_wait3A_45 = tpu.memref_squeeze %dma_wait3A_44 : memref<1x128xi32, #tpu.memory_space<vmem>> -> memref<128xi32, #tpu.memory_space<vmem>>
        %dma_wait3A_46 = arith.constant 0 : i32
        %dma_wait3A_47 = arith.constant 0 : i32
        %dma_wait3A_48 = tpu.memref_slice %arg7[%dma_wait3A_46, %dma_wait3A_47] : memref<10008x16xf32, #tpu.memory_space<vmem_shared>> -> memref<10008x16xf32, #tpu.memory_space<vmem_shared>>
        tpu.wait_indirect_dma semaphore(%run_scoped3A : memref<!tpu.dma_semaphore, #tpu.memory_space<semaphore_mem>>) src(%arg5 : memref<128x16xf32, #tpu.memory_space<vmem>>) dst(%dma_wait3A_48 : memref<10008x16xf32, #tpu.memory_space<vmem_shared>>)
        tpu.yield
      }) : () -> ()
    }
    %scan3A_22 = arith.constant 80 : i32
    %barrier3A_23 = arith.constant 0 : index
    tpu.barrier barrier_id(%barrier3A_23)
    %lt3A_24 = arith.constant 15 : i32
    %lt3A_25 = arith.cmpi slt, %arg1, %lt3A_24 : i32
    %convert_element_type3A_26 = arith.extui %lt3A_25 : i1 to i32
    %cond3A_27 = arith.constant 0 : i32
    %cond3A_28 = arith.cmpi ne, %convert_element_type3A_26, %cond3A_27 : i32
    scf.if %cond3A_28 {
      %mul3A_34 = arith.constant 632 : i32
      %mul3A_35 = arith.muli %arg1, %mul3A_34 : i32
      %mul3A_36 = arith.constant 10000 : i32
      %mul3A_37 = arith.muli %arg0, %mul3A_36 : i32
      %mul3A_38 = arith.constant 632 : i32
      %mul3A_39 = arith.muli %arg1, %mul3A_38 : i32
      %add3A_40 = arith.addi %mul3A_37, %mul3A_39 : i32
      "tpu.region"() ({
        %run_scoped3A = tpu.sem_alloc : memref<!tpu.dma_semaphore, #tpu.memory_space<semaphore_mem>>
        %dma_start3A = arith.constant 0 : i32
        %dma_start3A_41 = tpu.memref_slice %arg3[%add3A_40, %dma_start3A] : memref<20000x16xf32, #tpu.memory_space<hbm>> -> memref<632x16xf32, #tpu.memory_space<hbm>>
        %dma_start3A_42 = arith.constant 0 : i32
        %dma_start3A_43 = tpu.memref_slice %arg7[%mul3A_35, %dma_start3A_42] : memref<10008x16xf32, #tpu.memory_space<vmem_shared>> -> memref<632x16xf32, #tpu.memory_space<vmem_shared>>
        tpu.enqueue_dma source(%dma_start3A_43 : memref<632x16xf32, #tpu.memory_space<vmem_shared>>) target(%dma_start3A_41 : memref<632x16xf32, #tpu.memory_space<hbm>>) target_semaphore(%run_scoped3A : memref<!tpu.dma_semaphore, #tpu.memory_space<semaphore_mem>>)
        %dma_wait3A = arith.constant 0 : i32
        %dma_wait3A_44 = tpu.memref_slice %arg3[%add3A_40, %dma_wait3A] : memref<20000x16xf32, #tpu.memory_space<hbm>> -> memref<632x16xf32, #tpu.memory_space<hbm>>
        %dma_wait3A_45 = arith.constant 0 : i32
        %dma_wait3A_46 = tpu.memref_slice %arg7[%mul3A_35, %dma_wait3A_45] : memref<10008x16xf32, #tpu.memory_space<vmem_shared>> -> memref<632x16xf32, #tpu.memory_space<vmem_shared>>
        tpu.wait_dma2 semaphore(%run_scoped3A : memref<!tpu.dma_semaphore, #tpu.memory_space<semaphore_mem>>) src(%dma_wait3A_46 : memref<632x16xf32, #tpu.memory_space<vmem_shared>>) dst(%dma_wait3A_44 : memref<632x16xf32, #tpu.memory_space<hbm>>)
        tpu.yield
      }) : () -> ()
    } else {
    }
    %eq3A_29 = arith.constant 15 : i32
    %eq3A_30 = arith.cmpi eq, %arg1, %eq3A_29 : i32
    %convert_element_type3A_31 = arith.extui %eq3A_30 : i1 to i32
    %cond3A_32 = arith.constant 0 : i32
    %cond3A_33 = arith.cmpi ne, %convert_element_type3A_31, %cond3A_32 : i32
    scf.if %cond3A_33 {
      %mul3A_34 = arith.constant 10000 : i32
      %mul3A_35 = arith.muli %arg0, %mul3A_34 : i32
      %add3A_36 = arith.constant 9480 : i32
      %add3A_37 = arith.addi %mul3A_35, %add3A_36 : i32
      "tpu.region"() ({
        %run_scoped3A = tpu.sem_alloc : memref<!tpu.dma_semaphore, #tpu.memory_space<semaphore_mem>>
        %dma_start3A = arith.constant 0 : i32
        %dma_start3A_38 = tpu.memref_slice %arg3[%add3A_37, %dma_start3A] : memref<20000x16xf32, #tpu.memory_space<hbm>> -> memref<520x16xf32, #tpu.memory_space<hbm>>
        %dma_start3A_39 = arith.constant 9480 : i32
        %dma_start3A_40 = arith.constant 0 : i32
        %dma_start3A_41 = tpu.memref_slice %arg7[%dma_start3A_39, %dma_start3A_40] : memref<10008x16xf32, #tpu.memory_space<vmem_shared>> -> memref<520x16xf32, #tpu.memory_space<vmem_shared>>
        tpu.enqueue_dma source(%dma_start3A_41 : memref<520x16xf32, #tpu.memory_space<vmem_shared>>) target(%dma_start3A_38 : memref<520x16xf32, #tpu.memory_space<hbm>>) target_semaphore(%run_scoped3A : memref<!tpu.dma_semaphore, #tpu.memory_space<semaphore_mem>>)
        %dma_wait3A = arith.constant 0 : i32
        %dma_wait3A_42 = tpu.memref_slice %arg3[%add3A_37, %dma_wait3A] : memref<20000x16xf32, #tpu.memory_space<hbm>> -> memref<520x16xf32, #tpu.memory_space<hbm>>
        %dma_wait3A_43 = arith.constant 9480 : i32
        %dma_wait3A_44 = arith.constant 0 : i32
        %dma_wait3A_45 = tpu.memref_slice %arg7[%dma_wait3A_43, %dma_wait3A_44] : memref<10008x16xf32, #tpu.memory_space<vmem_shared>> -> memref<520x16xf32, #tpu.memory_space<vmem_shared>>
        tpu.wait_dma2 semaphore(%run_scoped3A : memref<!tpu.dma_semaphore, #tpu.memory_space<semaphore_mem>>) src(%dma_wait3A_45 : memref<520x16xf32, #tpu.memory_space<vmem_shared>>) dst(%dma_wait3A_42 : memref<520x16xf32, #tpu.memory_space<hbm>>)
        tpu.yield
      }) : () -> ()
    } else {
    }
    return
  }
}

#map = affine_map<(d0, d1) -> (0, 0)>
module attributes {stable_mosaic.version = 14 : i64} {
  func.func @scat_kernel(%arg0: i32, %arg1: i32, %arg2: memref<10000x128xf32, #tpu.memory_space<hbm>>, %arg3: memref<2560x128xi32, #tpu.memory_space<hbm>>, %arg4: memref<2560x128xi32, #tpu.memory_space<hbm>>, %arg5: memref<20000x128xf32, #tpu.memory_space<hbm>>, %arg6: memref<40x128xi32, #tpu.memory_space<vmem>>, %arg7: memref<40x128xi32, #tpu.memory_space<vmem>>, %arg8: memref<128x128xf32, #tpu.memory_space<vmem>>, %arg9: memref<128x128xf32, #tpu.memory_space<vmem>>, %arg10: memref<10008x128xf32, #tpu.memory_space<vmem_shared>>, %arg11: memref<!tpu.dma_semaphore, #tpu.memory_space<semaphore_mem>>, %arg12: memref<!tpu.dma_semaphore, #tpu.memory_space<semaphore_mem>>, %arg13: memref<!tpu.dma_semaphore, #tpu.memory_space<semaphore_mem>>, %arg14: memref<!tpu.dma_semaphore, #tpu.memory_space<semaphore_mem>>) attributes {dimension_semantics = [#tpu.dimension_semantics<core_parallel>, #tpu.dimension_semantics<subcore_parallel>], iteration_bounds = array<i64: 2, 16>, scalar_prefetch = 0 : i64, scratch_operands = 9 : i64, tpu.core_type = #tpu.core_type<sc_vector_subcore>, window_params = [{transform_indices = #map}, {transform_indices = #map}, {transform_indices = #map}, {transform_indices = #map}]} {
    %mul3A = arith.constant 2 : i32
    %mul3A_0 = arith.muli %arg1, %mul3A : i32
    %add3A = arith.addi %mul3A_0, %arg0 : i32
    %scan3A = arith.constant 0 : i32
    %scan3A_1 = arith.constant 128 : i32
    %scan3A_2 = arith.addi %scan3A, %scan3A_1 : i32
    %scan3A_3 = arith.constant 1 : i32
    scf.for %scan3A_99 = %scan3A to %scan3A_2 step %scan3A_3  : i32 {
      %mul3A_100 = arith.constant 1 : i32
      %mul3A_101 = arith.muli %scan3A_99, %mul3A_100 : i32
      %add3A_102 = arith.constant 0 : i32
      %add3A_103 = arith.addi %add3A_102, %mul3A_101 : i32
      %scan3A_104 = arith.constant 0 : i32
      %scan3A_105 = arith.constant 8 : i32
      %scan3A_106 = arith.addi %scan3A_104, %scan3A_105 : i32
      %scan3A_107 = arith.constant 1 : i32
      scf.for %scan3A_109 = %scan3A_104 to %scan3A_106 step %scan3A_107  : i32 {
        %mul3A_110 = arith.constant 16 : i32
        %mul3A_111 = arith.muli %scan3A_109, %mul3A_110 : i32
        %add3A_112 = arith.constant 0 : i32
        %add3A_113 = arith.addi %add3A_112, %mul3A_111 : i32
        %broadcast_in_dim3A = arith.constant 0.000000e+00 : f32
        %broadcast_in_dim3A_114 = vector.broadcast %broadcast_in_dim3A : f32 to vector<16xf32>
        %swap3A = arith.index_cast %add3A_103 : i32 to index
        %swap3A_115 = arith.index_cast %add3A_113 : i32 to index
        %swap3A_116 = tpu.vector_load %arg8[%swap3A, %swap3A_115] {strides = array<i32>} : memref<128x128xf32, #tpu.memory_space<vmem>>, vector<1x16xf32>,
        %swap3A_117 = vector.shape_cast %swap3A_116 : vector<1x16xf32> to vector<16xf32>
        %swap3A_118 = vector.shape_cast %broadcast_in_dim3A_114 : vector<16xf32> to vector<1x16xf32>
        tpu.vector_store %arg8[%swap3A, %swap3A_115], %swap3A_118 {strides = array<i32>} : memref<128x128xf32, #tpu.memory_space<vmem>>, vector<1x16xf32>,
      }
      %scan3A_108 = arith.constant 8 : i32
    }
    %scan3A_4 = arith.constant 128 : i32
    %scan3A_5 = arith.constant 0 : i32
    %scan3A_6 = arith.constant 4 : i32
    %scan3A_7 = arith.addi %scan3A_5, %scan3A_6 : i32
    %scan3A_8 = arith.constant 1 : i32
    scf.for %scan3A_99 = %scan3A_5 to %scan3A_7 step %scan3A_8  : i32 {
      %mul3A_100 = arith.constant 1 : i32
      %mul3A_101 = arith.muli %scan3A_99, %mul3A_100 : i32
      %add3A_102 = arith.constant 0 : i32
      %add3A_103 = arith.addi %add3A_102, %mul3A_101 : i32
      %mul3A_104 = arith.constant 632 : i32
      %mul3A_105 = arith.muli %arg1, %mul3A_104 : i32
      %mul3A_106 = arith.constant 128 : i32
      %mul3A_107 = arith.muli %add3A_103, %mul3A_106 : i32
      %add3A_108 = arith.addi %mul3A_105, %mul3A_107 : i32
      "tpu.region"() ({
        %run_scoped3A = tpu.sem_alloc : memref<!tpu.dma_semaphore, #tpu.memory_space<semaphore_mem>>
        %dma_start3A_109 = arith.constant 0 : i32
        %dma_start3A_110 = tpu.memref_slice %arg10[%add3A_108, %dma_start3A_109] : memref<10008x128xf32, #tpu.memory_space<vmem_shared>> -> memref<128x128xf32, #tpu.memory_space<vmem_shared>>
        %dma_start3A_111 = arith.constant 0 : i32
        %dma_start3A_112 = tpu.memref_slice %arg10[%add3A_108, %dma_start3A_111] : memref<10008x128xf32, #tpu.memory_space<vmem_shared>> -> memref<128x128xf32, #tpu.memory_space<vmem_shared>>
        tpu.enqueue_dma source(%arg8 : memref<128x128xf32, #tpu.memory_space<vmem>>) target(%dma_start3A_112 : memref<128x128xf32, #tpu.memory_space<vmem_shared>>) target_semaphore(%run_scoped3A : memref<!tpu.dma_semaphore, #tpu.memory_space<semaphore_mem>>)
        %dma_wait3A_113 = arith.constant 0 : i32
        %dma_wait3A_114 = tpu.memref_slice %arg10[%add3A_108, %dma_wait3A_113] : memref<10008x128xf32, #tpu.memory_space<vmem_shared>> -> memref<128x128xf32, #tpu.memory_space<vmem_shared>>
        %dma_wait3A_115 = arith.constant 0 : i32
        %dma_wait3A_116 = tpu.memref_slice %arg10[%add3A_108, %dma_wait3A_115] : memref<10008x128xf32, #tpu.memory_space<vmem_shared>> -> memref<128x128xf32, #tpu.memory_space<vmem_shared>>
        tpu.wait_dma2 semaphore(%run_scoped3A : memref<!tpu.dma_semaphore, #tpu.memory_space<semaphore_mem>>) src(%arg8 : memref<128x128xf32, #tpu.memory_space<vmem>>) dst(%dma_wait3A_116 : memref<128x128xf32, #tpu.memory_space<vmem_shared>>)
        tpu.yield
      }) : () -> ()
    }
    %scan3A_9 = arith.constant 4 : i32
    %lt3A = arith.constant 15 : i32
    %lt3A_10 = arith.cmpi slt, %arg1, %lt3A : i32
    %convert_element_type3A = arith.extui %lt3A_10 : i1 to i32
    %cond3A = arith.constant 0 : i32
    %cond3A_11 = arith.cmpi ne, %convert_element_type3A, %cond3A : i32
    scf.if %cond3A_11 {
      %mul3A_99 = arith.constant 632 : i32
      %mul3A_100 = arith.muli %arg1, %mul3A_99 : i32
      %add3A_101 = arith.constant 512 : i32
      %add3A_102 = arith.addi %mul3A_100, %add3A_101 : i32
      "tpu.region"() ({
        %run_scoped3A = tpu.sem_alloc : memref<!tpu.dma_semaphore, #tpu.memory_space<semaphore_mem>>
        %dma_start3A_103 = arith.constant 0 : i32
        %dma_start3A_104 = arith.constant 0 : i32
        %dma_start3A_105 = tpu.memref_slice %arg8[%dma_start3A_103, %dma_start3A_104] : memref<128x128xf32, #tpu.memory_space<vmem>> -> memref<120x128xf32, #tpu.memory_space<vmem>>
        %dma_start3A_106 = arith.constant 0 : i32
        %dma_start3A_107 = tpu.memref_slice %arg10[%add3A_102, %dma_start3A_106] : memref<10008x128xf32, #tpu.memory_space<vmem_shared>> -> memref<120x128xf32, #tpu.memory_space<vmem_shared>>
        %dma_start3A_108 = arith.constant 0 : i32
        %dma_start3A_109 = tpu.memref_slice %arg10[%add3A_102, %dma_start3A_108] : memref<10008x128xf32, #tpu.memory_space<vmem_shared>> -> memref<120x128xf32, #tpu.memory_space<vmem_shared>>
        %dma_start3A_110 = arith.constant 0 : i32
        %dma_start3A_111 = arith.constant 0 : i32
        %dma_start3A_112 = tpu.memref_slice %arg8[%dma_start3A_110, %dma_start3A_111] : memref<128x128xf32, #tpu.memory_space<vmem>> -> memref<120x128xf32, #tpu.memory_space<vmem>>
        tpu.enqueue_dma source(%dma_start3A_112 : memref<120x128xf32, #tpu.memory_space<vmem>>) target(%dma_start3A_109 : memref<120x128xf32, #tpu.memory_space<vmem_shared>>) target_semaphore(%run_scoped3A : memref<!tpu.dma_semaphore, #tpu.memory_space<semaphore_mem>>)
        %dma_wait3A_113 = arith.constant 0 : i32
        %dma_wait3A_114 = arith.constant 0 : i32
        %dma_wait3A_115 = tpu.memref_slice %arg8[%dma_wait3A_113, %dma_wait3A_114] : memref<128x128xf32, #tpu.memory_space<vmem>> -> memref<120x128xf32, #tpu.memory_space<vmem>>
        %dma_wait3A_116 = arith.constant 0 : i32
        %dma_wait3A_117 = tpu.memref_slice %arg10[%add3A_102, %dma_wait3A_116] : memref<10008x128xf32, #tpu.memory_space<vmem_shared>> -> memref<120x128xf32, #tpu.memory_space<vmem_shared>>
        %dma_wait3A_118 = arith.constant 0 : i32
        %dma_wait3A_119 = tpu.memref_slice %arg10[%add3A_102, %dma_wait3A_118] : memref<10008x128xf32, #tpu.memory_space<vmem_shared>> -> memref<120x128xf32, #tpu.memory_space<vmem_shared>>
        %dma_wait3A_120 = arith.constant 0 : i32
        %dma_wait3A_121 = arith.constant 0 : i32
        %dma_wait3A_122 = tpu.memref_slice %arg8[%dma_wait3A_120, %dma_wait3A_121] : memref<128x128xf32, #tpu.memory_space<vmem>> -> memref<120x128xf32, #tpu.memory_space<vmem>>
        tpu.wait_dma2 semaphore(%run_scoped3A : memref<!tpu.dma_semaphore, #tpu.memory_space<semaphore_mem>>) src(%dma_wait3A_122 : memref<120x128xf32, #tpu.memory_space<vmem>>) dst(%dma_wait3A_119 : memref<120x128xf32, #tpu.memory_space<vmem_shared>>)
        tpu.yield
      }) : () -> ()
    } else {
    }
    %eq3A = arith.constant 15 : i32
    %eq3A_12 = arith.cmpi eq, %arg1, %eq3A : i32
    %convert_element_type3A_13 = arith.extui %eq3A_12 : i1 to i32
    %cond3A_14 = arith.constant 0 : i32
    %cond3A_15 = arith.cmpi ne, %convert_element_type3A_13, %cond3A_14 : i32
    scf.if %cond3A_15 {
      "tpu.region"() ({
        %run_scoped3A = tpu.sem_alloc : memref<!tpu.dma_semaphore, #tpu.memory_space<semaphore_mem>>
        %dma_start3A_99 = arith.constant 0 : i32
        %dma_start3A_100 = arith.constant 0 : i32
        %dma_start3A_101 = tpu.memref_slice %arg8[%dma_start3A_99, %dma_start3A_100] : memref<128x128xf32, #tpu.memory_space<vmem>> -> memref<16x128xf32, #tpu.memory_space<vmem>>
        %dma_start3A_102 = arith.constant 9992 : i32
        %dma_start3A_103 = arith.constant 0 : i32
        %dma_start3A_104 = tpu.memref_slice %arg10[%dma_start3A_102, %dma_start3A_103] : memref<10008x128xf32, #tpu.memory_space<vmem_shared>> -> memref<16x128xf32, #tpu.memory_space<vmem_shared>>
        %dma_start3A_105 = arith.constant 9992 : i32
        %dma_start3A_106 = arith.constant 0 : i32
        %dma_start3A_107 = tpu.memref_slice %arg10[%dma_start3A_105, %dma_start3A_106] : memref<10008x128xf32, #tpu.memory_space<vmem_shared>> -> memref<16x128xf32, #tpu.memory_space<vmem_shared>>
        %dma_start3A_108 = arith.constant 0 : i32
        %dma_start3A_109 = arith.constant 0 : i32
        %dma_start3A_110 = tpu.memref_slice %arg8[%dma_start3A_108, %dma_start3A_109] : memref<128x128xf32, #tpu.memory_space<vmem>> -> memref<16x128xf32, #tpu.memory_space<vmem>>
        tpu.enqueue_dma source(%dma_start3A_110 : memref<16x128xf32, #tpu.memory_space<vmem>>) target(%dma_start3A_107 : memref<16x128xf32, #tpu.memory_space<vmem_shared>>) target_semaphore(%run_scoped3A : memref<!tpu.dma_semaphore, #tpu.memory_space<semaphore_mem>>)
        %dma_wait3A_111 = arith.constant 0 : i32
        %dma_wait3A_112 = arith.constant 0 : i32
        %dma_wait3A_113 = tpu.memref_slice %arg8[%dma_wait3A_111, %dma_wait3A_112] : memref<128x128xf32, #tpu.memory_space<vmem>> -> memref<16x128xf32, #tpu.memory_space<vmem>>
        %dma_wait3A_114 = arith.constant 9992 : i32
        %dma_wait3A_115 = arith.constant 0 : i32
        %dma_wait3A_116 = tpu.memref_slice %arg10[%dma_wait3A_114, %dma_wait3A_115] : memref<10008x128xf32, #tpu.memory_space<vmem_shared>> -> memref<16x128xf32, #tpu.memory_space<vmem_shared>>
        %dma_wait3A_117 = arith.constant 9992 : i32
        %dma_wait3A_118 = arith.constant 0 : i32
        %dma_wait3A_119 = tpu.memref_slice %arg10[%dma_wait3A_117, %dma_wait3A_118] : memref<10008x128xf32, #tpu.memory_space<vmem_shared>> -> memref<16x128xf32, #tpu.memory_space<vmem_shared>>
        %dma_wait3A_120 = arith.constant 0 : i32
        %dma_wait3A_121 = arith.constant 0 : i32
        %dma_wait3A_122 = tpu.memref_slice %arg8[%dma_wait3A_120, %dma_wait3A_121] : memref<128x128xf32, #tpu.memory_space<vmem>> -> memref<16x128xf32, #tpu.memory_space<vmem>>
        tpu.wait_dma2 semaphore(%run_scoped3A : memref<!tpu.dma_semaphore, #tpu.memory_space<semaphore_mem>>) src(%dma_wait3A_122 : memref<16x128xf32, #tpu.memory_space<vmem>>) dst(%dma_wait3A_119 : memref<16x128xf32, #tpu.memory_space<vmem_shared>>)
        tpu.yield
      }) : () -> ()
    } else {
    }
    %barrier3A = arith.constant 0 : index
    tpu.barrier barrier_id(%barrier3A)
    %mul3A_16 = arith.constant 80 : i32
    %mul3A_17 = arith.muli %add3A, %mul3A_16 : i32
    %add3A_18 = arith.constant 0 : i32
    %add3A_19 = arith.addi %mul3A_17, %add3A_18 : i32
    "tpu.region"() ({
      %run_scoped3A = tpu.sem_alloc : memref<!tpu.dma_semaphore, #tpu.memory_space<semaphore_mem>>
      %dma_start3A_99 = arith.constant 0 : i32
      %dma_start3A_100 = tpu.memref_slice %arg3[%add3A_19, %dma_start3A_99] : memref<2560x128xi32, #tpu.memory_space<hbm>> -> memref<40x128xi32, #tpu.memory_space<hbm>>
      %dma_start3A_101 = arith.constant 0 : i32
      %dma_start3A_102 = tpu.memref_slice %arg3[%add3A_19, %dma_start3A_101] : memref<2560x128xi32, #tpu.memory_space<hbm>> -> memref<40x128xi32, #tpu.memory_space<hbm>>
      tpu.enqueue_dma source(%dma_start3A_102 : memref<40x128xi32, #tpu.memory_space<hbm>>) target(%arg6 : memref<40x128xi32, #tpu.memory_space<vmem>>) target_semaphore(%run_scoped3A : memref<!tpu.dma_semaphore, #tpu.memory_space<semaphore_mem>>)
      %dma_wait3A_103 = arith.constant 0 : i32
      %dma_wait3A_104 = tpu.memref_slice %arg3[%add3A_19, %dma_wait3A_103] : memref<2560x128xi32, #tpu.memory_space<hbm>> -> memref<40x128xi32, #tpu.memory_space<hbm>>
      %dma_wait3A_105 = arith.constant 0 : i32
      %dma_wait3A_106 = tpu.memref_slice %arg3[%add3A_19, %dma_wait3A_105] : memref<2560x128xi32, #tpu.memory_space<hbm>> -> memref<40x128xi32, #tpu.memory_space<hbm>>
      tpu.wait_dma2 semaphore(%run_scoped3A : memref<!tpu.dma_semaphore, #tpu.memory_space<semaphore_mem>>) src(%dma_wait3A_106 : memref<40x128xi32, #tpu.memory_space<hbm>>) dst(%arg6 : memref<40x128xi32, #tpu.memory_space<vmem>>)
      tpu.yield
    }) : () -> ()
    "tpu.region"() ({
      %run_scoped3A = tpu.sem_alloc : memref<!tpu.dma_semaphore, #tpu.memory_space<semaphore_mem>>
      %dma_start3A_99 = arith.constant 0 : i32
      %dma_start3A_100 = tpu.memref_slice %arg4[%add3A_19, %dma_start3A_99] : memref<2560x128xi32, #tpu.memory_space<hbm>> -> memref<40x128xi32, #tpu.memory_space<hbm>>
      %dma_start3A_101 = arith.constant 0 : i32
      %dma_start3A_102 = tpu.memref_slice %arg4[%add3A_19, %dma_start3A_101] : memref<2560x128xi32, #tpu.memory_space<hbm>> -> memref<40x128xi32, #tpu.memory_space<hbm>>
      tpu.enqueue_dma source(%dma_start3A_102 : memref<40x128xi32, #tpu.memory_space<hbm>>) target(%arg7 : memref<40x128xi32, #tpu.memory_space<vmem>>) target_semaphore(%run_scoped3A : memref<!tpu.dma_semaphore, #tpu.memory_space<semaphore_mem>>)
      %dma_wait3A_103 = arith.constant 0 : i32
      %dma_wait3A_104 = tpu.memref_slice %arg4[%add3A_19, %dma_wait3A_103] : memref<2560x128xi32, #tpu.memory_space<hbm>> -> memref<40x128xi32, #tpu.memory_space<hbm>>
      %dma_wait3A_105 = arith.constant 0 : i32
      %dma_wait3A_106 = tpu.memref_slice %arg4[%add3A_19, %dma_wait3A_105] : memref<2560x128xi32, #tpu.memory_space<hbm>> -> memref<40x128xi32, #tpu.memory_space<hbm>>
      tpu.wait_dma2 semaphore(%run_scoped3A : memref<!tpu.dma_semaphore, #tpu.memory_space<semaphore_mem>>) src(%dma_wait3A_106 : memref<40x128xi32, #tpu.memory_space<hbm>>) dst(%arg7 : memref<40x128xi32, #tpu.memory_space<vmem>>)
      tpu.yield
    }) : () -> ()
    %dma_start3A = arith.constant 0 : i32
    %dma_start3A_20 = arith.constant 0 : i32
    %dma_start3A_21 = tpu.memref_slice %arg6[%dma_start3A, %dma_start3A_20] : memref<40x128xi32, #tpu.memory_space<vmem>> -> memref<1x128xi32, #tpu.memory_space<vmem>>
    %dma_start3A_22 = tpu.memref_squeeze %dma_start3A_21 : memref<1x128xi32, #tpu.memory_space<vmem>> -> memref<128xi32, #tpu.memory_space<vmem>>
    %dma_start3A_23 = arith.constant 0 : i32
    %dma_start3A_24 = arith.constant 0 : i32
    %dma_start3A_25 = tpu.memref_slice %arg2[%dma_start3A_23, %dma_start3A_24] : memref<10000x128xf32, #tpu.memory_space<hbm>> -> memref<10000x128xf32, #tpu.memory_space<hbm>>
    tpu.enqueue_indirect_dma source(%dma_start3A_25 : memref<10000x128xf32, #tpu.memory_space<hbm>>) target(%arg8 : memref<128x128xf32, #tpu.memory_space<vmem>>) offsets(%dma_start3A_22 : memref<128xi32, #tpu.memory_space<vmem>>) semaphore(%arg11 : memref<!tpu.dma_semaphore, #tpu.memory_space<semaphore_mem>>)
    %dma_start3A_26 = arith.constant 1 : i32
    %dma_start3A_27 = arith.constant 0 : i32
    %dma_start3A_28 = tpu.memref_slice %arg6[%dma_start3A_26, %dma_start3A_27] : memref<40x128xi32, #tpu.memory_space<vmem>> -> memref<1x128xi32, #tpu.memory_space<vmem>>
    %dma_start3A_29 = tpu.memref_squeeze %dma_start3A_28 : memref<1x128xi32, #tpu.memory_space<vmem>> -> memref<128xi32, #tpu.memory_space<vmem>>
    %dma_start3A_30 = arith.constant 0 : i32
    %dma_start3A_31 = arith.constant 0 : i32
    %dma_start3A_32 = tpu.memref_slice %arg2[%dma_start3A_30, %dma_start3A_31] : memref<10000x128xf32, #tpu.memory_space<hbm>> -> memref<10000x128xf32, #tpu.memory_space<hbm>>
    tpu.enqueue_indirect_dma source(%dma_start3A_32 : memref<10000x128xf32, #tpu.memory_space<hbm>>) target(%arg9 : memref<128x128xf32, #tpu.memory_space<vmem>>) offsets(%dma_start3A_29 : memref<128xi32, #tpu.memory_space<vmem>>) semaphore(%arg12 : memref<!tpu.dma_semaphore, #tpu.memory_space<semaphore_mem>>)
    %scan3A_33 = arith.constant 0 : i32
    %scan3A_34 = arith.constant 20 : i32
    %scan3A_35 = arith.addi %scan3A_33, %scan3A_34 : i32
    %scan3A_36 = arith.constant 1 : i32
    scf.for %scan3A_99 = %scan3A_33 to %scan3A_35 step %scan3A_36  : i32 {
      %mul3A_100 = arith.constant 1 : i32
      %mul3A_101 = arith.muli %scan3A_99, %mul3A_100 : i32
      %add3A_102 = arith.constant 0 : i32
      %add3A_103 = arith.addi %add3A_102, %mul3A_101 : i32
      %mul3A_104 = arith.constant 2 : i32
      %mul3A_105 = arith.muli %add3A_103, %mul3A_104 : i32
      %add3A_106 = arith.constant 0 : i32
      %add3A_107 = arith.addi %mul3A_105, %add3A_106 : i32
      %dma_wait3A_108 = arith.constant 0 : i32
      %dma_wait3A_109 = tpu.memref_slice %arg6[%add3A_107, %dma_wait3A_108] : memref<40x128xi32, #tpu.memory_space<vmem>> -> memref<1x128xi32, #tpu.memory_space<vmem>>
      %dma_wait3A_110 = tpu.memref_squeeze %dma_wait3A_109 : memref<1x128xi32, #tpu.memory_space<vmem>> -> memref<128xi32, #tpu.memory_space<vmem>>
      %dma_wait3A_111 = arith.constant 0 : i32
      %dma_wait3A_112 = arith.constant 0 : i32
      %dma_wait3A_113 = tpu.memref_slice %arg2[%dma_wait3A_111, %dma_wait3A_112] : memref<10000x128xf32, #tpu.memory_space<hbm>> -> memref<10000x128xf32, #tpu.memory_space<hbm>>
      tpu.wait_indirect_dma semaphore(%arg11 : memref<!tpu.dma_semaphore, #tpu.memory_space<semaphore_mem>>) src(%dma_wait3A_113 : memref<10000x128xf32, #tpu.memory_space<hbm>>) dst(%arg8 : memref<128x128xf32, #tpu.memory_space<vmem>>)
      %dma_start3A_114 = arith.constant 0 : i32
      %dma_start3A_115 = tpu.memref_slice %arg7[%add3A_107, %dma_start3A_114] : memref<40x128xi32, #tpu.memory_space<vmem>> -> memref<1x128xi32, #tpu.memory_space<vmem>>
      %dma_start3A_116 = tpu.memref_squeeze %dma_start3A_115 : memref<1x128xi32, #tpu.memory_space<vmem>> -> memref<128xi32, #tpu.memory_space<vmem>>
      %dma_start3A_117 = arith.constant 0 : i32
      %dma_start3A_118 = arith.constant 0 : i32
      %dma_start3A_119 = tpu.memref_slice %arg10[%dma_start3A_117, %dma_start3A_118] : memref<10008x128xf32, #tpu.memory_space<vmem_shared>> -> memref<10008x128xf32, #tpu.memory_space<vmem_shared>>
      tpu.enqueue_indirect_dma source(%arg8 : memref<128x128xf32, #tpu.memory_space<vmem>>) target(%dma_start3A_119 : memref<10008x128xf32, #tpu.memory_space<vmem_shared>>) offsets(%dma_start3A_116 : memref<128xi32, #tpu.memory_space<vmem>>) semaphore(%arg13 : memref<!tpu.dma_semaphore, #tpu.memory_space<semaphore_mem>>) {add = true}
      %add3A_120 = arith.constant 1 : i32
      %add3A_121 = arith.addi %mul3A_105, %add3A_120 : i32
      %dma_wait3A_122 = arith.constant 0 : i32
      %dma_wait3A_123 = tpu.memref_slice %arg6[%add3A_121, %dma_wait3A_122] : memref<40x128xi32, #tpu.memory_space<vmem>> -> memref<1x128xi32, #tpu.memory_space<vmem>>
      %dma_wait3A_124 = tpu.memref_squeeze %dma_wait3A_123 : memref<1x128xi32, #tpu.memory_space<vmem>> -> memref<128xi32, #tpu.memory_space<vmem>>
      %dma_wait3A_125 = arith.constant 0 : i32
      %dma_wait3A_126 = arith.constant 0 : i32
      %dma_wait3A_127 = tpu.memref_slice %arg2[%dma_wait3A_125, %dma_wait3A_126] : memref<10000x128xf32, #tpu.memory_space<hbm>> -> memref<10000x128xf32, #tpu.memory_space<hbm>>
      tpu.wait_indirect_dma semaphore(%arg12 : memref<!tpu.dma_semaphore, #tpu.memory_space<semaphore_mem>>) src(%dma_wait3A_127 : memref<10000x128xf32, #tpu.memory_space<hbm>>) dst(%arg9 : memref<128x128xf32, #tpu.memory_space<vmem>>)
      %dma_start3A_128 = arith.constant 0 : i32
      %dma_start3A_129 = tpu.memref_slice %arg7[%add3A_121, %dma_start3A_128] : memref<40x128xi32, #tpu.memory_space<vmem>> -> memref<1x128xi32, #tpu.memory_space<vmem>>
      %dma_start3A_130 = tpu.memref_squeeze %dma_start3A_129 : memref<1x128xi32, #tpu.memory_space<vmem>> -> memref<128xi32, #tpu.memory_space<vmem>>
      %dma_start3A_131 = arith.constant 0 : i32
      %dma_start3A_132 = arith.constant 0 : i32
      %dma_start3A_133 = tpu.memref_slice %arg10[%dma_start3A_131, %dma_start3A_132] : memref<10008x128xf32, #tpu.memory_space<vmem_shared>> -> memref<10008x128xf32, #tpu.memory_space<vmem_shared>>
      tpu.enqueue_indirect_dma source(%arg9 : memref<128x128xf32, #tpu.memory_space<vmem>>) target(%dma_start3A_133 : memref<10008x128xf32, #tpu.memory_space<vmem_shared>>) offsets(%dma_start3A_130 : memref<128xi32, #tpu.memory_space<vmem>>) semaphore(%arg14 : memref<!tpu.dma_semaphore, #tpu.memory_space<semaphore_mem>>) {add = true}
      %lt3A_134 = arith.constant 19 : i32
      %lt3A_135 = arith.cmpi slt, %add3A_103, %lt3A_134 : i32
      %convert_element_type3A_136 = arith.extui %lt3A_135 : i1 to i32
      %cond3A_137 = arith.constant 0 : i32
      %cond3A_138 = arith.cmpi ne, %convert_element_type3A_136, %cond3A_137 : i32
      scf.if %cond3A_138 {
        %add3A_139 = arith.constant 0 : i32
        %add3A_140 = arith.addi %mul3A_105, %add3A_139 : i32
        %dma_wait3A_141 = arith.constant 0 : i32
        %dma_wait3A_142 = tpu.memref_slice %arg7[%add3A_140, %dma_wait3A_141] : memref<40x128xi32, #tpu.memory_space<vmem>> -> memref<1x128xi32, #tpu.memory_space<vmem>>
        %dma_wait3A_143 = tpu.memref_squeeze %dma_wait3A_142 : memref<1x128xi32, #tpu.memory_space<vmem>> -> memref<128xi32, #tpu.memory_space<vmem>>
        %dma_wait3A_144 = arith.constant 0 : i32
        %dma_wait3A_145 = arith.constant 0 : i32
        %dma_wait3A_146 = tpu.memref_slice %arg10[%dma_wait3A_144, %dma_wait3A_145] : memref<10008x128xf32, #tpu.memory_space<vmem_shared>> -> memref<10008x128xf32, #tpu.memory_space<vmem_shared>>
        tpu.wait_indirect_dma semaphore(%arg13 : memref<!tpu.dma_semaphore, #tpu.memory_space<semaphore_mem>>) src(%arg8 : memref<128x128xf32, #tpu.memory_space<vmem>>) dst(%dma_wait3A_146 : memref<10008x128xf32, #tpu.memory_space<vmem_shared>>)
        %add3A_147 = arith.constant 2 : i32
        %add3A_148 = arith.addi %mul3A_105, %add3A_147 : i32
        %add3A_149 = arith.constant 0 : i32
        %add3A_150 = arith.addi %add3A_148, %add3A_149 : i32
        %dma_start3A_151 = arith.constant 0 : i32
        %dma_start3A_152 = tpu.memref_slice %arg6[%add3A_150, %dma_start3A_151] : memref<40x128xi32, #tpu.memory_space<vmem>> -> memref<1x128xi32, #tpu.memory_space<vmem>>
        %dma_start3A_153 = tpu.memref_squeeze %dma_start3A_152 : memref<1x128xi32, #tpu.memory_space<vmem>> -> memref<128xi32, #tpu.memory_space<vmem>>
        %dma_start3A_154 = arith.constant 0 : i32
        %dma_start3A_155 = arith.constant 0 : i32
        %dma_start3A_156 = tpu.memref_slice %arg2[%dma_start3A_154, %dma_start3A_155] : memref<10000x128xf32, #tpu.memory_space<hbm>> -> memref<10000x128xf32, #tpu.memory_space<hbm>>
        tpu.enqueue_indirect_dma source(%dma_start3A_156 : memref<10000x128xf32, #tpu.memory_space<hbm>>) target(%arg8 : memref<128x128xf32, #tpu.memory_space<vmem>>) offsets(%dma_start3A_153 : memref<128xi32, #tpu.memory_space<vmem>>) semaphore(%arg11 : memref<!tpu.dma_semaphore, #tpu.memory_space<semaphore_mem>>)
        %add3A_157 = arith.constant 1 : i32
        %add3A_158 = arith.addi %mul3A_105, %add3A_157 : i32
        %dma_wait3A_159 = arith.constant 0 : i32
        %dma_wait3A_160 = tpu.memref_slice %arg7[%add3A_158, %dma_wait3A_159] : memref<40x128xi32, #tpu.memory_space<vmem>> -> memref<1x128xi32, #tpu.memory_space<vmem>>
        %dma_wait3A_161 = tpu.memref_squeeze %dma_wait3A_160 : memref<1x128xi32, #tpu.memory_space<vmem>> -> memref<128xi32, #tpu.memory_space<vmem>>
        %dma_wait3A_162 = arith.constant 0 : i32
        %dma_wait3A_163 = arith.constant 0 : i32
        %dma_wait3A_164 = tpu.memref_slice %arg10[%dma_wait3A_162, %dma_wait3A_163] : memref<10008x128xf32, #tpu.memory_space<vmem_shared>> -> memref<10008x128xf32, #tpu.memory_space<vmem_shared>>
        tpu.wait_indirect_dma semaphore(%arg14 : memref<!tpu.dma_semaphore, #tpu.memory_space<semaphore_mem>>) src(%arg9 : memref<128x128xf32, #tpu.memory_space<vmem>>) dst(%dma_wait3A_164 : memref<10008x128xf32, #tpu.memory_space<vmem_shared>>)
        %add3A_165 = arith.constant 2 : i32
        %add3A_166 = arith.addi %mul3A_105, %add3A_165 : i32
        %add3A_167 = arith.constant 1 : i32
        %add3A_168 = arith.addi %add3A_166, %add3A_167 : i32
        %dma_start3A_169 = arith.constant 0 : i32
        %dma_start3A_170 = tpu.memref_slice %arg6[%add3A_168, %dma_start3A_169] : memref<40x128xi32, #tpu.memory_space<vmem>> -> memref<1x128xi32, #tpu.memory_space<vmem>>
        %dma_start3A_171 = tpu.memref_squeeze %dma_start3A_170 : memref<1x128xi32, #tpu.memory_space<vmem>> -> memref<128xi32, #tpu.memory_space<vmem>>
        %dma_start3A_172 = arith.constant 0 : i32
        %dma_start3A_173 = arith.constant 0 : i32
        %dma_start3A_174 = tpu.memref_slice %arg2[%dma_start3A_172, %dma_start3A_173] : memref<10000x128xf32, #tpu.memory_space<hbm>> -> memref<10000x128xf32, #tpu.memory_space<hbm>>
        tpu.enqueue_indirect_dma source(%dma_start3A_174 : memref<10000x128xf32, #tpu.memory_space<hbm>>) target(%arg9 : memref<128x128xf32, #tpu.memory_space<vmem>>) offsets(%dma_start3A_171 : memref<128xi32, #tpu.memory_space<vmem>>) semaphore(%arg12 : memref<!tpu.dma_semaphore, #tpu.memory_space<semaphore_mem>>)
      } else {
      }
    }
    %scan3A_37 = arith.constant 20 : i32
    %dma_wait3A = arith.constant 38 : i32
    %dma_wait3A_38 = arith.constant 0 : i32
    %dma_wait3A_39 = tpu.memref_slice %arg7[%dma_wait3A, %dma_wait3A_38] : memref<40x128xi32, #tpu.memory_space<vmem>> -> memref<1x128xi32, #tpu.memory_space<vmem>>
    %dma_wait3A_40 = tpu.memref_squeeze %dma_wait3A_39 : memref<1x128xi32, #tpu.memory_space<vmem>> -> memref<128xi32, #tpu.memory_space<vmem>>
    %dma_wait3A_41 = arith.constant 0 : i32
    %dma_wait3A_42 = arith.constant 0 : i32
    %dma_wait3A_43 = tpu.memref_slice %arg10[%dma_wait3A_41, %dma_wait3A_42] : memref<10008x128xf32, #tpu.memory_space<vmem_shared>> -> memref<10008x128xf32, #tpu.memory_space<vmem_shared>>
    tpu.wait_indirect_dma semaphore(%arg13 : memref<!tpu.dma_semaphore, #tpu.memory_space<semaphore_mem>>) src(%arg8 : memref<128x128xf32, #tpu.memory_space<vmem>>) dst(%dma_wait3A_43 : memref<10008x128xf32, #tpu.memory_space<vmem_shared>>)
    %dma_wait3A_44 = arith.constant 39 : i32
    %dma_wait3A_45 = arith.constant 0 : i32
    %dma_wait3A_46 = tpu.memref_slice %arg7[%dma_wait3A_44, %dma_wait3A_45] : memref<40x128xi32, #tpu.memory_space<vmem>> -> memref<1x128xi32, #tpu.memory_space<vmem>>
    %dma_wait3A_47 = tpu.memref_squeeze %dma_wait3A_46 : memref<1x128xi32, #tpu.memory_space<vmem>> -> memref<128xi32, #tpu.memory_space<vmem>>
    %dma_wait3A_48 = arith.constant 0 : i32
    %dma_wait3A_49 = arith.constant 0 : i32
    %dma_wait3A_50 = tpu.memref_slice %arg10[%dma_wait3A_48, %dma_wait3A_49] : memref<10008x128xf32, #tpu.memory_space<vmem_shared>> -> memref<10008x128xf32, #tpu.memory_space<vmem_shared>>
    tpu.wait_indirect_dma semaphore(%arg14 : memref<!tpu.dma_semaphore, #tpu.memory_space<semaphore_mem>>) src(%arg9 : memref<128x128xf32, #tpu.memory_space<vmem>>) dst(%dma_wait3A_50 : memref<10008x128xf32, #tpu.memory_space<vmem_shared>>)
    %mul3A_51 = arith.constant 80 : i32
    %mul3A_52 = arith.muli %add3A, %mul3A_51 : i32
    %add3A_53 = arith.constant 40 : i32
    %add3A_54 = arith.addi %mul3A_52, %add3A_53 : i32
    "tpu.region"() ({
      %run_scoped3A = tpu.sem_alloc : memref<!tpu.dma_semaphore, #tpu.memory_space<semaphore_mem>>
      %dma_start3A_99 = arith.constant 0 : i32
      %dma_start3A_100 = tpu.memref_slice %arg3[%add3A_54, %dma_start3A_99] : memref<2560x128xi32, #tpu.memory_space<hbm>> -> memref<40x128xi32, #tpu.memory_space<hbm>>
      %dma_start3A_101 = arith.constant 0 : i32
      %dma_start3A_102 = tpu.memref_slice %arg3[%add3A_54, %dma_start3A_101] : memref<2560x128xi32, #tpu.memory_space<hbm>> -> memref<40x128xi32, #tpu.memory_space<hbm>>
      tpu.enqueue_dma source(%dma_start3A_102 : memref<40x128xi32, #tpu.memory_space<hbm>>) target(%arg6 : memref<40x128xi32, #tpu.memory_space<vmem>>) target_semaphore(%run_scoped3A : memref<!tpu.dma_semaphore, #tpu.memory_space<semaphore_mem>>)
      %dma_wait3A_103 = arith.constant 0 : i32
      %dma_wait3A_104 = tpu.memref_slice %arg3[%add3A_54, %dma_wait3A_103] : memref<2560x128xi32, #tpu.memory_space<hbm>> -> memref<40x128xi32, #tpu.memory_space<hbm>>
      %dma_wait3A_105 = arith.constant 0 : i32
      %dma_wait3A_106 = tpu.memref_slice %arg3[%add3A_54, %dma_wait3A_105] : memref<2560x128xi32, #tpu.memory_space<hbm>> -> memref<40x128xi32, #tpu.memory_space<hbm>>
      tpu.wait_dma2 semaphore(%run_scoped3A : memref<!tpu.dma_semaphore, #tpu.memory_space<semaphore_mem>>) src(%dma_wait3A_106 : memref<40x128xi32, #tpu.memory_space<hbm>>) dst(%arg6 : memref<40x128xi32, #tpu.memory_space<vmem>>)
      tpu.yield
    }) : () -> ()
    "tpu.region"() ({
      %run_scoped3A = tpu.sem_alloc : memref<!tpu.dma_semaphore, #tpu.memory_space<semaphore_mem>>
      %dma_start3A_99 = arith.constant 0 : i32
      %dma_start3A_100 = tpu.memref_slice %arg4[%add3A_54, %dma_start3A_99] : memref<2560x128xi32, #tpu.memory_space<hbm>> -> memref<40x128xi32, #tpu.memory_space<hbm>>
      %dma_start3A_101 = arith.constant 0 : i32
      %dma_start3A_102 = tpu.memref_slice %arg4[%add3A_54, %dma_start3A_101] : memref<2560x128xi32, #tpu.memory_space<hbm>> -> memref<40x128xi32, #tpu.memory_space<hbm>>
      tpu.enqueue_dma source(%dma_start3A_102 : memref<40x128xi32, #tpu.memory_space<hbm>>) target(%arg7 : memref<40x128xi32, #tpu.memory_space<vmem>>) target_semaphore(%run_scoped3A : memref<!tpu.dma_semaphore, #tpu.memory_space<semaphore_mem>>)
      %dma_wait3A_103 = arith.constant 0 : i32
      %dma_wait3A_104 = tpu.memref_slice %arg4[%add3A_54, %dma_wait3A_103] : memref<2560x128xi32, #tpu.memory_space<hbm>> -> memref<40x128xi32, #tpu.memory_space<hbm>>
      %dma_wait3A_105 = arith.constant 0 : i32
      %dma_wait3A_106 = tpu.memref_slice %arg4[%add3A_54, %dma_wait3A_105] : memref<2560x128xi32, #tpu.memory_space<hbm>> -> memref<40x128xi32, #tpu.memory_space<hbm>>
      tpu.wait_dma2 semaphore(%run_scoped3A : memref<!tpu.dma_semaphore, #tpu.memory_space<semaphore_mem>>) src(%dma_wait3A_106 : memref<40x128xi32, #tpu.memory_space<hbm>>) dst(%arg7 : memref<40x128xi32, #tpu.memory_space<vmem>>)
      tpu.yield
    }) : () -> ()
    %dma_start3A_55 = arith.constant 0 : i32
    %dma_start3A_56 = arith.constant 0 : i32
    %dma_start3A_57 = tpu.memref_slice %arg6[%dma_start3A_55, %dma_start3A_56] : memref<40x128xi32, #tpu.memory_space<vmem>> -> memref<1x128xi32, #tpu.memory_space<vmem>>
    %dma_start3A_58 = tpu.memref_squeeze %dma_start3A_57 : memref<1x128xi32, #tpu.memory_space<vmem>> -> memref<128xi32, #tpu.memory_space<vmem>>
    %dma_start3A_59 = arith.constant 0 : i32
    %dma_start3A_60 = arith.constant 0 : i32
    %dma_start3A_61 = tpu.memref_slice %arg2[%dma_start3A_59, %dma_start3A_60] : memref<10000x128xf32, #tpu.memory_space<hbm>> -> memref<10000x128xf32, #tpu.memory_space<hbm>>
    tpu.enqueue_indirect_dma source(%dma_start3A_61 : memref<10000x128xf32, #tpu.memory_space<hbm>>) target(%arg8 : memref<128x128xf32, #tpu.memory_space<vmem>>) offsets(%dma_start3A_58 : memref<128xi32, #tpu.memory_space<vmem>>) semaphore(%arg11 : memref<!tpu.dma_semaphore, #tpu.memory_space<semaphore_mem>>)
    %dma_start3A_62 = arith.constant 1 : i32
    %dma_start3A_63 = arith.constant 0 : i32
    %dma_start3A_64 = tpu.memref_slice %arg6[%dma_start3A_62, %dma_start3A_63] : memref<40x128xi32, #tpu.memory_space<vmem>> -> memref<1x128xi32, #tpu.memory_space<vmem>>
    %dma_start3A_65 = tpu.memref_squeeze %dma_start3A_64 : memref<1x128xi32, #tpu.memory_space<vmem>> -> memref<128xi32, #tpu.memory_space<vmem>>
    %dma_start3A_66 = arith.constant 0 : i32
    %dma_start3A_67 = arith.constant 0 : i32
    %dma_start3A_68 = tpu.memref_slice %arg2[%dma_start3A_66, %dma_start3A_67] : memref<10000x128xf32, #tpu.memory_space<hbm>> -> memref<10000x128xf32, #tpu.memory_space<hbm>>
    tpu.enqueue_indirect_dma source(%dma_start3A_68 : memref<10000x128xf32, #tpu.memory_space<hbm>>) target(%arg9 : memref<128x128xf32, #tpu.memory_space<vmem>>) offsets(%dma_start3A_65 : memref<128xi32, #tpu.memory_space<vmem>>) semaphore(%arg12 : memref<!tpu.dma_semaphore, #tpu.memory_space<semaphore_mem>>)
    %scan3A_69 = arith.constant 0 : i32
    %scan3A_70 = arith.constant 20 : i32
    %scan3A_71 = arith.addi %scan3A_69, %scan3A_70 : i32
    %scan3A_72 = arith.constant 1 : i32
    scf.for %scan3A_99 = %scan3A_69 to %scan3A_71 step %scan3A_72  : i32 {
      %mul3A_100 = arith.constant 1 : i32
      %mul3A_101 = arith.muli %scan3A_99, %mul3A_100 : i32
      %add3A_102 = arith.constant 0 : i32
      %add3A_103 = arith.addi %add3A_102, %mul3A_101 : i32
      %mul3A_104 = arith.constant 2 : i32
      %mul3A_105 = arith.muli %add3A_103, %mul3A_104 : i32
      %add3A_106 = arith.constant 0 : i32
      %add3A_107 = arith.addi %mul3A_105, %add3A_106 : i32
      %dma_wait3A_108 = arith.constant 0 : i32
      %dma_wait3A_109 = tpu.memref_slice %arg6[%add3A_107, %dma_wait3A_108] : memref<40x128xi32, #tpu.memory_space<vmem>> -> memref<1x128xi32, #tpu.memory_space<vmem>>
      %dma_wait3A_110 = tpu.memref_squeeze %dma_wait3A_109 : memref<1x128xi32, #tpu.memory_space<vmem>> -> memref<128xi32, #tpu.memory_space<vmem>>
      %dma_wait3A_111 = arith.constant 0 : i32
      %dma_wait3A_112 = arith.constant 0 : i32
      %dma_wait3A_113 = tpu.memref_slice %arg2[%dma_wait3A_111, %dma_wait3A_112] : memref<10000x128xf32, #tpu.memory_space<hbm>> -> memref<10000x128xf32, #tpu.memory_space<hbm>>
      tpu.wait_indirect_dma semaphore(%arg11 : memref<!tpu.dma_semaphore, #tpu.memory_space<semaphore_mem>>) src(%dma_wait3A_113 : memref<10000x128xf32, #tpu.memory_space<hbm>>) dst(%arg8 : memref<128x128xf32, #tpu.memory_space<vmem>>)
      %dma_start3A_114 = arith.constant 0 : i32
      %dma_start3A_115 = tpu.memref_slice %arg7[%add3A_107, %dma_start3A_114] : memref<40x128xi32, #tpu.memory_space<vmem>> -> memref<1x128xi32, #tpu.memory_space<vmem>>
      %dma_start3A_116 = tpu.memref_squeeze %dma_start3A_115 : memref<1x128xi32, #tpu.memory_space<vmem>> -> memref<128xi32, #tpu.memory_space<vmem>>
      %dma_start3A_117 = arith.constant 0 : i32
      %dma_start3A_118 = arith.constant 0 : i32
      %dma_start3A_119 = tpu.memref_slice %arg10[%dma_start3A_117, %dma_start3A_118] : memref<10008x128xf32, #tpu.memory_space<vmem_shared>> -> memref<10008x128xf32, #tpu.memory_space<vmem_shared>>
      tpu.enqueue_indirect_dma source(%arg8 : memref<128x128xf32, #tpu.memory_space<vmem>>) target(%dma_start3A_119 : memref<10008x128xf32, #tpu.memory_space<vmem_shared>>) offsets(%dma_start3A_116 : memref<128xi32, #tpu.memory_space<vmem>>) semaphore(%arg13 : memref<!tpu.dma_semaphore, #tpu.memory_space<semaphore_mem>>) {add = true}
      %add3A_120 = arith.constant 1 : i32
      %add3A_121 = arith.addi %mul3A_105, %add3A_120 : i32
      %dma_wait3A_122 = arith.constant 0 : i32
      %dma_wait3A_123 = tpu.memref_slice %arg6[%add3A_121, %dma_wait3A_122] : memref<40x128xi32, #tpu.memory_space<vmem>> -> memref<1x128xi32, #tpu.memory_space<vmem>>
      %dma_wait3A_124 = tpu.memref_squeeze %dma_wait3A_123 : memref<1x128xi32, #tpu.memory_space<vmem>> -> memref<128xi32, #tpu.memory_space<vmem>>
      %dma_wait3A_125 = arith.constant 0 : i32
      %dma_wait3A_126 = arith.constant 0 : i32
      %dma_wait3A_127 = tpu.memref_slice %arg2[%dma_wait3A_125, %dma_wait3A_126] : memref<10000x128xf32, #tpu.memory_space<hbm>> -> memref<10000x128xf32, #tpu.memory_space<hbm>>
      tpu.wait_indirect_dma semaphore(%arg12 : memref<!tpu.dma_semaphore, #tpu.memory_space<semaphore_mem>>) src(%dma_wait3A_127 : memref<10000x128xf32, #tpu.memory_space<hbm>>) dst(%arg9 : memref<128x128xf32, #tpu.memory_space<vmem>>)
      %dma_start3A_128 = arith.constant 0 : i32
      %dma_start3A_129 = tpu.memref_slice %arg7[%add3A_121, %dma_start3A_128] : memref<40x128xi32, #tpu.memory_space<vmem>> -> memref<1x128xi32, #tpu.memory_space<vmem>>
      %dma_start3A_130 = tpu.memref_squeeze %dma_start3A_129 : memref<1x128xi32, #tpu.memory_space<vmem>> -> memref<128xi32, #tpu.memory_space<vmem>>
      %dma_start3A_131 = arith.constant 0 : i32
      %dma_start3A_132 = arith.constant 0 : i32
      %dma_start3A_133 = tpu.memref_slice %arg10[%dma_start3A_131, %dma_start3A_132] : memref<10008x128xf32, #tpu.memory_space<vmem_shared>> -> memref<10008x128xf32, #tpu.memory_space<vmem_shared>>
      tpu.enqueue_indirect_dma source(%arg9 : memref<128x128xf32, #tpu.memory_space<vmem>>) target(%dma_start3A_133 : memref<10008x128xf32, #tpu.memory_space<vmem_shared>>) offsets(%dma_start3A_130 : memref<128xi32, #tpu.memory_space<vmem>>) semaphore(%arg14 : memref<!tpu.dma_semaphore, #tpu.memory_space<semaphore_mem>>) {add = true}
      %lt3A_134 = arith.constant 19 : i32
      %lt3A_135 = arith.cmpi slt, %add3A_103, %lt3A_134 : i32
      %convert_element_type3A_136 = arith.extui %lt3A_135 : i1 to i32
      %cond3A_137 = arith.constant 0 : i32
      %cond3A_138 = arith.cmpi ne, %convert_element_type3A_136, %cond3A_137 : i32
      scf.if %cond3A_138 {
        %add3A_139 = arith.constant 0 : i32
        %add3A_140 = arith.addi %mul3A_105, %add3A_139 : i32
        %dma_wait3A_141 = arith.constant 0 : i32
        %dma_wait3A_142 = tpu.memref_slice %arg7[%add3A_140, %dma_wait3A_141] : memref<40x128xi32, #tpu.memory_space<vmem>> -> memref<1x128xi32, #tpu.memory_space<vmem>>
        %dma_wait3A_143 = tpu.memref_squeeze %dma_wait3A_142 : memref<1x128xi32, #tpu.memory_space<vmem>> -> memref<128xi32, #tpu.memory_space<vmem>>
        %dma_wait3A_144 = arith.constant 0 : i32
        %dma_wait3A_145 = arith.constant 0 : i32
        %dma_wait3A_146 = tpu.memref_slice %arg10[%dma_wait3A_144, %dma_wait3A_145] : memref<10008x128xf32, #tpu.memory_space<vmem_shared>> -> memref<10008x128xf32, #tpu.memory_space<vmem_shared>>
        tpu.wait_indirect_dma semaphore(%arg13 : memref<!tpu.dma_semaphore, #tpu.memory_space<semaphore_mem>>) src(%arg8 : memref<128x128xf32, #tpu.memory_space<vmem>>) dst(%dma_wait3A_146 : memref<10008x128xf32, #tpu.memory_space<vmem_shared>>)
        %add3A_147 = arith.constant 2 : i32
        %add3A_148 = arith.addi %mul3A_105, %add3A_147 : i32
        %add3A_149 = arith.constant 0 : i32
        %add3A_150 = arith.addi %add3A_148, %add3A_149 : i32
        %dma_start3A_151 = arith.constant 0 : i32
        %dma_start3A_152 = tpu.memref_slice %arg6[%add3A_150, %dma_start3A_151] : memref<40x128xi32, #tpu.memory_space<vmem>> -> memref<1x128xi32, #tpu.memory_space<vmem>>
        %dma_start3A_153 = tpu.memref_squeeze %dma_start3A_152 : memref<1x128xi32, #tpu.memory_space<vmem>> -> memref<128xi32, #tpu.memory_space<vmem>>
        %dma_start3A_154 = arith.constant 0 : i32
        %dma_start3A_155 = arith.constant 0 : i32
        %dma_start3A_156 = tpu.memref_slice %arg2[%dma_start3A_154, %dma_start3A_155] : memref<10000x128xf32, #tpu.memory_space<hbm>> -> memref<10000x128xf32, #tpu.memory_space<hbm>>
        tpu.enqueue_indirect_dma source(%dma_start3A_156 : memref<10000x128xf32, #tpu.memory_space<hbm>>) target(%arg8 : memref<128x128xf32, #tpu.memory_space<vmem>>) offsets(%dma_start3A_153 : memref<128xi32, #tpu.memory_space<vmem>>) semaphore(%arg11 : memref<!tpu.dma_semaphore, #tpu.memory_space<semaphore_mem>>)
        %add3A_157 = arith.constant 1 : i32
        %add3A_158 = arith.addi %mul3A_105, %add3A_157 : i32
        %dma_wait3A_159 = arith.constant 0 : i32
        %dma_wait3A_160 = tpu.memref_slice %arg7[%add3A_158, %dma_wait3A_159] : memref<40x128xi32, #tpu.memory_space<vmem>> -> memref<1x128xi32, #tpu.memory_space<vmem>>
        %dma_wait3A_161 = tpu.memref_squeeze %dma_wait3A_160 : memref<1x128xi32, #tpu.memory_space<vmem>> -> memref<128xi32, #tpu.memory_space<vmem>>
        %dma_wait3A_162 = arith.constant 0 : i32
        %dma_wait3A_163 = arith.constant 0 : i32
        %dma_wait3A_164 = tpu.memref_slice %arg10[%dma_wait3A_162, %dma_wait3A_163] : memref<10008x128xf32, #tpu.memory_space<vmem_shared>> -> memref<10008x128xf32, #tpu.memory_space<vmem_shared>>
        tpu.wait_indirect_dma semaphore(%arg14 : memref<!tpu.dma_semaphore, #tpu.memory_space<semaphore_mem>>) src(%arg9 : memref<128x128xf32, #tpu.memory_space<vmem>>) dst(%dma_wait3A_164 : memref<10008x128xf32, #tpu.memory_space<vmem_shared>>)
        %add3A_165 = arith.constant 2 : i32
        %add3A_166 = arith.addi %mul3A_105, %add3A_165 : i32
        %add3A_167 = arith.constant 1 : i32
        %add3A_168 = arith.addi %add3A_166, %add3A_167 : i32
        %dma_start3A_169 = arith.constant 0 : i32
        %dma_start3A_170 = tpu.memref_slice %arg6[%add3A_168, %dma_start3A_169] : memref<40x128xi32, #tpu.memory_space<vmem>> -> memref<1x128xi32, #tpu.memory_space<vmem>>
        %dma_start3A_171 = tpu.memref_squeeze %dma_start3A_170 : memref<1x128xi32, #tpu.memory_space<vmem>> -> memref<128xi32, #tpu.memory_space<vmem>>
        %dma_start3A_172 = arith.constant 0 : i32
        %dma_start3A_173 = arith.constant 0 : i32
        %dma_start3A_174 = tpu.memref_slice %arg2[%dma_start3A_172, %dma_start3A_173] : memref<10000x128xf32, #tpu.memory_space<hbm>> -> memref<10000x128xf32, #tpu.memory_space<hbm>>
        tpu.enqueue_indirect_dma source(%dma_start3A_174 : memref<10000x128xf32, #tpu.memory_space<hbm>>) target(%arg9 : memref<128x128xf32, #tpu.memory_space<vmem>>) offsets(%dma_start3A_171 : memref<128xi32, #tpu.memory_space<vmem>>) semaphore(%arg12 : memref<!tpu.dma_semaphore, #tpu.memory_space<semaphore_mem>>)
      } else {
      }
    }
    %scan3A_73 = arith.constant 20 : i32
    %dma_wait3A_74 = arith.constant 38 : i32
    %dma_wait3A_75 = arith.constant 0 : i32
    %dma_wait3A_76 = tpu.memref_slice %arg7[%dma_wait3A_74, %dma_wait3A_75] : memref<40x128xi32, #tpu.memory_space<vmem>> -> memref<1x128xi32, #tpu.memory_space<vmem>>
    %dma_wait3A_77 = tpu.memref_squeeze %dma_wait3A_76 : memref<1x128xi32, #tpu.memory_space<vmem>> -> memref<128xi32, #tpu.memory_space<vmem>>
    %dma_wait3A_78 = arith.constant 0 : i32
    %dma_wait3A_79 = arith.constant 0 : i32
    %dma_wait3A_80 = tpu.memref_slice %arg10[%dma_wait3A_78, %dma_wait3A_79] : memref<10008x128xf32, #tpu.memory_space<vmem_shared>> -> memref<10008x128xf32, #tpu.memory_space<vmem_shared>>
    tpu.wait_indirect_dma semaphore(%arg13 : memref<!tpu.dma_semaphore, #tpu.memory_space<semaphore_mem>>) src(%arg8 : memref<128x128xf32, #tpu.memory_space<vmem>>) dst(%dma_wait3A_80 : memref<10008x128xf32, #tpu.memory_space<vmem_shared>>)
    %dma_wait3A_81 = arith.constant 39 : i32
    %dma_wait3A_82 = arith.constant 0 : i32
    %dma_wait3A_83 = tpu.memref_slice %arg7[%dma_wait3A_81, %dma_wait3A_82] : memref<40x128xi32, #tpu.memory_space<vmem>> -> memref<1x128xi32, #tpu.memory_space<vmem>>
    %dma_wait3A_84 = tpu.memref_squeeze %dma_wait3A_83 : memref<1x128xi32, #tpu.memory_space<vmem>> -> memref<128xi32, #tpu.memory_space<vmem>>
    %dma_wait3A_85 = arith.constant 0 : i32
    %dma_wait3A_86 = arith.constant 0 : i32
    %dma_wait3A_87 = tpu.memref_slice %arg10[%dma_wait3A_85, %dma_wait3A_86] : memref<10008x128xf32, #tpu.memory_space<vmem_shared>> -> memref<10008x128xf32, #tpu.memory_space<vmem_shared>>
    tpu.wait_indirect_dma semaphore(%arg14 : memref<!tpu.dma_semaphore, #tpu.memory_space<semaphore_mem>>) src(%arg9 : memref<128x128xf32, #tpu.memory_space<vmem>>) dst(%dma_wait3A_87 : memref<10008x128xf32, #tpu.memory_space<vmem_shared>>)
    %barrier3A_88 = arith.constant 0 : index
    tpu.barrier barrier_id(%barrier3A_88)
    %lt3A_89 = arith.constant 15 : i32
    %lt3A_90 = arith.cmpi slt, %arg1, %lt3A_89 : i32
    %convert_element_type3A_91 = arith.extui %lt3A_90 : i1 to i32
    %cond3A_92 = arith.constant 0 : i32
    %cond3A_93 = arith.cmpi ne, %convert_element_type3A_91, %cond3A_92 : i32
    scf.if %cond3A_93 {
      %mul3A_99 = arith.constant 632 : i32
      %mul3A_100 = arith.muli %arg1, %mul3A_99 : i32
      %mul3A_101 = arith.constant 10000 : i32
      %mul3A_102 = arith.muli %arg0, %mul3A_101 : i32
      %mul3A_103 = arith.constant 632 : i32
      %mul3A_104 = arith.muli %arg1, %mul3A_103 : i32
      %add3A_105 = arith.addi %mul3A_102, %mul3A_104 : i32
      "tpu.region"() ({
        %run_scoped3A = tpu.sem_alloc : memref<!tpu.dma_semaphore, #tpu.memory_space<semaphore_mem>>
        %dma_start3A_106 = arith.constant 0 : i32
        %dma_start3A_107 = tpu.memref_slice %arg5[%add3A_105, %dma_start3A_106] : memref<20000x128xf32, #tpu.memory_space<hbm>> -> memref<632x128xf32, #tpu.memory_space<hbm>>
        %dma_start3A_108 = arith.constant 0 : i32
        %dma_start3A_109 = tpu.memref_slice %arg10[%mul3A_100, %dma_start3A_108] : memref<10008x128xf32, #tpu.memory_space<vmem_shared>> -> memref<632x128xf32, #tpu.memory_space<vmem_shared>>
        tpu.enqueue_dma source(%dma_start3A_109 : memref<632x128xf32, #tpu.memory_space<vmem_shared>>) target(%dma_start3A_107 : memref<632x128xf32, #tpu.memory_space<hbm>>) target_semaphore(%run_scoped3A : memref<!tpu.dma_semaphore, #tpu.memory_space<semaphore_mem>>)
        %dma_wait3A_110 = arith.constant 0 : i32
        %dma_wait3A_111 = tpu.memref_slice %arg5[%add3A_105, %dma_wait3A_110] : memref<20000x128xf32, #tpu.memory_space<hbm>> -> memref<632x128xf32, #tpu.memory_space<hbm>>
        %dma_wait3A_112 = arith.constant 0 : i32
        %dma_wait3A_113 = tpu.memref_slice %arg10[%mul3A_100, %dma_wait3A_112] : memref<10008x128xf32, #tpu.memory_space<vmem_shared>> -> memref<632x128xf32, #tpu.memory_space<vmem_shared>>
        tpu.wait_dma2 semaphore(%run_scoped3A : memref<!tpu.dma_semaphore, #tpu.memory_space<semaphore_mem>>) src(%dma_wait3A_113 : memref<632x128xf32, #tpu.memory_space<vmem_shared>>) dst(%dma_wait3A_111 : memref<632x128xf32, #tpu.memory_space<hbm>>)
        tpu.yield
      }) : () -> ()
    } else {
    }
    %eq3A_94 = arith.constant 15 : i32
    %eq3A_95 = arith.cmpi eq, %arg1, %eq3A_94 : i32
    %convert_element_type3A_96 = arith.extui %eq3A_95 : i1 to i32
    %cond3A_97 = arith.constant 0 : i32
    %cond3A_98 = arith.cmpi ne, %convert_element_type3A_96, %cond3A_97 : i32
    scf.if %cond3A_98 {
      %mul3A_99 = arith.constant 10000 : i32
      %mul3A_100 = arith.muli %arg0, %mul3A_99 : i32
      %add3A_101 = arith.constant 9480 : i32
      %add3A_102 = arith.addi %mul3A_100, %add3A_101 : i32
      "tpu.region"() ({
        %run_scoped3A = tpu.sem_alloc : memref<!tpu.dma_semaphore, #tpu.memory_space<semaphore_mem>>
        %dma_start3A_103 = arith.constant 0 : i32
        %dma_start3A_104 = tpu.memref_slice %arg5[%add3A_102, %dma_start3A_103] : memref<20000x128xf32, #tpu.memory_space<hbm>> -> memref<520x128xf32, #tpu.memory_space<hbm>>
        %dma_start3A_105 = arith.constant 9480 : i32
        %dma_start3A_106 = arith.constant 0 : i32
        %dma_start3A_107 = tpu.memref_slice %arg10[%dma_start3A_105, %dma_start3A_106] : memref<10008x128xf32, #tpu.memory_space<vmem_shared>> -> memref<520x128xf32, #tpu.memory_space<vmem_shared>>
        tpu.enqueue_dma source(%dma_start3A_107 : memref<520x128xf32, #tpu.memory_space<vmem_shared>>) target(%dma_start3A_104 : memref<520x128xf32, #tpu.memory_space<hbm>>) target_semaphore(%run_scoped3A : memref<!tpu.dma_semaphore, #tpu.memory_space<semaphore_mem>>)
        %dma_wait3A_108 = arith.constant 0 : i32
        %dma_wait3A_109 = tpu.memref_slice %arg5[%add3A_102, %dma_wait3A_108] : memref<20000x128xf32, #tpu.memory_space<hbm>> -> memref<520x128xf32, #tpu.memory_space<hbm>>
        %dma_wait3A_110 = arith.constant 9480 : i32
        %dma_wait3A_111 = arith.constant 0 : i32
        %dma_wait3A_112 = tpu.memref_slice %arg10[%dma_wait3A_110, %dma_wait3A_111] : memref<10008x128xf32, #tpu.memory_space<vmem_shared>> -> memref<520x128xf32, #tpu.memory_space<vmem_shared>>
        tpu.wait_dma2 semaphore(%run_scoped3A : memref<!tpu.dma_semaphore, #tpu.memory_space<semaphore_mem>>) src(%dma_wait3A_112 : memref<520x128xf32, #tpu.memory_space<vmem_shared>>) dst(%dma_wait3A_109 : memref<520x128xf32, #tpu.memory_space<hbm>>)
        tpu.yield
      }) : () -> ()
    } else {
    }
    return
  }
}

#map = affine_map<(d0, d1) -> (0, 0)>
module attributes {stable_mosaic.version = 14 : i64} {
  func.func @scat_kernel(%arg0: i32, %arg1: i32, %arg2: memref<10000x128xf32, #tpu.memory_space<hbm>>, %arg3: memref<2560x128xi32, #tpu.memory_space<hbm>>, %arg4: memref<2560x128xi32, #tpu.memory_space<hbm>>, %arg5: memref<20000x128xf32, #tpu.memory_space<hbm>>, %arg6: memref<40x128xi32, #tpu.memory_space<vmem>>, %arg7: memref<40x128xi32, #tpu.memory_space<vmem>>, %arg8: memref<128x128xf32, #tpu.memory_space<vmem>>, %arg9: memref<128x128xf32, #tpu.memory_space<vmem>>, %arg10: memref<10008x128xf32, #tpu.memory_space<vmem_shared>>, %arg11: memref<!tpu.dma_semaphore, #tpu.memory_space<semaphore_mem>>, %arg12: memref<!tpu.dma_semaphore, #tpu.memory_space<semaphore_mem>>, %arg13: memref<!tpu.dma_semaphore, #tpu.memory_space<semaphore_mem>>, %arg14: memref<!tpu.dma_semaphore, #tpu.memory_space<semaphore_mem>>) attributes {dimension_semantics = [#tpu.dimension_semantics<core_parallel>, #tpu.dimension_semantics<subcore_parallel>], iteration_bounds = array<i64: 2, 16>, scalar_prefetch = 0 : i64, scratch_operands = 9 : i64, tpu.core_type = #tpu.core_type<sc_vector_subcore>, window_params = [{transform_indices = #map}, {transform_indices = #map}, {transform_indices = #map}, {transform_indices = #map}]} {
    %mul3A = arith.constant 2 : i32
    %mul3A_0 = arith.muli %arg1, %mul3A : i32
    %add3A = arith.addi %mul3A_0, %arg0 : i32
    %scan3A = arith.constant 0 : i32
    %scan3A_1 = arith.constant 128 : i32
    %scan3A_2 = arith.addi %scan3A, %scan3A_1 : i32
    %scan3A_3 = arith.constant 1 : i32
    scf.for %scan3A_99 = %scan3A to %scan3A_2 step %scan3A_3  : i32 {
      %mul3A_100 = arith.constant 1 : i32
      %mul3A_101 = arith.muli %scan3A_99, %mul3A_100 : i32
      %add3A_102 = arith.constant 0 : i32
      %add3A_103 = arith.addi %add3A_102, %mul3A_101 : i32
      %scan3A_104 = arith.constant 0 : i32
      %scan3A_105 = arith.constant 8 : i32
      %scan3A_106 = arith.addi %scan3A_104, %scan3A_105 : i32
      %scan3A_107 = arith.constant 1 : i32
      scf.for %scan3A_109 = %scan3A_104 to %scan3A_106 step %scan3A_107  : i32 {
        %mul3A_110 = arith.constant 16 : i32
        %mul3A_111 = arith.muli %scan3A_109, %mul3A_110 : i32
        %add3A_112 = arith.constant 0 : i32
        %add3A_113 = arith.addi %add3A_112, %mul3A_111 : i32
        %broadcast_in_dim3A = arith.constant 0.000000e+00 : f32
        %broadcast_in_dim3A_114 = vector.broadcast %broadcast_in_dim3A : f32 to vector<16xf32>
        %swap3A = arith.index_cast %add3A_103 : i32 to index
        %swap3A_115 = arith.index_cast %add3A_113 : i32 to index
        %swap3A_116 = tpu.vector_load %arg8[%swap3A, %swap3A_115] {strides = array<i32>} : memref<128x128xf32, #tpu.memory_space<vmem>>, vector<1x16xf32>,
        %swap3A_117 = vector.shape_cast %swap3A_116 : vector<1x16xf32> to vector<16xf32>
        %swap3A_118 = vector.shape_cast %broadcast_in_dim3A_114 : vector<16xf32> to vector<1x16xf32>
        tpu.vector_store %arg8[%swap3A, %swap3A_115], %swap3A_118 {strides = array<i32>} : memref<128x128xf32, #tpu.memory_space<vmem>>, vector<1x16xf32>,
      }
      %scan3A_108 = arith.constant 8 : i32
    }
    %scan3A_4 = arith.constant 128 : i32
    %scan3A_5 = arith.constant 0 : i32
    %scan3A_6 = arith.constant 4 : i32
    %scan3A_7 = arith.addi %scan3A_5, %scan3A_6 : i32
    %scan3A_8 = arith.constant 1 : i32
    scf.for %scan3A_99 = %scan3A_5 to %scan3A_7 step %scan3A_8  : i32 {
      %mul3A_100 = arith.constant 1 : i32
      %mul3A_101 = arith.muli %scan3A_99, %mul3A_100 : i32
      %add3A_102 = arith.constant 0 : i32
      %add3A_103 = arith.addi %add3A_102, %mul3A_101 : i32
      %mul3A_104 = arith.constant 632 : i32
      %mul3A_105 = arith.muli %arg1, %mul3A_104 : i32
      %mul3A_106 = arith.constant 128 : i32
      %mul3A_107 = arith.muli %add3A_103, %mul3A_106 : i32
      %add3A_108 = arith.addi %mul3A_105, %mul3A_107 : i32
      "tpu.region"() ({
        %run_scoped3A = tpu.sem_alloc : memref<!tpu.dma_semaphore, #tpu.memory_space<semaphore_mem>>
        %dma_start3A_109 = arith.constant 0 : i32
        %dma_start3A_110 = tpu.memref_slice %arg10[%add3A_108, %dma_start3A_109] : memref<10008x128xf32, #tpu.memory_space<vmem_shared>> -> memref<128x128xf32, #tpu.memory_space<vmem_shared>>
        %dma_start3A_111 = arith.constant 0 : i32
        %dma_start3A_112 = tpu.memref_slice %arg10[%add3A_108, %dma_start3A_111] : memref<10008x128xf32, #tpu.memory_space<vmem_shared>> -> memref<128x128xf32, #tpu.memory_space<vmem_shared>>
        tpu.enqueue_dma source(%arg8 : memref<128x128xf32, #tpu.memory_space<vmem>>) target(%dma_start3A_112 : memref<128x128xf32, #tpu.memory_space<vmem_shared>>) target_semaphore(%run_scoped3A : memref<!tpu.dma_semaphore, #tpu.memory_space<semaphore_mem>>)
        %dma_wait3A_113 = arith.constant 0 : i32
        %dma_wait3A_114 = tpu.memref_slice %arg10[%add3A_108, %dma_wait3A_113] : memref<10008x128xf32, #tpu.memory_space<vmem_shared>> -> memref<128x128xf32, #tpu.memory_space<vmem_shared>>
        %dma_wait3A_115 = arith.constant 0 : i32
        %dma_wait3A_116 = tpu.memref_slice %arg10[%add3A_108, %dma_wait3A_115] : memref<10008x128xf32, #tpu.memory_space<vmem_shared>> -> memref<128x128xf32, #tpu.memory_space<vmem_shared>>
        tpu.wait_dma2 semaphore(%run_scoped3A : memref<!tpu.dma_semaphore, #tpu.memory_space<semaphore_mem>>) src(%arg8 : memref<128x128xf32, #tpu.memory_space<vmem>>) dst(%dma_wait3A_116 : memref<128x128xf32, #tpu.memory_space<vmem_shared>>)
        tpu.yield
      }) : () -> ()
    }
    %scan3A_9 = arith.constant 4 : i32
    %lt3A = arith.constant 15 : i32
    %lt3A_10 = arith.cmpi slt, %arg1, %lt3A : i32
    %convert_element_type3A = arith.extui %lt3A_10 : i1 to i32
    %cond3A = arith.constant 0 : i32
    %cond3A_11 = arith.cmpi ne, %convert_element_type3A, %cond3A : i32
    scf.if %cond3A_11 {
      %mul3A_99 = arith.constant 632 : i32
      %mul3A_100 = arith.muli %arg1, %mul3A_99 : i32
      %add3A_101 = arith.constant 512 : i32
      %add3A_102 = arith.addi %mul3A_100, %add3A_101 : i32
      "tpu.region"() ({
        %run_scoped3A = tpu.sem_alloc : memref<!tpu.dma_semaphore, #tpu.memory_space<semaphore_mem>>
        %dma_start3A_103 = arith.constant 0 : i32
        %dma_start3A_104 = arith.constant 0 : i32
        %dma_start3A_105 = tpu.memref_slice %arg8[%dma_start3A_103, %dma_start3A_104] : memref<128x128xf32, #tpu.memory_space<vmem>> -> memref<120x128xf32, #tpu.memory_space<vmem>>
        %dma_start3A_106 = arith.constant 0 : i32
        %dma_start3A_107 = tpu.memref_slice %arg10[%add3A_102, %dma_start3A_106] : memref<10008x128xf32, #tpu.memory_space<vmem_shared>> -> memref<120x128xf32, #tpu.memory_space<vmem_shared>>
        %dma_start3A_108 = arith.constant 0 : i32
        %dma_start3A_109 = tpu.memref_slice %arg10[%add3A_102, %dma_start3A_108] : memref<10008x128xf32, #tpu.memory_space<vmem_shared>> -> memref<120x128xf32, #tpu.memory_space<vmem_shared>>
        %dma_start3A_110 = arith.constant 0 : i32
        %dma_start3A_111 = arith.constant 0 : i32
        %dma_start3A_112 = tpu.memref_slice %arg8[%dma_start3A_110, %dma_start3A_111] : memref<128x128xf32, #tpu.memory_space<vmem>> -> memref<120x128xf32, #tpu.memory_space<vmem>>
        tpu.enqueue_dma source(%dma_start3A_112 : memref<120x128xf32, #tpu.memory_space<vmem>>) target(%dma_start3A_109 : memref<120x128xf32, #tpu.memory_space<vmem_shared>>) target_semaphore(%run_scoped3A : memref<!tpu.dma_semaphore, #tpu.memory_space<semaphore_mem>>)
        %dma_wait3A_113 = arith.constant 0 : i32
        %dma_wait3A_114 = arith.constant 0 : i32
        %dma_wait3A_115 = tpu.memref_slice %arg8[%dma_wait3A_113, %dma_wait3A_114] : memref<128x128xf32, #tpu.memory_space<vmem>> -> memref<120x128xf32, #tpu.memory_space<vmem>>
        %dma_wait3A_116 = arith.constant 0 : i32
        %dma_wait3A_117 = tpu.memref_slice %arg10[%add3A_102, %dma_wait3A_116] : memref<10008x128xf32, #tpu.memory_space<vmem_shared>> -> memref<120x128xf32, #tpu.memory_space<vmem_shared>>
        %dma_wait3A_118 = arith.constant 0 : i32
        %dma_wait3A_119 = tpu.memref_slice %arg10[%add3A_102, %dma_wait3A_118] : memref<10008x128xf32, #tpu.memory_space<vmem_shared>> -> memref<120x128xf32, #tpu.memory_space<vmem_shared>>
        %dma_wait3A_120 = arith.constant 0 : i32
        %dma_wait3A_121 = arith.constant 0 : i32
        %dma_wait3A_122 = tpu.memref_slice %arg8[%dma_wait3A_120, %dma_wait3A_121] : memref<128x128xf32, #tpu.memory_space<vmem>> -> memref<120x128xf32, #tpu.memory_space<vmem>>
        tpu.wait_dma2 semaphore(%run_scoped3A : memref<!tpu.dma_semaphore, #tpu.memory_space<semaphore_mem>>) src(%dma_wait3A_122 : memref<120x128xf32, #tpu.memory_space<vmem>>) dst(%dma_wait3A_119 : memref<120x128xf32, #tpu.memory_space<vmem_shared>>)
        tpu.yield
      }) : () -> ()
    } else {
    }
    %eq3A = arith.constant 15 : i32
    %eq3A_12 = arith.cmpi eq, %arg1, %eq3A : i32
    %convert_element_type3A_13 = arith.extui %eq3A_12 : i1 to i32
    %cond3A_14 = arith.constant 0 : i32
    %cond3A_15 = arith.cmpi ne, %convert_element_type3A_13, %cond3A_14 : i32
    scf.if %cond3A_15 {
      "tpu.region"() ({
        %run_scoped3A = tpu.sem_alloc : memref<!tpu.dma_semaphore, #tpu.memory_space<semaphore_mem>>
        %dma_start3A_99 = arith.constant 0 : i32
        %dma_start3A_100 = arith.constant 0 : i32
        %dma_start3A_101 = tpu.memref_slice %arg8[%dma_start3A_99, %dma_start3A_100] : memref<128x128xf32, #tpu.memory_space<vmem>> -> memref<16x128xf32, #tpu.memory_space<vmem>>
        %dma_start3A_102 = arith.constant 9992 : i32
        %dma_start3A_103 = arith.constant 0 : i32
        %dma_start3A_104 = tpu.memref_slice %arg10[%dma_start3A_102, %dma_start3A_103] : memref<10008x128xf32, #tpu.memory_space<vmem_shared>> -> memref<16x128xf32, #tpu.memory_space<vmem_shared>>
        %dma_start3A_105 = arith.constant 9992 : i32
        %dma_start3A_106 = arith.constant 0 : i32
        %dma_start3A_107 = tpu.memref_slice %arg10[%dma_start3A_105, %dma_start3A_106] : memref<10008x128xf32, #tpu.memory_space<vmem_shared>> -> memref<16x128xf32, #tpu.memory_space<vmem_shared>>
        %dma_start3A_108 = arith.constant 0 : i32
        %dma_start3A_109 = arith.constant 0 : i32
        %dma_start3A_110 = tpu.memref_slice %arg8[%dma_start3A_108, %dma_start3A_109] : memref<128x128xf32, #tpu.memory_space<vmem>> -> memref<16x128xf32, #tpu.memory_space<vmem>>
        tpu.enqueue_dma source(%dma_start3A_110 : memref<16x128xf32, #tpu.memory_space<vmem>>) target(%dma_start3A_107 : memref<16x128xf32, #tpu.memory_space<vmem_shared>>) target_semaphore(%run_scoped3A : memref<!tpu.dma_semaphore, #tpu.memory_space<semaphore_mem>>)
        %dma_wait3A_111 = arith.constant 0 : i32
        %dma_wait3A_112 = arith.constant 0 : i32
        %dma_wait3A_113 = tpu.memref_slice %arg8[%dma_wait3A_111, %dma_wait3A_112] : memref<128x128xf32, #tpu.memory_space<vmem>> -> memref<16x128xf32, #tpu.memory_space<vmem>>
        %dma_wait3A_114 = arith.constant 9992 : i32
        %dma_wait3A_115 = arith.constant 0 : i32
        %dma_wait3A_116 = tpu.memref_slice %arg10[%dma_wait3A_114, %dma_wait3A_115] : memref<10008x128xf32, #tpu.memory_space<vmem_shared>> -> memref<16x128xf32, #tpu.memory_space<vmem_shared>>
        %dma_wait3A_117 = arith.constant 9992 : i32
        %dma_wait3A_118 = arith.constant 0 : i32
        %dma_wait3A_119 = tpu.memref_slice %arg10[%dma_wait3A_117, %dma_wait3A_118] : memref<10008x128xf32, #tpu.memory_space<vmem_shared>> -> memref<16x128xf32, #tpu.memory_space<vmem_shared>>
        %dma_wait3A_120 = arith.constant 0 : i32
        %dma_wait3A_121 = arith.constant 0 : i32
        %dma_wait3A_122 = tpu.memref_slice %arg8[%dma_wait3A_120, %dma_wait3A_121] : memref<128x128xf32, #tpu.memory_space<vmem>> -> memref<16x128xf32, #tpu.memory_space<vmem>>
        tpu.wait_dma2 semaphore(%run_scoped3A : memref<!tpu.dma_semaphore, #tpu.memory_space<semaphore_mem>>) src(%dma_wait3A_122 : memref<16x128xf32, #tpu.memory_space<vmem>>) dst(%dma_wait3A_119 : memref<16x128xf32, #tpu.memory_space<vmem_shared>>)
        tpu.yield
      }) : () -> ()
    } else {
    }
    %barrier3A = arith.constant 0 : index
    tpu.barrier barrier_id(%barrier3A)
    %mul3A_16 = arith.constant 80 : i32
    %mul3A_17 = arith.muli %add3A, %mul3A_16 : i32
    %add3A_18 = arith.constant 0 : i32
    %add3A_19 = arith.addi %mul3A_17, %add3A_18 : i32
    "tpu.region"() ({
      %run_scoped3A = tpu.sem_alloc : memref<!tpu.dma_semaphore, #tpu.memory_space<semaphore_mem>>
      %dma_start3A_99 = arith.constant 0 : i32
      %dma_start3A_100 = tpu.memref_slice %arg3[%add3A_19, %dma_start3A_99] : memref<2560x128xi32, #tpu.memory_space<hbm>> -> memref<40x128xi32, #tpu.memory_space<hbm>>
      %dma_start3A_101 = arith.constant 0 : i32
      %dma_start3A_102 = tpu.memref_slice %arg3[%add3A_19, %dma_start3A_101] : memref<2560x128xi32, #tpu.memory_space<hbm>> -> memref<40x128xi32, #tpu.memory_space<hbm>>
      tpu.enqueue_dma source(%dma_start3A_102 : memref<40x128xi32, #tpu.memory_space<hbm>>) target(%arg6 : memref<40x128xi32, #tpu.memory_space<vmem>>) target_semaphore(%run_scoped3A : memref<!tpu.dma_semaphore, #tpu.memory_space<semaphore_mem>>)
      %dma_wait3A_103 = arith.constant 0 : i32
      %dma_wait3A_104 = tpu.memref_slice %arg3[%add3A_19, %dma_wait3A_103] : memref<2560x128xi32, #tpu.memory_space<hbm>> -> memref<40x128xi32, #tpu.memory_space<hbm>>
      %dma_wait3A_105 = arith.constant 0 : i32
      %dma_wait3A_106 = tpu.memref_slice %arg3[%add3A_19, %dma_wait3A_105] : memref<2560x128xi32, #tpu.memory_space<hbm>> -> memref<40x128xi32, #tpu.memory_space<hbm>>
      tpu.wait_dma2 semaphore(%run_scoped3A : memref<!tpu.dma_semaphore, #tpu.memory_space<semaphore_mem>>) src(%dma_wait3A_106 : memref<40x128xi32, #tpu.memory_space<hbm>>) dst(%arg6 : memref<40x128xi32, #tpu.memory_space<vmem>>)
      tpu.yield
    }) : () -> ()
    "tpu.region"() ({
      %run_scoped3A = tpu.sem_alloc : memref<!tpu.dma_semaphore, #tpu.memory_space<semaphore_mem>>
      %dma_start3A_99 = arith.constant 0 : i32
      %dma_start3A_100 = tpu.memref_slice %arg4[%add3A_19, %dma_start3A_99] : memref<2560x128xi32, #tpu.memory_space<hbm>> -> memref<40x128xi32, #tpu.memory_space<hbm>>
      %dma_start3A_101 = arith.constant 0 : i32
      %dma_start3A_102 = tpu.memref_slice %arg4[%add3A_19, %dma_start3A_101] : memref<2560x128xi32, #tpu.memory_space<hbm>> -> memref<40x128xi32, #tpu.memory_space<hbm>>
      tpu.enqueue_dma source(%dma_start3A_102 : memref<40x128xi32, #tpu.memory_space<hbm>>) target(%arg7 : memref<40x128xi32, #tpu.memory_space<vmem>>) target_semaphore(%run_scoped3A : memref<!tpu.dma_semaphore, #tpu.memory_space<semaphore_mem>>)
      %dma_wait3A_103 = arith.constant 0 : i32
      %dma_wait3A_104 = tpu.memref_slice %arg4[%add3A_19, %dma_wait3A_103] : memref<2560x128xi32, #tpu.memory_space<hbm>> -> memref<40x128xi32, #tpu.memory_space<hbm>>
      %dma_wait3A_105 = arith.constant 0 : i32
      %dma_wait3A_106 = tpu.memref_slice %arg4[%add3A_19, %dma_wait3A_105] : memref<2560x128xi32, #tpu.memory_space<hbm>> -> memref<40x128xi32, #tpu.memory_space<hbm>>
      tpu.wait_dma2 semaphore(%run_scoped3A : memref<!tpu.dma_semaphore, #tpu.memory_space<semaphore_mem>>) src(%dma_wait3A_106 : memref<40x128xi32, #tpu.memory_space<hbm>>) dst(%arg7 : memref<40x128xi32, #tpu.memory_space<vmem>>)
      tpu.yield
    }) : () -> ()
    %dma_start3A = arith.constant 0 : i32
    %dma_start3A_20 = arith.constant 0 : i32
    %dma_start3A_21 = tpu.memref_slice %arg6[%dma_start3A, %dma_start3A_20] : memref<40x128xi32, #tpu.memory_space<vmem>> -> memref<1x128xi32, #tpu.memory_space<vmem>>
    %dma_start3A_22 = tpu.memref_squeeze %dma_start3A_21 : memref<1x128xi32, #tpu.memory_space<vmem>> -> memref<128xi32, #tpu.memory_space<vmem>>
    %dma_start3A_23 = arith.constant 0 : i32
    %dma_start3A_24 = arith.constant 0 : i32
    %dma_start3A_25 = tpu.memref_slice %arg2[%dma_start3A_23, %dma_start3A_24] : memref<10000x128xf32, #tpu.memory_space<hbm>> -> memref<10000x128xf32, #tpu.memory_space<hbm>>
    tpu.enqueue_indirect_dma source(%dma_start3A_25 : memref<10000x128xf32, #tpu.memory_space<hbm>>) target(%arg8 : memref<128x128xf32, #tpu.memory_space<vmem>>) offsets(%dma_start3A_22 : memref<128xi32, #tpu.memory_space<vmem>>) semaphore(%arg11 : memref<!tpu.dma_semaphore, #tpu.memory_space<semaphore_mem>>)
    %dma_start3A_26 = arith.constant 1 : i32
    %dma_start3A_27 = arith.constant 0 : i32
    %dma_start3A_28 = tpu.memref_slice %arg6[%dma_start3A_26, %dma_start3A_27] : memref<40x128xi32, #tpu.memory_space<vmem>> -> memref<1x128xi32, #tpu.memory_space<vmem>>
    %dma_start3A_29 = tpu.memref_squeeze %dma_start3A_28 : memref<1x128xi32, #tpu.memory_space<vmem>> -> memref<128xi32, #tpu.memory_space<vmem>>
    %dma_start3A_30 = arith.constant 0 : i32
    %dma_start3A_31 = arith.constant 0 : i32
    %dma_start3A_32 = tpu.memref_slice %arg2[%dma_start3A_30, %dma_start3A_31] : memref<10000x128xf32, #tpu.memory_space<hbm>> -> memref<10000x128xf32, #tpu.memory_space<hbm>>
    tpu.enqueue_indirect_dma source(%dma_start3A_32 : memref<10000x128xf32, #tpu.memory_space<hbm>>) target(%arg9 : memref<128x128xf32, #tpu.memory_space<vmem>>) offsets(%dma_start3A_29 : memref<128xi32, #tpu.memory_space<vmem>>) semaphore(%arg12 : memref<!tpu.dma_semaphore, #tpu.memory_space<semaphore_mem>>)
    %scan3A_33 = arith.constant 0 : i32
    %scan3A_34 = arith.constant 20 : i32
    %scan3A_35 = arith.addi %scan3A_33, %scan3A_34 : i32
    %scan3A_36 = arith.constant 1 : i32
    scf.for %scan3A_99 = %scan3A_33 to %scan3A_35 step %scan3A_36  : i32 {
      %mul3A_100 = arith.constant 1 : i32
      %mul3A_101 = arith.muli %scan3A_99, %mul3A_100 : i32
      %add3A_102 = arith.constant 0 : i32
      %add3A_103 = arith.addi %add3A_102, %mul3A_101 : i32
      %mul3A_104 = arith.constant 2 : i32
      %mul3A_105 = arith.muli %add3A_103, %mul3A_104 : i32
      %add3A_106 = arith.constant 0 : i32
      %add3A_107 = arith.addi %mul3A_105, %add3A_106 : i32
      %dma_wait3A_108 = arith.constant 0 : i32
      %dma_wait3A_109 = tpu.memref_slice %arg6[%add3A_107, %dma_wait3A_108] : memref<40x128xi32, #tpu.memory_space<vmem>> -> memref<1x128xi32, #tpu.memory_space<vmem>>
      %dma_wait3A_110 = tpu.memref_squeeze %dma_wait3A_109 : memref<1x128xi32, #tpu.memory_space<vmem>> -> memref<128xi32, #tpu.memory_space<vmem>>
      %dma_wait3A_111 = arith.constant 0 : i32
      %dma_wait3A_112 = arith.constant 0 : i32
      %dma_wait3A_113 = tpu.memref_slice %arg2[%dma_wait3A_111, %dma_wait3A_112] : memref<10000x128xf32, #tpu.memory_space<hbm>> -> memref<10000x128xf32, #tpu.memory_space<hbm>>
      tpu.wait_indirect_dma semaphore(%arg11 : memref<!tpu.dma_semaphore, #tpu.memory_space<semaphore_mem>>) src(%dma_wait3A_113 : memref<10000x128xf32, #tpu.memory_space<hbm>>) dst(%arg8 : memref<128x128xf32, #tpu.memory_space<vmem>>)
      %dma_start3A_114 = arith.constant 0 : i32
      %dma_start3A_115 = tpu.memref_slice %arg7[%add3A_107, %dma_start3A_114] : memref<40x128xi32, #tpu.memory_space<vmem>> -> memref<1x128xi32, #tpu.memory_space<vmem>>
      %dma_start3A_116 = tpu.memref_squeeze %dma_start3A_115 : memref<1x128xi32, #tpu.memory_space<vmem>> -> memref<128xi32, #tpu.memory_space<vmem>>
      %dma_start3A_117 = arith.constant 0 : i32
      %dma_start3A_118 = arith.constant 0 : i32
      %dma_start3A_119 = tpu.memref_slice %arg10[%dma_start3A_117, %dma_start3A_118] : memref<10008x128xf32, #tpu.memory_space<vmem_shared>> -> memref<10008x128xf32, #tpu.memory_space<vmem_shared>>
      tpu.enqueue_indirect_dma source(%arg8 : memref<128x128xf32, #tpu.memory_space<vmem>>) target(%dma_start3A_119 : memref<10008x128xf32, #tpu.memory_space<vmem_shared>>) offsets(%dma_start3A_116 : memref<128xi32, #tpu.memory_space<vmem>>) semaphore(%arg13 : memref<!tpu.dma_semaphore, #tpu.memory_space<semaphore_mem>>) {add = true}
      %add3A_120 = arith.constant 1 : i32
      %add3A_121 = arith.addi %mul3A_105, %add3A_120 : i32
      %dma_wait3A_122 = arith.constant 0 : i32
      %dma_wait3A_123 = tpu.memref_slice %arg6[%add3A_121, %dma_wait3A_122] : memref<40x128xi32, #tpu.memory_space<vmem>> -> memref<1x128xi32, #tpu.memory_space<vmem>>
      %dma_wait3A_124 = tpu.memref_squeeze %dma_wait3A_123 : memref<1x128xi32, #tpu.memory_space<vmem>> -> memref<128xi32, #tpu.memory_space<vmem>>
      %dma_wait3A_125 = arith.constant 0 : i32
      %dma_wait3A_126 = arith.constant 0 : i32
      %dma_wait3A_127 = tpu.memref_slice %arg2[%dma_wait3A_125, %dma_wait3A_126] : memref<10000x128xf32, #tpu.memory_space<hbm>> -> memref<10000x128xf32, #tpu.memory_space<hbm>>
      tpu.wait_indirect_dma semaphore(%arg12 : memref<!tpu.dma_semaphore, #tpu.memory_space<semaphore_mem>>) src(%dma_wait3A_127 : memref<10000x128xf32, #tpu.memory_space<hbm>>) dst(%arg9 : memref<128x128xf32, #tpu.memory_space<vmem>>)
      %dma_start3A_128 = arith.constant 0 : i32
      %dma_start3A_129 = tpu.memref_slice %arg7[%add3A_121, %dma_start3A_128] : memref<40x128xi32, #tpu.memory_space<vmem>> -> memref<1x128xi32, #tpu.memory_space<vmem>>
      %dma_start3A_130 = tpu.memref_squeeze %dma_start3A_129 : memref<1x128xi32, #tpu.memory_space<vmem>> -> memref<128xi32, #tpu.memory_space<vmem>>
      %dma_start3A_131 = arith.constant 0 : i32
      %dma_start3A_132 = arith.constant 0 : i32
      %dma_start3A_133 = tpu.memref_slice %arg10[%dma_start3A_131, %dma_start3A_132] : memref<10008x128xf32, #tpu.memory_space<vmem_shared>> -> memref<10008x128xf32, #tpu.memory_space<vmem_shared>>
      tpu.enqueue_indirect_dma source(%arg9 : memref<128x128xf32, #tpu.memory_space<vmem>>) target(%dma_start3A_133 : memref<10008x128xf32, #tpu.memory_space<vmem_shared>>) offsets(%dma_start3A_130 : memref<128xi32, #tpu.memory_space<vmem>>) semaphore(%arg14 : memref<!tpu.dma_semaphore, #tpu.memory_space<semaphore_mem>>) {add = true}
      %lt3A_134 = arith.constant 19 : i32
      %lt3A_135 = arith.cmpi slt, %add3A_103, %lt3A_134 : i32
      %convert_element_type3A_136 = arith.extui %lt3A_135 : i1 to i32
      %cond3A_137 = arith.constant 0 : i32
      %cond3A_138 = arith.cmpi ne, %convert_element_type3A_136, %cond3A_137 : i32
      scf.if %cond3A_138 {
        %add3A_139 = arith.constant 0 : i32
        %add3A_140 = arith.addi %mul3A_105, %add3A_139 : i32
        %dma_wait3A_141 = arith.constant 0 : i32
        %dma_wait3A_142 = tpu.memref_slice %arg7[%add3A_140, %dma_wait3A_141] : memref<40x128xi32, #tpu.memory_space<vmem>> -> memref<1x128xi32, #tpu.memory_space<vmem>>
        %dma_wait3A_143 = tpu.memref_squeeze %dma_wait3A_142 : memref<1x128xi32, #tpu.memory_space<vmem>> -> memref<128xi32, #tpu.memory_space<vmem>>
        %dma_wait3A_144 = arith.constant 0 : i32
        %dma_wait3A_145 = arith.constant 0 : i32
        %dma_wait3A_146 = tpu.memref_slice %arg10[%dma_wait3A_144, %dma_wait3A_145] : memref<10008x128xf32, #tpu.memory_space<vmem_shared>> -> memref<10008x128xf32, #tpu.memory_space<vmem_shared>>
        tpu.wait_indirect_dma semaphore(%arg13 : memref<!tpu.dma_semaphore, #tpu.memory_space<semaphore_mem>>) src(%arg8 : memref<128x128xf32, #tpu.memory_space<vmem>>) dst(%dma_wait3A_146 : memref<10008x128xf32, #tpu.memory_space<vmem_shared>>)
        %add3A_147 = arith.constant 2 : i32
        %add3A_148 = arith.addi %mul3A_105, %add3A_147 : i32
        %add3A_149 = arith.constant 0 : i32
        %add3A_150 = arith.addi %add3A_148, %add3A_149 : i32
        %dma_start3A_151 = arith.constant 0 : i32
        %dma_start3A_152 = tpu.memref_slice %arg6[%add3A_150, %dma_start3A_151] : memref<40x128xi32, #tpu.memory_space<vmem>> -> memref<1x128xi32, #tpu.memory_space<vmem>>
        %dma_start3A_153 = tpu.memref_squeeze %dma_start3A_152 : memref<1x128xi32, #tpu.memory_space<vmem>> -> memref<128xi32, #tpu.memory_space<vmem>>
        %dma_start3A_154 = arith.constant 0 : i32
        %dma_start3A_155 = arith.constant 0 : i32
        %dma_start3A_156 = tpu.memref_slice %arg2[%dma_start3A_154, %dma_start3A_155] : memref<10000x128xf32, #tpu.memory_space<hbm>> -> memref<10000x128xf32, #tpu.memory_space<hbm>>
        tpu.enqueue_indirect_dma source(%dma_start3A_156 : memref<10000x128xf32, #tpu.memory_space<hbm>>) target(%arg8 : memref<128x128xf32, #tpu.memory_space<vmem>>) offsets(%dma_start3A_153 : memref<128xi32, #tpu.memory_space<vmem>>) semaphore(%arg11 : memref<!tpu.dma_semaphore, #tpu.memory_space<semaphore_mem>>)
        %add3A_157 = arith.constant 1 : i32
        %add3A_158 = arith.addi %mul3A_105, %add3A_157 : i32
        %dma_wait3A_159 = arith.constant 0 : i32
        %dma_wait3A_160 = tpu.memref_slice %arg7[%add3A_158, %dma_wait3A_159] : memref<40x128xi32, #tpu.memory_space<vmem>> -> memref<1x128xi32, #tpu.memory_space<vmem>>
        %dma_wait3A_161 = tpu.memref_squeeze %dma_wait3A_160 : memref<1x128xi32, #tpu.memory_space<vmem>> -> memref<128xi32, #tpu.memory_space<vmem>>
        %dma_wait3A_162 = arith.constant 0 : i32
        %dma_wait3A_163 = arith.constant 0 : i32
        %dma_wait3A_164 = tpu.memref_slice %arg10[%dma_wait3A_162, %dma_wait3A_163] : memref<10008x128xf32, #tpu.memory_space<vmem_shared>> -> memref<10008x128xf32, #tpu.memory_space<vmem_shared>>
        tpu.wait_indirect_dma semaphore(%arg14 : memref<!tpu.dma_semaphore, #tpu.memory_space<semaphore_mem>>) src(%arg9 : memref<128x128xf32, #tpu.memory_space<vmem>>) dst(%dma_wait3A_164 : memref<10008x128xf32, #tpu.memory_space<vmem_shared>>)
        %add3A_165 = arith.constant 2 : i32
        %add3A_166 = arith.addi %mul3A_105, %add3A_165 : i32
        %add3A_167 = arith.constant 1 : i32
        %add3A_168 = arith.addi %add3A_166, %add3A_167 : i32
        %dma_start3A_169 = arith.constant 0 : i32
        %dma_start3A_170 = tpu.memref_slice %arg6[%add3A_168, %dma_start3A_169] : memref<40x128xi32, #tpu.memory_space<vmem>> -> memref<1x128xi32, #tpu.memory_space<vmem>>
        %dma_start3A_171 = tpu.memref_squeeze %dma_start3A_170 : memref<1x128xi32, #tpu.memory_space<vmem>> -> memref<128xi32, #tpu.memory_space<vmem>>
        %dma_start3A_172 = arith.constant 0 : i32
        %dma_start3A_173 = arith.constant 0 : i32
        %dma_start3A_174 = tpu.memref_slice %arg2[%dma_start3A_172, %dma_start3A_173] : memref<10000x128xf32, #tpu.memory_space<hbm>> -> memref<10000x128xf32, #tpu.memory_space<hbm>>
        tpu.enqueue_indirect_dma source(%dma_start3A_174 : memref<10000x128xf32, #tpu.memory_space<hbm>>) target(%arg9 : memref<128x128xf32, #tpu.memory_space<vmem>>) offsets(%dma_start3A_171 : memref<128xi32, #tpu.memory_space<vmem>>) semaphore(%arg12 : memref<!tpu.dma_semaphore, #tpu.memory_space<semaphore_mem>>)
      } else {
      }
    }
    %scan3A_37 = arith.constant 20 : i32
    %dma_wait3A = arith.constant 38 : i32
    %dma_wait3A_38 = arith.constant 0 : i32
    %dma_wait3A_39 = tpu.memref_slice %arg7[%dma_wait3A, %dma_wait3A_38] : memref<40x128xi32, #tpu.memory_space<vmem>> -> memref<1x128xi32, #tpu.memory_space<vmem>>
    %dma_wait3A_40 = tpu.memref_squeeze %dma_wait3A_39 : memref<1x128xi32, #tpu.memory_space<vmem>> -> memref<128xi32, #tpu.memory_space<vmem>>
    %dma_wait3A_41 = arith.constant 0 : i32
    %dma_wait3A_42 = arith.constant 0 : i32
    %dma_wait3A_43 = tpu.memref_slice %arg10[%dma_wait3A_41, %dma_wait3A_42] : memref<10008x128xf32, #tpu.memory_space<vmem_shared>> -> memref<10008x128xf32, #tpu.memory_space<vmem_shared>>
    tpu.wait_indirect_dma semaphore(%arg13 : memref<!tpu.dma_semaphore, #tpu.memory_space<semaphore_mem>>) src(%arg8 : memref<128x128xf32, #tpu.memory_space<vmem>>) dst(%dma_wait3A_43 : memref<10008x128xf32, #tpu.memory_space<vmem_shared>>)
    %dma_wait3A_44 = arith.constant 39 : i32
    %dma_wait3A_45 = arith.constant 0 : i32
    %dma_wait3A_46 = tpu.memref_slice %arg7[%dma_wait3A_44, %dma_wait3A_45] : memref<40x128xi32, #tpu.memory_space<vmem>> -> memref<1x128xi32, #tpu.memory_space<vmem>>
    %dma_wait3A_47 = tpu.memref_squeeze %dma_wait3A_46 : memref<1x128xi32, #tpu.memory_space<vmem>> -> memref<128xi32, #tpu.memory_space<vmem>>
    %dma_wait3A_48 = arith.constant 0 : i32
    %dma_wait3A_49 = arith.constant 0 : i32
    %dma_wait3A_50 = tpu.memref_slice %arg10[%dma_wait3A_48, %dma_wait3A_49] : memref<10008x128xf32, #tpu.memory_space<vmem_shared>> -> memref<10008x128xf32, #tpu.memory_space<vmem_shared>>
    tpu.wait_indirect_dma semaphore(%arg14 : memref<!tpu.dma_semaphore, #tpu.memory_space<semaphore_mem>>) src(%arg9 : memref<128x128xf32, #tpu.memory_space<vmem>>) dst(%dma_wait3A_50 : memref<10008x128xf32, #tpu.memory_space<vmem_shared>>)
    %mul3A_51 = arith.constant 80 : i32
    %mul3A_52 = arith.muli %add3A, %mul3A_51 : i32
    %add3A_53 = arith.constant 40 : i32
    %add3A_54 = arith.addi %mul3A_52, %add3A_53 : i32
    "tpu.region"() ({
      %run_scoped3A = tpu.sem_alloc : memref<!tpu.dma_semaphore, #tpu.memory_space<semaphore_mem>>
      %dma_start3A_99 = arith.constant 0 : i32
      %dma_start3A_100 = tpu.memref_slice %arg3[%add3A_54, %dma_start3A_99] : memref<2560x128xi32, #tpu.memory_space<hbm>> -> memref<40x128xi32, #tpu.memory_space<hbm>>
      %dma_start3A_101 = arith.constant 0 : i32
      %dma_start3A_102 = tpu.memref_slice %arg3[%add3A_54, %dma_start3A_101] : memref<2560x128xi32, #tpu.memory_space<hbm>> -> memref<40x128xi32, #tpu.memory_space<hbm>>
      tpu.enqueue_dma source(%dma_start3A_102 : memref<40x128xi32, #tpu.memory_space<hbm>>) target(%arg6 : memref<40x128xi32, #tpu.memory_space<vmem>>) target_semaphore(%run_scoped3A : memref<!tpu.dma_semaphore, #tpu.memory_space<semaphore_mem>>)
      %dma_wait3A_103 = arith.constant 0 : i32
      %dma_wait3A_104 = tpu.memref_slice %arg3[%add3A_54, %dma_wait3A_103] : memref<2560x128xi32, #tpu.memory_space<hbm>> -> memref<40x128xi32, #tpu.memory_space<hbm>>
      %dma_wait3A_105 = arith.constant 0 : i32
      %dma_wait3A_106 = tpu.memref_slice %arg3[%add3A_54, %dma_wait3A_105] : memref<2560x128xi32, #tpu.memory_space<hbm>> -> memref<40x128xi32, #tpu.memory_space<hbm>>
      tpu.wait_dma2 semaphore(%run_scoped3A : memref<!tpu.dma_semaphore, #tpu.memory_space<semaphore_mem>>) src(%dma_wait3A_106 : memref<40x128xi32, #tpu.memory_space<hbm>>) dst(%arg6 : memref<40x128xi32, #tpu.memory_space<vmem>>)
      tpu.yield
    }) : () -> ()
    "tpu.region"() ({
      %run_scoped3A = tpu.sem_alloc : memref<!tpu.dma_semaphore, #tpu.memory_space<semaphore_mem>>
      %dma_start3A_99 = arith.constant 0 : i32
      %dma_start3A_100 = tpu.memref_slice %arg4[%add3A_54, %dma_start3A_99] : memref<2560x128xi32, #tpu.memory_space<hbm>> -> memref<40x128xi32, #tpu.memory_space<hbm>>
      %dma_start3A_101 = arith.constant 0 : i32
      %dma_start3A_102 = tpu.memref_slice %arg4[%add3A_54, %dma_start3A_101] : memref<2560x128xi32, #tpu.memory_space<hbm>> -> memref<40x128xi32, #tpu.memory_space<hbm>>
      tpu.enqueue_dma source(%dma_start3A_102 : memref<40x128xi32, #tpu.memory_space<hbm>>) target(%arg7 : memref<40x128xi32, #tpu.memory_space<vmem>>) target_semaphore(%run_scoped3A : memref<!tpu.dma_semaphore, #tpu.memory_space<semaphore_mem>>)
      %dma_wait3A_103 = arith.constant 0 : i32
      %dma_wait3A_104 = tpu.memref_slice %arg4[%add3A_54, %dma_wait3A_103] : memref<2560x128xi32, #tpu.memory_space<hbm>> -> memref<40x128xi32, #tpu.memory_space<hbm>>
      %dma_wait3A_105 = arith.constant 0 : i32
      %dma_wait3A_106 = tpu.memref_slice %arg4[%add3A_54, %dma_wait3A_105] : memref<2560x128xi32, #tpu.memory_space<hbm>> -> memref<40x128xi32, #tpu.memory_space<hbm>>
      tpu.wait_dma2 semaphore(%run_scoped3A : memref<!tpu.dma_semaphore, #tpu.memory_space<semaphore_mem>>) src(%dma_wait3A_106 : memref<40x128xi32, #tpu.memory_space<hbm>>) dst(%arg7 : memref<40x128xi32, #tpu.memory_space<vmem>>)
      tpu.yield
    }) : () -> ()
    %dma_start3A_55 = arith.constant 0 : i32
    %dma_start3A_56 = arith.constant 0 : i32
    %dma_start3A_57 = tpu.memref_slice %arg6[%dma_start3A_55, %dma_start3A_56] : memref<40x128xi32, #tpu.memory_space<vmem>> -> memref<1x128xi32, #tpu.memory_space<vmem>>
    %dma_start3A_58 = tpu.memref_squeeze %dma_start3A_57 : memref<1x128xi32, #tpu.memory_space<vmem>> -> memref<128xi32, #tpu.memory_space<vmem>>
    %dma_start3A_59 = arith.constant 0 : i32
    %dma_start3A_60 = arith.constant 0 : i32
    %dma_start3A_61 = tpu.memref_slice %arg2[%dma_start3A_59, %dma_start3A_60] : memref<10000x128xf32, #tpu.memory_space<hbm>> -> memref<10000x128xf32, #tpu.memory_space<hbm>>
    tpu.enqueue_indirect_dma source(%dma_start3A_61 : memref<10000x128xf32, #tpu.memory_space<hbm>>) target(%arg8 : memref<128x128xf32, #tpu.memory_space<vmem>>) offsets(%dma_start3A_58 : memref<128xi32, #tpu.memory_space<vmem>>) semaphore(%arg11 : memref<!tpu.dma_semaphore, #tpu.memory_space<semaphore_mem>>)
    %dma_start3A_62 = arith.constant 1 : i32
    %dma_start3A_63 = arith.constant 0 : i32
    %dma_start3A_64 = tpu.memref_slice %arg6[%dma_start3A_62, %dma_start3A_63] : memref<40x128xi32, #tpu.memory_space<vmem>> -> memref<1x128xi32, #tpu.memory_space<vmem>>
    %dma_start3A_65 = tpu.memref_squeeze %dma_start3A_64 : memref<1x128xi32, #tpu.memory_space<vmem>> -> memref<128xi32, #tpu.memory_space<vmem>>
    %dma_start3A_66 = arith.constant 0 : i32
    %dma_start3A_67 = arith.constant 0 : i32
    %dma_start3A_68 = tpu.memref_slice %arg2[%dma_start3A_66, %dma_start3A_67] : memref<10000x128xf32, #tpu.memory_space<hbm>> -> memref<10000x128xf32, #tpu.memory_space<hbm>>
    tpu.enqueue_indirect_dma source(%dma_start3A_68 : memref<10000x128xf32, #tpu.memory_space<hbm>>) target(%arg9 : memref<128x128xf32, #tpu.memory_space<vmem>>) offsets(%dma_start3A_65 : memref<128xi32, #tpu.memory_space<vmem>>) semaphore(%arg12 : memref<!tpu.dma_semaphore, #tpu.memory_space<semaphore_mem>>)
    %scan3A_69 = arith.constant 0 : i32
    %scan3A_70 = arith.constant 20 : i32
    %scan3A_71 = arith.addi %scan3A_69, %scan3A_70 : i32
    %scan3A_72 = arith.constant 1 : i32
    scf.for %scan3A_99 = %scan3A_69 to %scan3A_71 step %scan3A_72  : i32 {
      %mul3A_100 = arith.constant 1 : i32
      %mul3A_101 = arith.muli %scan3A_99, %mul3A_100 : i32
      %add3A_102 = arith.constant 0 : i32
      %add3A_103 = arith.addi %add3A_102, %mul3A_101 : i32
      %mul3A_104 = arith.constant 2 : i32
      %mul3A_105 = arith.muli %add3A_103, %mul3A_104 : i32
      %add3A_106 = arith.constant 0 : i32
      %add3A_107 = arith.addi %mul3A_105, %add3A_106 : i32
      %dma_wait3A_108 = arith.constant 0 : i32
      %dma_wait3A_109 = tpu.memref_slice %arg6[%add3A_107, %dma_wait3A_108] : memref<40x128xi32, #tpu.memory_space<vmem>> -> memref<1x128xi32, #tpu.memory_space<vmem>>
      %dma_wait3A_110 = tpu.memref_squeeze %dma_wait3A_109 : memref<1x128xi32, #tpu.memory_space<vmem>> -> memref<128xi32, #tpu.memory_space<vmem>>
      %dma_wait3A_111 = arith.constant 0 : i32
      %dma_wait3A_112 = arith.constant 0 : i32
      %dma_wait3A_113 = tpu.memref_slice %arg2[%dma_wait3A_111, %dma_wait3A_112] : memref<10000x128xf32, #tpu.memory_space<hbm>> -> memref<10000x128xf32, #tpu.memory_space<hbm>>
      tpu.wait_indirect_dma semaphore(%arg11 : memref<!tpu.dma_semaphore, #tpu.memory_space<semaphore_mem>>) src(%dma_wait3A_113 : memref<10000x128xf32, #tpu.memory_space<hbm>>) dst(%arg8 : memref<128x128xf32, #tpu.memory_space<vmem>>)
      %dma_start3A_114 = arith.constant 0 : i32
      %dma_start3A_115 = tpu.memref_slice %arg7[%add3A_107, %dma_start3A_114] : memref<40x128xi32, #tpu.memory_space<vmem>> -> memref<1x128xi32, #tpu.memory_space<vmem>>
      %dma_start3A_116 = tpu.memref_squeeze %dma_start3A_115 : memref<1x128xi32, #tpu.memory_space<vmem>> -> memref<128xi32, #tpu.memory_space<vmem>>
      %dma_start3A_117 = arith.constant 0 : i32
      %dma_start3A_118 = arith.constant 0 : i32
      %dma_start3A_119 = tpu.memref_slice %arg10[%dma_start3A_117, %dma_start3A_118] : memref<10008x128xf32, #tpu.memory_space<vmem_shared>> -> memref<10008x128xf32, #tpu.memory_space<vmem_shared>>
      tpu.enqueue_indirect_dma source(%arg8 : memref<128x128xf32, #tpu.memory_space<vmem>>) target(%dma_start3A_119 : memref<10008x128xf32, #tpu.memory_space<vmem_shared>>) offsets(%dma_start3A_116 : memref<128xi32, #tpu.memory_space<vmem>>) semaphore(%arg13 : memref<!tpu.dma_semaphore, #tpu.memory_space<semaphore_mem>>) {add = true}
      %add3A_120 = arith.constant 1 : i32
      %add3A_121 = arith.addi %mul3A_105, %add3A_120 : i32
      %dma_wait3A_122 = arith.constant 0 : i32
      %dma_wait3A_123 = tpu.memref_slice %arg6[%add3A_121, %dma_wait3A_122] : memref<40x128xi32, #tpu.memory_space<vmem>> -> memref<1x128xi32, #tpu.memory_space<vmem>>
      %dma_wait3A_124 = tpu.memref_squeeze %dma_wait3A_123 : memref<1x128xi32, #tpu.memory_space<vmem>> -> memref<128xi32, #tpu.memory_space<vmem>>
      %dma_wait3A_125 = arith.constant 0 : i32
      %dma_wait3A_126 = arith.constant 0 : i32
      %dma_wait3A_127 = tpu.memref_slice %arg2[%dma_wait3A_125, %dma_wait3A_126] : memref<10000x128xf32, #tpu.memory_space<hbm>> -> memref<10000x128xf32, #tpu.memory_space<hbm>>
      tpu.wait_indirect_dma semaphore(%arg12 : memref<!tpu.dma_semaphore, #tpu.memory_space<semaphore_mem>>) src(%dma_wait3A_127 : memref<10000x128xf32, #tpu.memory_space<hbm>>) dst(%arg9 : memref<128x128xf32, #tpu.memory_space<vmem>>)
      %dma_start3A_128 = arith.constant 0 : i32
      %dma_start3A_129 = tpu.memref_slice %arg7[%add3A_121, %dma_start3A_128] : memref<40x128xi32, #tpu.memory_space<vmem>> -> memref<1x128xi32, #tpu.memory_space<vmem>>
      %dma_start3A_130 = tpu.memref_squeeze %dma_start3A_129 : memref<1x128xi32, #tpu.memory_space<vmem>> -> memref<128xi32, #tpu.memory_space<vmem>>
      %dma_start3A_131 = arith.constant 0 : i32
      %dma_start3A_132 = arith.constant 0 : i32
      %dma_start3A_133 = tpu.memref_slice %arg10[%dma_start3A_131, %dma_start3A_132] : memref<10008x128xf32, #tpu.memory_space<vmem_shared>> -> memref<10008x128xf32, #tpu.memory_space<vmem_shared>>
      tpu.enqueue_indirect_dma source(%arg9 : memref<128x128xf32, #tpu.memory_space<vmem>>) target(%dma_start3A_133 : memref<10008x128xf32, #tpu.memory_space<vmem_shared>>) offsets(%dma_start3A_130 : memref<128xi32, #tpu.memory_space<vmem>>) semaphore(%arg14 : memref<!tpu.dma_semaphore, #tpu.memory_space<semaphore_mem>>) {add = true}
      %lt3A_134 = arith.constant 19 : i32
      %lt3A_135 = arith.cmpi slt, %add3A_103, %lt3A_134 : i32
      %convert_element_type3A_136 = arith.extui %lt3A_135 : i1 to i32
      %cond3A_137 = arith.constant 0 : i32
      %cond3A_138 = arith.cmpi ne, %convert_element_type3A_136, %cond3A_137 : i32
      scf.if %cond3A_138 {
        %add3A_139 = arith.constant 0 : i32
        %add3A_140 = arith.addi %mul3A_105, %add3A_139 : i32
        %dma_wait3A_141 = arith.constant 0 : i32
        %dma_wait3A_142 = tpu.memref_slice %arg7[%add3A_140, %dma_wait3A_141] : memref<40x128xi32, #tpu.memory_space<vmem>> -> memref<1x128xi32, #tpu.memory_space<vmem>>
        %dma_wait3A_143 = tpu.memref_squeeze %dma_wait3A_142 : memref<1x128xi32, #tpu.memory_space<vmem>> -> memref<128xi32, #tpu.memory_space<vmem>>
        %dma_wait3A_144 = arith.constant 0 : i32
        %dma_wait3A_145 = arith.constant 0 : i32
        %dma_wait3A_146 = tpu.memref_slice %arg10[%dma_wait3A_144, %dma_wait3A_145] : memref<10008x128xf32, #tpu.memory_space<vmem_shared>> -> memref<10008x128xf32, #tpu.memory_space<vmem_shared>>
        tpu.wait_indirect_dma semaphore(%arg13 : memref<!tpu.dma_semaphore, #tpu.memory_space<semaphore_mem>>) src(%arg8 : memref<128x128xf32, #tpu.memory_space<vmem>>) dst(%dma_wait3A_146 : memref<10008x128xf32, #tpu.memory_space<vmem_shared>>)
        %add3A_147 = arith.constant 2 : i32
        %add3A_148 = arith.addi %mul3A_105, %add3A_147 : i32
        %add3A_149 = arith.constant 0 : i32
        %add3A_150 = arith.addi %add3A_148, %add3A_149 : i32
        %dma_start3A_151 = arith.constant 0 : i32
        %dma_start3A_152 = tpu.memref_slice %arg6[%add3A_150, %dma_start3A_151] : memref<40x128xi32, #tpu.memory_space<vmem>> -> memref<1x128xi32, #tpu.memory_space<vmem>>
        %dma_start3A_153 = tpu.memref_squeeze %dma_start3A_152 : memref<1x128xi32, #tpu.memory_space<vmem>> -> memref<128xi32, #tpu.memory_space<vmem>>
        %dma_start3A_154 = arith.constant 0 : i32
        %dma_start3A_155 = arith.constant 0 : i32
        %dma_start3A_156 = tpu.memref_slice %arg2[%dma_start3A_154, %dma_start3A_155] : memref<10000x128xf32, #tpu.memory_space<hbm>> -> memref<10000x128xf32, #tpu.memory_space<hbm>>
        tpu.enqueue_indirect_dma source(%dma_start3A_156 : memref<10000x128xf32, #tpu.memory_space<hbm>>) target(%arg8 : memref<128x128xf32, #tpu.memory_space<vmem>>) offsets(%dma_start3A_153 : memref<128xi32, #tpu.memory_space<vmem>>) semaphore(%arg11 : memref<!tpu.dma_semaphore, #tpu.memory_space<semaphore_mem>>)
        %add3A_157 = arith.constant 1 : i32
        %add3A_158 = arith.addi %mul3A_105, %add3A_157 : i32
        %dma_wait3A_159 = arith.constant 0 : i32
        %dma_wait3A_160 = tpu.memref_slice %arg7[%add3A_158, %dma_wait3A_159] : memref<40x128xi32, #tpu.memory_space<vmem>> -> memref<1x128xi32, #tpu.memory_space<vmem>>
        %dma_wait3A_161 = tpu.memref_squeeze %dma_wait3A_160 : memref<1x128xi32, #tpu.memory_space<vmem>> -> memref<128xi32, #tpu.memory_space<vmem>>
        %dma_wait3A_162 = arith.constant 0 : i32
        %dma_wait3A_163 = arith.constant 0 : i32
        %dma_wait3A_164 = tpu.memref_slice %arg10[%dma_wait3A_162, %dma_wait3A_163] : memref<10008x128xf32, #tpu.memory_space<vmem_shared>> -> memref<10008x128xf32, #tpu.memory_space<vmem_shared>>
        tpu.wait_indirect_dma semaphore(%arg14 : memref<!tpu.dma_semaphore, #tpu.memory_space<semaphore_mem>>) src(%arg9 : memref<128x128xf32, #tpu.memory_space<vmem>>) dst(%dma_wait3A_164 : memref<10008x128xf32, #tpu.memory_space<vmem_shared>>)
        %add3A_165 = arith.constant 2 : i32
        %add3A_166 = arith.addi %mul3A_105, %add3A_165 : i32
        %add3A_167 = arith.constant 1 : i32
        %add3A_168 = arith.addi %add3A_166, %add3A_167 : i32
        %dma_start3A_169 = arith.constant 0 : i32
        %dma_start3A_170 = tpu.memref_slice %arg6[%add3A_168, %dma_start3A_169] : memref<40x128xi32, #tpu.memory_space<vmem>> -> memref<1x128xi32, #tpu.memory_space<vmem>>
        %dma_start3A_171 = tpu.memref_squeeze %dma_start3A_170 : memref<1x128xi32, #tpu.memory_space<vmem>> -> memref<128xi32, #tpu.memory_space<vmem>>
        %dma_start3A_172 = arith.constant 0 : i32
        %dma_start3A_173 = arith.constant 0 : i32
        %dma_start3A_174 = tpu.memref_slice %arg2[%dma_start3A_172, %dma_start3A_173] : memref<10000x128xf32, #tpu.memory_space<hbm>> -> memref<10000x128xf32, #tpu.memory_space<hbm>>
        tpu.enqueue_indirect_dma source(%dma_start3A_174 : memref<10000x128xf32, #tpu.memory_space<hbm>>) target(%arg9 : memref<128x128xf32, #tpu.memory_space<vmem>>) offsets(%dma_start3A_171 : memref<128xi32, #tpu.memory_space<vmem>>) semaphore(%arg12 : memref<!tpu.dma_semaphore, #tpu.memory_space<semaphore_mem>>)
      } else {
      }
    }
    %scan3A_73 = arith.constant 20 : i32
    %dma_wait3A_74 = arith.constant 38 : i32
    %dma_wait3A_75 = arith.constant 0 : i32
    %dma_wait3A_76 = tpu.memref_slice %arg7[%dma_wait3A_74, %dma_wait3A_75] : memref<40x128xi32, #tpu.memory_space<vmem>> -> memref<1x128xi32, #tpu.memory_space<vmem>>
    %dma_wait3A_77 = tpu.memref_squeeze %dma_wait3A_76 : memref<1x128xi32, #tpu.memory_space<vmem>> -> memref<128xi32, #tpu.memory_space<vmem>>
    %dma_wait3A_78 = arith.constant 0 : i32
    %dma_wait3A_79 = arith.constant 0 : i32
    %dma_wait3A_80 = tpu.memref_slice %arg10[%dma_wait3A_78, %dma_wait3A_79] : memref<10008x128xf32, #tpu.memory_space<vmem_shared>> -> memref<10008x128xf32, #tpu.memory_space<vmem_shared>>
    tpu.wait_indirect_dma semaphore(%arg13 : memref<!tpu.dma_semaphore, #tpu.memory_space<semaphore_mem>>) src(%arg8 : memref<128x128xf32, #tpu.memory_space<vmem>>) dst(%dma_wait3A_80 : memref<10008x128xf32, #tpu.memory_space<vmem_shared>>)
    %dma_wait3A_81 = arith.constant 39 : i32
    %dma_wait3A_82 = arith.constant 0 : i32
    %dma_wait3A_83 = tpu.memref_slice %arg7[%dma_wait3A_81, %dma_wait3A_82] : memref<40x128xi32, #tpu.memory_space<vmem>> -> memref<1x128xi32, #tpu.memory_space<vmem>>
    %dma_wait3A_84 = tpu.memref_squeeze %dma_wait3A_83 : memref<1x128xi32, #tpu.memory_space<vmem>> -> memref<128xi32, #tpu.memory_space<vmem>>
    %dma_wait3A_85 = arith.constant 0 : i32
    %dma_wait3A_86 = arith.constant 0 : i32
    %dma_wait3A_87 = tpu.memref_slice %arg10[%dma_wait3A_85, %dma_wait3A_86] : memref<10008x128xf32, #tpu.memory_space<vmem_shared>> -> memref<10008x128xf32, #tpu.memory_space<vmem_shared>>
    tpu.wait_indirect_dma semaphore(%arg14 : memref<!tpu.dma_semaphore, #tpu.memory_space<semaphore_mem>>) src(%arg9 : memref<128x128xf32, #tpu.memory_space<vmem>>) dst(%dma_wait3A_87 : memref<10008x128xf32, #tpu.memory_space<vmem_shared>>)
    %barrier3A_88 = arith.constant 0 : index
    tpu.barrier barrier_id(%barrier3A_88)
    %lt3A_89 = arith.constant 15 : i32
    %lt3A_90 = arith.cmpi slt, %arg1, %lt3A_89 : i32
    %convert_element_type3A_91 = arith.extui %lt3A_90 : i1 to i32
    %cond3A_92 = arith.constant 0 : i32
    %cond3A_93 = arith.cmpi ne, %convert_element_type3A_91, %cond3A_92 : i32
    scf.if %cond3A_93 {
      %mul3A_99 = arith.constant 632 : i32
      %mul3A_100 = arith.muli %arg1, %mul3A_99 : i32
      %mul3A_101 = arith.constant 10000 : i32
      %mul3A_102 = arith.muli %arg0, %mul3A_101 : i32
      %mul3A_103 = arith.constant 632 : i32
      %mul3A_104 = arith.muli %arg1, %mul3A_103 : i32
      %add3A_105 = arith.addi %mul3A_102, %mul3A_104 : i32
      "tpu.region"() ({
        %run_scoped3A = tpu.sem_alloc : memref<!tpu.dma_semaphore, #tpu.memory_space<semaphore_mem>>
        %dma_start3A_106 = arith.constant 0 : i32
        %dma_start3A_107 = tpu.memref_slice %arg5[%add3A_105, %dma_start3A_106] : memref<20000x128xf32, #tpu.memory_space<hbm>> -> memref<632x128xf32, #tpu.memory_space<hbm>>
        %dma_start3A_108 = arith.constant 0 : i32
        %dma_start3A_109 = tpu.memref_slice %arg10[%mul3A_100, %dma_start3A_108] : memref<10008x128xf32, #tpu.memory_space<vmem_shared>> -> memref<632x128xf32, #tpu.memory_space<vmem_shared>>
        tpu.enqueue_dma source(%dma_start3A_109 : memref<632x128xf32, #tpu.memory_space<vmem_shared>>) target(%dma_start3A_107 : memref<632x128xf32, #tpu.memory_space<hbm>>) target_semaphore(%run_scoped3A : memref<!tpu.dma_semaphore, #tpu.memory_space<semaphore_mem>>)
        %dma_wait3A_110 = arith.constant 0 : i32
        %dma_wait3A_111 = tpu.memref_slice %arg5[%add3A_105, %dma_wait3A_110] : memref<20000x128xf32, #tpu.memory_space<hbm>> -> memref<632x128xf32, #tpu.memory_space<hbm>>
        %dma_wait3A_112 = arith.constant 0 : i32
        %dma_wait3A_113 = tpu.memref_slice %arg10[%mul3A_100, %dma_wait3A_112] : memref<10008x128xf32, #tpu.memory_space<vmem_shared>> -> memref<632x128xf32, #tpu.memory_space<vmem_shared>>
        tpu.wait_dma2 semaphore(%run_scoped3A : memref<!tpu.dma_semaphore, #tpu.memory_space<semaphore_mem>>) src(%dma_wait3A_113 : memref<632x128xf32, #tpu.memory_space<vmem_shared>>) dst(%dma_wait3A_111 : memref<632x128xf32, #tpu.memory_space<hbm>>)
        tpu.yield
      }) : () -> ()
    } else {
    }
    %eq3A_94 = arith.constant 15 : i32
    %eq3A_95 = arith.cmpi eq, %arg1, %eq3A_94 : i32
    %convert_element_type3A_96 = arith.extui %eq3A_95 : i1 to i32
    %cond3A_97 = arith.constant 0 : i32
    %cond3A_98 = arith.cmpi ne, %convert_element_type3A_96, %cond3A_97 : i32
    scf.if %cond3A_98 {
      %mul3A_99 = arith.constant 10000 : i32
      %mul3A_100 = arith.muli %arg0, %mul3A_99 : i32
      %add3A_101 = arith.constant 9480 : i32
      %add3A_102 = arith.addi %mul3A_100, %add3A_101 : i32
      "tpu.region"() ({
        %run_scoped3A = tpu.sem_alloc : memref<!tpu.dma_semaphore, #tpu.memory_space<semaphore_mem>>
        %dma_start3A_103 = arith.constant 0 : i32
        %dma_start3A_104 = tpu.memref_slice %arg5[%add3A_102, %dma_start3A_103] : memref<20000x128xf32, #tpu.memory_space<hbm>> -> memref<520x128xf32, #tpu.memory_space<hbm>>
        %dma_start3A_105 = arith.constant 9480 : i32
        %dma_start3A_106 = arith.constant 0 : i32
        %dma_start3A_107 = tpu.memref_slice %arg10[%dma_start3A_105, %dma_start3A_106] : memref<10008x128xf32, #tpu.memory_space<vmem_shared>> -> memref<520x128xf32, #tpu.memory_space<vmem_shared>>
        tpu.enqueue_dma source(%dma_start3A_107 : memref<520x128xf32, #tpu.memory_space<vmem_shared>>) target(%dma_start3A_104 : memref<520x128xf32, #tpu.memory_space<hbm>>) target_semaphore(%run_scoped3A : memref<!tpu.dma_semaphore, #tpu.memory_space<semaphore_mem>>)
        %dma_wait3A_108 = arith.constant 0 : i32
        %dma_wait3A_109 = tpu.memref_slice %arg5[%add3A_102, %dma_wait3A_108] : memref<20000x128xf32, #tpu.memory_space<hbm>> -> memref<520x128xf32, #tpu.memory_space<hbm>>
        %dma_wait3A_110 = arith.constant 9480 : i32
        %dma_wait3A_111 = arith.constant 0 : i32
        %dma_wait3A_112 = tpu.memref_slice %arg10[%dma_wait3A_110, %dma_wait3A_111] : memref<10008x128xf32, #tpu.memory_space<vmem_shared>> -> memref<520x128xf32, #tpu.memory_space<vmem_shared>>
        tpu.wait_dma2 semaphore(%run_scoped3A : memref<!tpu.dma_semaphore, #tpu.memory_space<semaphore_mem>>) src(%dma_wait3A_112 : memref<520x128xf32, #tpu.memory_space<vmem_shared>>) dst(%dma_wait3A_109 : memref<520x128xf32, #tpu.memory_space<hbm>>)
        tpu.yield
      }) : () -> ()
    } else {
    }
    return
  }
}

module attributes {stable_mosaic.version = 14 : i64} {
  func.func @body(%arg0: i32, %arg1: memref<2000x16xf32, #tpu.memory_space<vmem>>, %arg2: memref<2000x16xf32, #tpu.memory_space<vmem>>, %arg3: memref<2000x128xf32, #tpu.memory_space<vmem>>, %arg4: memref<2000x128xf32, #tpu.memory_space<vmem>>) attributes {dimension_semantics = [#tpu.dimension_semantics<arbitrary>], iteration_bounds = array<i64: 5>, scalar_prefetch = 0 : i64, scratch_operands = 0 : i64, tpu.core_type = #tpu.core_type<tc>, window_params = [{transform_indices = @transform_0, window_bounds = array<i64: 2000, 16>}, {transform_indices = @transform_1, window_bounds = array<i64: 2000, 16>}, {transform_indices = @transform_2, window_bounds = array<i64: 2000, 128>}, {transform_indices = @transform_3, window_bounds = array<i64: 2000, 128>}]} {
    %get3A = arith.constant 0 : index
    %get3A_0 = arith.constant 0 : index
    %get3A_1 = vector.load %arg1[%get3A, %get3A_0] : memref<2000x16xf32, #tpu.memory_space<vmem>>, vector<2000x16xf32>
    %get3A_2 = arith.constant 0 : index
    %get3A_3 = arith.constant 0 : index
    %get3A_4 = vector.load %arg2[%get3A_2, %get3A_3] : memref<2000x16xf32, #tpu.memory_space<vmem>>, vector<2000x16xf32>
    %slice3A = vector.extract_strided_slice %get3A_1 {offsets = [0, 0], sizes = [2000, 1], strides = [1, 1]} : vector<2000x16xf32> to vector<2000x1xf32>
    %slice3A_5 = vector.extract_strided_slice %get3A_4 {offsets = [0, 0], sizes = [2000, 1], strides = [1, 1]} : vector<2000x16xf32> to vector<2000x1xf32>
    %add3A = arith.addf %slice3A, %slice3A_5 : vector<2000x1xf32>
    %add3A_6 = arith.constant 1.000000e+00 : f32
    %add3A_7 = vector.broadcast %add3A_6 : f32 to vector<2000x1xf32>
    %add3A_8 = arith.addf %add3A, %add3A_7 : vector<2000x1xf32>
    %rsqrt3A = math.rsqrt %add3A_8 : vector<2000x1xf32>
    %get3A_9 = arith.constant 0 : index
    %get3A_10 = arith.constant 0 : index
    %get3A_11 = vector.load %arg3[%get3A_9, %get3A_10] : memref<2000x128xf32, #tpu.memory_space<vmem>>, vector<2000x128xf32>
    %mul3A = vector.broadcast %rsqrt3A : vector<2000x1xf32> to vector<2000x128xf32>
    %mul3A_12 = arith.mulf %get3A_11, %mul3A : vector<2000x128xf32>
    %swap3A = arith.constant 0 : index
    %swap3A_13 = arith.constant 0 : index
    %swap3A_14 = vector.load %arg4[%swap3A, %swap3A_13] : memref<2000x128xf32, #tpu.memory_space<vmem>>, vector<2000x128xf32>
    tpu.vector_store %arg4[%swap3A, %swap3A_13], %mul3A_12 {strides = array<i32>} : memref<2000x128xf32, #tpu.memory_space<vmem>>, vector<2000x128xf32>,
    return
  }
  func.func @transform_0(%arg0: i32) -> (i32, i32) {
    %c0_i32 = arith.constant 0 : i32
    %c0_i32_0 = arith.constant 0 : i32
    return %arg0, %c0_i32 : i32, i32
  }
  func.func @transform_1(%arg0: i32) -> (i32, i32) {
    %add3A = arith.constant 5 : i32
    %add3A_0 = arith.addi %arg0, %add3A : i32
    %c0_i32 = arith.constant 0 : i32
    %c0_i32_1 = arith.constant 0 : i32
    return %add3A_0, %c0_i32 : i32, i32
  }
  func.func @transform_2(%arg0: i32) -> (i32, i32) {
    %c0_i32 = arith.constant 0 : i32
    %c0_i32_0 = arith.constant 0 : i32
    return %arg0, %c0_i32 : i32, i32
  }
  func.func @transform_3(%arg0: i32) -> (i32, i32) {
    %c0_i32 = arith.constant 0 : i32
    %c0_i32_0 = arith.constant 0 : i32
    return %arg0, %c0_i32 : i32, i32
  }
}

module attributes {stable_mosaic.version = 14 : i64} {
  func.func @body(%arg0: i32, %arg1: memref<2000x16xf32, #tpu.memory_space<vmem>>, %arg2: memref<2000x16xf32, #tpu.memory_space<vmem>>, %arg3: memref<2000x128xf32, #tpu.memory_space<vmem>>, %arg4: memref<2000x128xf32, #tpu.memory_space<vmem>>, %arg5: memref<2000x128xf32, #tpu.memory_space<vmem>>, %arg6: memref<128x128xf32, #tpu.memory_space<vmem>>, %arg7: memref<1x128xf32, #tpu.memory_space<vmem>>, %arg8: memref<2000x128xf32, #tpu.memory_space<vmem>>, %arg9: memref<2000x128xf32, #tpu.memory_space<vmem>>) attributes {dimension_semantics = [#tpu.dimension_semantics<arbitrary>], iteration_bounds = array<i64: 5>, scalar_prefetch = 0 : i64, scratch_operands = 0 : i64, tpu.core_type = #tpu.core_type<tc>, window_params = [{transform_indices = @transform_0, window_bounds = array<i64: 2000, 16>}, {transform_indices = @transform_1, window_bounds = array<i64: 2000, 16>}, {transform_indices = @transform_2, window_bounds = array<i64: 2000, 128>}, {transform_indices = @transform_3, window_bounds = array<i64: 2000, 128>}, {transform_indices = @transform_4, window_bounds = array<i64: 2000, 128>}, {pipeline_mode = #tpu.pipeline_mode<synchronous>, transform_indices = @transform_5, window_bounds = array<i64: 128, 128>}, {pipeline_mode = #tpu.pipeline_mode<synchronous>, transform_indices = @transform_6, window_bounds = array<i64: 1, 128>}, {transform_indices = @transform_7, window_bounds = array<i64: 2000, 128>}, {transform_indices = @transform_8, window_bounds = array<i64: 2000, 128>}]} {
    %get3A = arith.constant 0 : index
    %get3A_0 = arith.constant 0 : index
    %get3A_1 = vector.load %arg1[%get3A, %get3A_0] : memref<2000x16xf32, #tpu.memory_space<vmem>>, vector<2000x16xf32>
    %get3A_2 = arith.constant 0 : index
    %get3A_3 = arith.constant 0 : index
    %get3A_4 = vector.load %arg2[%get3A_2, %get3A_3] : memref<2000x16xf32, #tpu.memory_space<vmem>>, vector<2000x16xf32>
    %slice3A = vector.extract_strided_slice %get3A_1 {offsets = [0, 0], sizes = [2000, 1], strides = [1, 1]} : vector<2000x16xf32> to vector<2000x1xf32>
    %slice3A_5 = vector.extract_strided_slice %get3A_4 {offsets = [0, 0], sizes = [2000, 1], strides = [1, 1]} : vector<2000x16xf32> to vector<2000x1xf32>
    %add3A = arith.addf %slice3A, %slice3A_5 : vector<2000x1xf32>
    %add3A_6 = arith.constant 1.000000e+00 : f32
    %add3A_7 = vector.broadcast %add3A_6 : f32 to vector<2000x1xf32>
    %add3A_8 = arith.addf %add3A, %add3A_7 : vector<2000x1xf32>
    %rsqrt3A = math.rsqrt %add3A_8 : vector<2000x1xf32>
    %get3A_9 = arith.constant 0 : index
    %get3A_10 = arith.constant 0 : index
    %get3A_11 = vector.load %arg3[%get3A_9, %get3A_10] : memref<2000x128xf32, #tpu.memory_space<vmem>>, vector<2000x128xf32>
    %get3A_12 = arith.constant 0 : index
    %get3A_13 = arith.constant 0 : index
    %get3A_14 = vector.load %arg4[%get3A_12, %get3A_13] : memref<2000x128xf32, #tpu.memory_space<vmem>>, vector<2000x128xf32>
    %add3A_15 = arith.addf %get3A_11, %get3A_14 : vector<2000x128xf32>
    %mul3A = vector.broadcast %rsqrt3A : vector<2000x1xf32> to vector<2000x128xf32>
    %mul3A_16 = arith.mulf %add3A_15, %mul3A : vector<2000x128xf32>
    %get3A_17 = arith.constant 0 : index
    %get3A_18 = arith.constant 0 : index
    %get3A_19 = vector.load %arg5[%get3A_17, %get3A_18] : memref<2000x128xf32, #tpu.memory_space<vmem>>, vector<2000x128xf32>
    %div3A = arith.constant 1.000000e+00 : f32
    %div3A_20 = vector.broadcast %div3A : f32 to vector<2000x1xf32>
    %div3A_21 = arith.divf %div3A_20, %add3A_8 : vector<2000x1xf32>
    %mul3A_22 = vector.broadcast %div3A_21 : vector<2000x1xf32> to vector<2000x128xf32>
    %mul3A_23 = arith.mulf %get3A_19, %mul3A_22 : vector<2000x128xf32>
    %add3A_24 = arith.addf %mul3A_16, %mul3A_23 : vector<2000x128xf32>
    %get3A_25 = arith.constant 0 : index
    %get3A_26 = arith.constant 0 : index
    %get3A_27 = vector.load %arg6[%get3A_25, %get3A_26] : memref<128x128xf32, #tpu.memory_space<vmem>>, vector<128x128xf32>
    %dot_general3A = arith.constant dense<0.000000e+00> : vector<2000x128xf32>
    %dot_general3A_28 = tpu.matmul %add3A_24, %get3A_27, %dot_general3A {dimension_numbers = #tpu.dot_dimension_numbers<[1], [0], [0], [1], [0, 0, 1, 1], [], []>, transpose_lhs_hint = false} : vector<2000x128xf32>, vector<128x128xf32>, vector<2000x128xf32> -> vector<2000x128xf32>
    %get3A_29 = arith.constant 0 : index
    %get3A_30 = arith.constant 0 : index
    %get3A_31 = vector.load %arg7[%get3A_29, %get3A_30] : memref<1x128xf32, #tpu.memory_space<vmem>>, vector<1x128xf32>
    %add3A_32 = vector.broadcast %get3A_31 : vector<1x128xf32> to vector<2000x128xf32>
    %add3A_33 = arith.addf %dot_general3A_28, %add3A_32 : vector<2000x128xf32>
    %max3A = arith.constant 0.000000e+00 : f32
    %max3A_34 = vector.broadcast %max3A : f32 to vector<2000x128xf32>
    %max3A_35 = arith.maximumf %add3A_33, %max3A_34 : vector<2000x128xf32>
    %swap3A = arith.constant 0 : index
    %swap3A_36 = arith.constant 0 : index
    %swap3A_37 = vector.load %arg8[%swap3A, %swap3A_36] : memref<2000x128xf32, #tpu.memory_space<vmem>>, vector<2000x128xf32>
    tpu.vector_store %arg8[%swap3A, %swap3A_36], %max3A_35 {strides = array<i32>} : memref<2000x128xf32, #tpu.memory_space<vmem>>, vector<2000x128xf32>,
    %mul3A_38 = vector.broadcast %rsqrt3A : vector<2000x1xf32> to vector<2000x128xf32>
    %mul3A_39 = arith.mulf %max3A_35, %mul3A_38 : vector<2000x128xf32>
    %swap3A_40 = arith.constant 0 : index
    %swap3A_41 = arith.constant 0 : index
    %swap3A_42 = vector.load %arg9[%swap3A_40, %swap3A_41] : memref<2000x128xf32, #tpu.memory_space<vmem>>, vector<2000x128xf32>
    tpu.vector_store %arg9[%swap3A_40, %swap3A_41], %mul3A_39 {strides = array<i32>} : memref<2000x128xf32, #tpu.memory_space<vmem>>, vector<2000x128xf32>,
    return
  }
  func.func @transform_0(%arg0: i32) -> (i32, i32) {
    %c0_i32 = arith.constant 0 : i32
    %c0_i32_0 = arith.constant 0 : i32
    return %arg0, %c0_i32 : i32, i32
  }
  func.func @transform_1(%arg0: i32) -> (i32, i32) {
    %add3A = arith.constant 5 : i32
    %add3A_0 = arith.addi %arg0, %add3A : i32
    %c0_i32 = arith.constant 0 : i32
    %c0_i32_1 = arith.constant 0 : i32
    return %add3A_0, %c0_i32 : i32, i32
  }
  func.func @transform_2(%arg0: i32) -> (i32, i32) {
    %c0_i32 = arith.constant 0 : i32
    %c0_i32_0 = arith.constant 0 : i32
    return %arg0, %c0_i32 : i32, i32
  }
  func.func @transform_3(%arg0: i32) -> (i32, i32) {
    %add3A = arith.constant 5 : i32
    %add3A_0 = arith.addi %arg0, %add3A : i32
    %c0_i32 = arith.constant 0 : i32
    %c0_i32_1 = arith.constant 0 : i32
    return %add3A_0, %c0_i32 : i32, i32
  }
  func.func @transform_4(%arg0: i32) -> (i32, i32) {
    %c0_i32 = arith.constant 0 : i32
    %c0_i32_0 = arith.constant 0 : i32
    return %arg0, %c0_i32 : i32, i32
  }
  func.func @transform_5(%arg0: i32) -> (i32, i32) {
    %c0_i32 = arith.constant 0 : i32
    %c0_i32_0 = arith.constant 0 : i32
    %c0_i32_1 = arith.constant 0 : i32
    return %c0_i32, %c0_i32_0 : i32, i32
  }
  func.func @transform_6(%arg0: i32) -> (i32, i32) {
    %c0_i32 = arith.constant 0 : i32
    %c0_i32_0 = arith.constant 0 : i32
    %c0_i32_1 = arith.constant 0 : i32
    return %c0_i32, %c0_i32_0 : i32, i32
  }
  func.func @transform_7(%arg0: i32) -> (i32, i32) {
    %c0_i32 = arith.constant 0 : i32
    %c0_i32_0 = arith.constant 0 : i32
    return %arg0, %c0_i32 : i32, i32
  }
  func.func @transform_8(%arg0: i32) -> (i32, i32) {
    %c0_i32 = arith.constant 0 : i32
    %c0_i32_0 = arith.constant 0 : i32
    return %arg0, %c0_i32 : i32, i32
  }
}

module attributes {stable_mosaic.version = 14 : i64} {
  func.func @body(%arg0: i32, %arg1: memref<2000x16xf32, #tpu.memory_space<vmem>>, %arg2: memref<2000x16xf32, #tpu.memory_space<vmem>>, %arg3: memref<2000x128xf32, #tpu.memory_space<vmem>>, %arg4: memref<2000x128xf32, #tpu.memory_space<vmem>>, %arg5: memref<2000x128xf32, #tpu.memory_space<vmem>>, %arg6: memref<128x128xf32, #tpu.memory_space<vmem>>, %arg7: memref<1x128xf32, #tpu.memory_space<vmem>>, %arg8: memref<128x128xf32, #tpu.memory_space<vmem>>, %arg9: memref<1x128xf32, #tpu.memory_space<vmem>>, %arg10: memref<2000x128xf32, #tpu.memory_space<vmem>>, %arg11: memref<2000x128xf32, #tpu.memory_space<vmem>>, %arg12: memref<2000x128xf32, #tpu.memory_space<vmem>>, %arg13: memref<2000x128xf32, #tpu.memory_space<vmem>>) attributes {dimension_semantics = [#tpu.dimension_semantics<arbitrary>], iteration_bounds = array<i64: 5>, scalar_prefetch = 0 : i64, scratch_operands = 0 : i64, tpu.core_type = #tpu.core_type<tc>, window_params = [{transform_indices = @transform_0, window_bounds = array<i64: 2000, 16>}, {transform_indices = @transform_1, window_bounds = array<i64: 2000, 16>}, {transform_indices = @transform_2, window_bounds = array<i64: 2000, 128>}, {transform_indices = @transform_3, window_bounds = array<i64: 2000, 128>}, {transform_indices = @transform_4, window_bounds = array<i64: 2000, 128>}, {pipeline_mode = #tpu.pipeline_mode<synchronous>, transform_indices = @transform_5, window_bounds = array<i64: 128, 128>}, {pipeline_mode = #tpu.pipeline_mode<synchronous>, transform_indices = @transform_6, window_bounds = array<i64: 1, 128>}, {pipeline_mode = #tpu.pipeline_mode<synchronous>, transform_indices = @transform_7, window_bounds = array<i64: 128, 128>}, {pipeline_mode = #tpu.pipeline_mode<synchronous>, transform_indices = @transform_8, window_bounds = array<i64: 1, 128>}, {transform_indices = @transform_9, window_bounds = array<i64: 2000, 128>}, {transform_indices = @transform_10, window_bounds = array<i64: 2000, 128>}, {transform_indices = @transform_11, window_bounds = array<i64: 2000, 128>}, {transform_indices = @transform_12, window_bounds = array<i64: 2000, 128>}]} {
    %get3A = arith.constant 0 : index
    %get3A_0 = arith.constant 0 : index
    %get3A_1 = vector.load %arg1[%get3A, %get3A_0] : memref<2000x16xf32, #tpu.memory_space<vmem>>, vector<2000x16xf32>
    %get3A_2 = arith.constant 0 : index
    %get3A_3 = arith.constant 0 : index
    %get3A_4 = vector.load %arg2[%get3A_2, %get3A_3] : memref<2000x16xf32, #tpu.memory_space<vmem>>, vector<2000x16xf32>
    %slice3A = vector.extract_strided_slice %get3A_1 {offsets = [0, 0], sizes = [2000, 1], strides = [1, 1]} : vector<2000x16xf32> to vector<2000x1xf32>
    %slice3A_5 = vector.extract_strided_slice %get3A_4 {offsets = [0, 0], sizes = [2000, 1], strides = [1, 1]} : vector<2000x16xf32> to vector<2000x1xf32>
    %add3A = arith.addf %slice3A, %slice3A_5 : vector<2000x1xf32>
    %add3A_6 = arith.constant 1.000000e+00 : f32
    %add3A_7 = vector.broadcast %add3A_6 : f32 to vector<2000x1xf32>
    %add3A_8 = arith.addf %add3A, %add3A_7 : vector<2000x1xf32>
    %rsqrt3A = math.rsqrt %add3A_8 : vector<2000x1xf32>
    %get3A_9 = arith.constant 0 : index
    %get3A_10 = arith.constant 0 : index
    %get3A_11 = vector.load %arg3[%get3A_9, %get3A_10] : memref<2000x128xf32, #tpu.memory_space<vmem>>, vector<2000x128xf32>
    %get3A_12 = arith.constant 0 : index
    %get3A_13 = arith.constant 0 : index
    %get3A_14 = vector.load %arg4[%get3A_12, %get3A_13] : memref<2000x128xf32, #tpu.memory_space<vmem>>, vector<2000x128xf32>
    %add3A_15 = arith.addf %get3A_11, %get3A_14 : vector<2000x128xf32>
    %mul3A = vector.broadcast %rsqrt3A : vector<2000x1xf32> to vector<2000x128xf32>
    %mul3A_16 = arith.mulf %add3A_15, %mul3A : vector<2000x128xf32>
    %get3A_17 = arith.constant 0 : index
    %get3A_18 = arith.constant 0 : index
    %get3A_19 = vector.load %arg5[%get3A_17, %get3A_18] : memref<2000x128xf32, #tpu.memory_space<vmem>>, vector<2000x128xf32>
    %div3A = arith.constant 1.000000e+00 : f32
    %div3A_20 = vector.broadcast %div3A : f32 to vector<2000x1xf32>
    %div3A_21 = arith.divf %div3A_20, %add3A_8 : vector<2000x1xf32>
    %mul3A_22 = vector.broadcast %div3A_21 : vector<2000x1xf32> to vector<2000x128xf32>
    %mul3A_23 = arith.mulf %get3A_19, %mul3A_22 : vector<2000x128xf32>
    %add3A_24 = arith.addf %mul3A_16, %mul3A_23 : vector<2000x128xf32>
    %get3A_25 = arith.constant 0 : index
    %get3A_26 = arith.constant 0 : index
    %get3A_27 = vector.load %arg6[%get3A_25, %get3A_26] : memref<128x128xf32, #tpu.memory_space<vmem>>, vector<128x128xf32>
    %dot_general3A = arith.constant dense<0.000000e+00> : vector<2000x128xf32>
    %dot_general3A_28 = tpu.matmul %add3A_24, %get3A_27, %dot_general3A {dimension_numbers = #tpu.dot_dimension_numbers<[1], [0], [0], [1], [0, 0, 1, 1], [], []>, transpose_lhs_hint = false} : vector<2000x128xf32>, vector<128x128xf32>, vector<2000x128xf32> -> vector<2000x128xf32>
    %get3A_29 = arith.constant 0 : index
    %get3A_30 = arith.constant 0 : index
    %get3A_31 = vector.load %arg7[%get3A_29, %get3A_30] : memref<1x128xf32, #tpu.memory_space<vmem>>, vector<1x128xf32>
    %add3A_32 = vector.broadcast %get3A_31 : vector<1x128xf32> to vector<2000x128xf32>
    %add3A_33 = arith.addf %dot_general3A_28, %add3A_32 : vector<2000x128xf32>
    %get3A_34 = arith.constant 0 : index
    %get3A_35 = arith.constant 0 : index
    %get3A_36 = vector.load %arg8[%get3A_34, %get3A_35] : memref<128x128xf32, #tpu.memory_space<vmem>>, vector<128x128xf32>
    %dot_general3A_37 = arith.constant dense<0.000000e+00> : vector<2000x128xf32>
    %dot_general3A_38 = tpu.matmul %add3A_24, %get3A_36, %dot_general3A_37 {dimension_numbers = #tpu.dot_dimension_numbers<[1], [0], [0], [1], [0, 0, 1, 1], [], []>, transpose_lhs_hint = false} : vector<2000x128xf32>, vector<128x128xf32>, vector<2000x128xf32> -> vector<2000x128xf32>
    %get3A_39 = arith.constant 0 : index
    %get3A_40 = arith.constant 0 : index
    %get3A_41 = vector.load %arg9[%get3A_39, %get3A_40] : memref<1x128xf32, #tpu.memory_space<vmem>>, vector<1x128xf32>
    %add3A_42 = vector.broadcast %get3A_41 : vector<1x128xf32> to vector<2000x128xf32>
    %add3A_43 = arith.addf %dot_general3A_38, %add3A_42 : vector<2000x128xf32>
    %swap3A = arith.constant 0 : index
    %swap3A_44 = arith.constant 0 : index
    %swap3A_45 = vector.load %arg12[%swap3A, %swap3A_44] : memref<2000x128xf32, #tpu.memory_space<vmem>>, vector<2000x128xf32>
    tpu.vector_store %arg12[%swap3A, %swap3A_44], %add3A_33 {strides = array<i32>} : memref<2000x128xf32, #tpu.memory_space<vmem>>, vector<2000x128xf32>,
    %swap3A_46 = arith.constant 0 : index
    %swap3A_47 = arith.constant 0 : index
    %swap3A_48 = vector.load %arg13[%swap3A_46, %swap3A_47] : memref<2000x128xf32, #tpu.memory_space<vmem>>, vector<2000x128xf32>
    tpu.vector_store %arg13[%swap3A_46, %swap3A_47], %add3A_43 {strides = array<i32>} : memref<2000x128xf32, #tpu.memory_space<vmem>>, vector<2000x128xf32>,
    %exp3A = math.exp %add3A_43 : vector<2000x128xf32>
    %get3A_49 = arith.constant 0 : index
    %get3A_50 = arith.constant 0 : index
    %get3A_51 = vector.load %arg10[%get3A_49, %get3A_50] : memref<2000x128xf32, #tpu.memory_space<vmem>>, vector<2000x128xf32>
    %mul3A_52 = arith.mulf %exp3A, %get3A_51 : vector<2000x128xf32>
    %add3A_53 = arith.addf %add3A_33, %mul3A_52 : vector<2000x128xf32>
    %swap3A_54 = arith.constant 0 : index
    %swap3A_55 = arith.constant 0 : index
    %swap3A_56 = vector.load %arg11[%swap3A_54, %swap3A_55] : memref<2000x128xf32, #tpu.memory_space<vmem>>, vector<2000x128xf32>
    tpu.vector_store %arg11[%swap3A_54, %swap3A_55], %add3A_53 {strides = array<i32>} : memref<2000x128xf32, #tpu.memory_space<vmem>>, vector<2000x128xf32>,
    return
  }
  func.func @transform_0(%arg0: i32) -> (i32, i32) {
    %c0_i32 = arith.constant 0 : i32
    %c0_i32_0 = arith.constant 0 : i32
    return %arg0, %c0_i32 : i32, i32
  }
  func.func @transform_1(%arg0: i32) -> (i32, i32) {
    %add3A = arith.constant 5 : i32
    %add3A_0 = arith.addi %arg0, %add3A : i32
    %c0_i32 = arith.constant 0 : i32
    %c0_i32_1 = arith.constant 0 : i32
    return %add3A_0, %c0_i32 : i32, i32
  }
  func.func @transform_2(%arg0: i32) -> (i32, i32) {
    %c0_i32 = arith.constant 0 : i32
    %c0_i32_0 = arith.constant 0 : i32
    return %arg0, %c0_i32 : i32, i32
  }
  func.func @transform_3(%arg0: i32) -> (i32, i32) {
    %add3A = arith.constant 5 : i32
    %add3A_0 = arith.addi %arg0, %add3A : i32
    %c0_i32 = arith.constant 0 : i32
    %c0_i32_1 = arith.constant 0 : i32
    return %add3A_0, %c0_i32 : i32, i32
  }
  func.func @transform_4(%arg0: i32) -> (i32, i32) {
    %c0_i32 = arith.constant 0 : i32
    %c0_i32_0 = arith.constant 0 : i32
    return %arg0, %c0_i32 : i32, i32
  }
  func.func @transform_5(%arg0: i32) -> (i32, i32) {
    %c0_i32 = arith.constant 0 : i32
    %c0_i32_0 = arith.constant 0 : i32
    %c0_i32_1 = arith.constant 0 : i32
    return %c0_i32, %c0_i32_0 : i32, i32
  }
  func.func @transform_6(%arg0: i32) -> (i32, i32) {
    %c0_i32 = arith.constant 0 : i32
    %c0_i32_0 = arith.constant 0 : i32
    %c0_i32_1 = arith.constant 0 : i32
    return %c0_i32, %c0_i32_0 : i32, i32
  }
  func.func @transform_7(%arg0: i32) -> (i32, i32) {
    %c0_i32 = arith.constant 0 : i32
    %c0_i32_0 = arith.constant 0 : i32
    %c0_i32_1 = arith.constant 0 : i32
    return %c0_i32, %c0_i32_0 : i32, i32
  }
  func.func @transform_8(%arg0: i32) -> (i32, i32) {
    %c0_i32 = arith.constant 0 : i32
    %c0_i32_0 = arith.constant 0 : i32
    %c0_i32_1 = arith.constant 0 : i32
    return %c0_i32, %c0_i32_0 : i32, i32
  }
  func.func @transform_9(%arg0: i32) -> (i32, i32) {
    %c0_i32 = arith.constant 0 : i32
    %c0_i32_0 = arith.constant 0 : i32
    return %arg0, %c0_i32 : i32, i32
  }
  func.func @transform_10(%arg0: i32) -> (i32, i32) {
    %c0_i32 = arith.constant 0 : i32
    %c0_i32_0 = arith.constant 0 : i32
    return %arg0, %c0_i32 : i32, i32
  }
  func.func @transform_11(%arg0: i32) -> (i32, i32) {
    %c0_i32 = arith.constant 0 : i32
    %c0_i32_0 = arith.constant 0 : i32
    return %arg0, %c0_i32 : i32, i32
  }
  func.func @transform_12(%arg0: i32) -> (i32, i32) {
    %c0_i32 = arith.constant 0 : i32
    %c0_i32_0 = arith.constant 0 : i32
    return %arg0, %c0_i32 : i32, i32
  }
}

</mosaic_0001>

<sc_bundles>
// kernel: kernel.11.cloned.1.call-start
scs
__scs_entry_jumppad:
0x0: {  	(pc) =	sbr.rel $0x88, $3  }
0x1: {  	(tag) =	ssettag $0x0;
	lr =	simm.s32 $0x1  }
0x2: {  	[smem:$0x3F98] =	sst lr;
	_ =	strace $0xD0000000  }
0x3: {  	_ = 	snop  }
0x4: {  	_ = 	snop  }
0x5: {  	_ = 	snop  }
0x6: {  	_ = 	snop  }
0x7: {  	_ = 	snop  }
__scs_overlays_trampoline_lowered:
0x8: {  	[smem:$0x3FA7] =	sst s0  }
0x9: {  	[smem:$0x3FA8] =	sst s1  }
0xa: {  	[smem:$0x3FA9] =	sst s2  }
0xb: {  	[smem:$0x3FAA] =	sst s3  }
0xc: {  	[smem:$0x3FAB] =	sst s4  }
0xd: {  	[smem:$0x3FAC] =	sst s5  }
0xe: {  	[smem:$0x3FAD] =	sst s6  }
0xf: {  	[smem:$0x3FAE] =	sst s7  }
0x10: {  	[smem:$0x3FAF] =	sst s8  }
0x11: {  	[smem:$0x3FB0] =	sst s9;
	s0 =	simm.s32 @!p0 $0x0  }
0x12: {  	s1 =	sld [smem:$0x3F96];
	s0 =	simm.s32 @p0 $0x1  }
0x13: {  	[smem:$0x3FB1] =	sst s0;
	s0 =	simm.s32 @!p1 $0x0  }
0x14: {  	s2 =	sld [smem:$0x3F95];
	s0 =	simm.s32 @p1 $0x1  }
0x15: {  	[smem:$0x3FB2] =	sst s0;
	s0 =	simm.s32 @!p2 $0x0  }
0x16: {  	s3 =	sld [smem:$0x3FDB];
	s0 =	simm.s32 @p2 $0x1  }
0x17: {  	s4 =	simm.s32 $0x1BF5;
	[smem:$0x3FB4] =	sst s0  }
0x18: {  	s0 =	sld [smem:$0x3F97];
	_ =	swait.ge [sflag:s4], $0x0  }
0x19: {  	s7 =	sld [smem:$0x3F98]  }
0x1a: {  	s8 =	sadd.s32 $0xFFFFE003, lr  }
0x1b: {  	s9 =	sadd.s32 $0xFFFFFEF7, lr;
	s5 =	simm.s32 $0xFFFFFFFF;
	p2 =	slt.u32 s8, $0xFFFFF086  }
0x1c: {  	p1 =	slt.u32 s9, $0xF7A;
	s5 =	simm.s32 @!p2 $0x0  }
0x1d: {  	s5 =	simm.s32 @p1 $0x1;
	p0 =	seq.s32 s7, s2  }
0x1e: {  	s7 =	smul.u32 @!p0 $0xF7A, s2;
	p2 =	seq.s32 @!p0 s5, $0x0  }
0x1f: {  	s9 =	smul.u32 $0xF7A, s1;
	s8 =	simm.s32 @!p0 $0x1BF5;
	p2 =	por !p2, p0  }
0x20: {  	[sflag:s8] =	ssyncset.s32 @!p0 $0xFFFFF086;
	s6 =	sadd.s32 @!p0 s3, s7;
	s7 =	simm.s32 @!p0 $0x108  }
0x21: {  	s3 =	sadd.s32 s3, s9;
	s6 =	sadd.s32 @!p0 $0x88, s6;
	s7 =	simm.s32 @p2 $0x1082  }
0x22: {  	[simem:s7], [sflag:s8] =	dma.local @!p0 [hbm:s6], $0xF7A  }
0x23: {  	s9 =	sor.u32 $0xD0000000, s2;
	s6 =	simm.s32 $0x108;
	_ =	swait.ge @!p0 [sflag:s8], $0x0  }
0x24: {  	s3 =	sadd.s32 $0x88, s3;
	s6 =	simm.s32 @!p1 $0x1082;
	[sflag:s4] =	ssyncset.s32 $0xFFFFF086  }
0x25: {  	[simem:s6], [sflag:s4] =	dma.local [hbm:s3], $0xF7A  }
0x26: {  	[smem:$0x3F98] =	sst s1;
	(tag) =	ssettag s2;
	_ =	strace s9  }
0x27: {  	s1 =	sld [smem:$0x3FA8]  }
0x28: {  	s2 =	sld [smem:$0x3FA9]  }
0x29: {  	s4 =	sld [smem:$0x3FAB]  }
0x2a: {  	p0 =	seq.s32 s5, $0x0;
	s5 =	sld [smem:$0x3FAC]  }
0x2b: {  	s6 =	sld [smem:$0x3FAD]  }
0x2c: {  	s7 =	sld [smem:$0x3FAE]  }
0x2d: {  	s3 =	simm.s32 $0x108;
	s8 =	sld [smem:$0x3FAF]  }
0x2e: {  	s3 =	simm.s32 @!p0 $0x1082;
	s9 =	sld [smem:$0x3FB0]  }
0x2f: {  	lr =	sadd.s32 s0, s3;
	s0 =	sld [smem:$0x3FA7]  }
0x30: {  	s3 =	sld [smem:$0x3FAA]  }
0x31: {  	[smem:$0x3FB3] =	sst s10  }
0x32: {  	s10 =	sld [smem:$0x3FB1];
	_ =	sdelay $0x3  }
0x33: {  	p0 =	seq.s32 s10, $0x1;
	s10 =	sld [smem:$0x3FB3];
	_ =	sdelay $0x3  }
0x34: {  	[smem:$0x3FB3] =	sst s10  }
0x35: {  	s10 =	sld [smem:$0x3FB2];
	_ =	sdelay $0x3  }
0x36: {  	p1 =	seq.s32 s10, $0x1;
	s10 =	sld [smem:$0x3FB3];
	_ =	sdelay $0x3  }
0x37: {  	[smem:$0x3FB3] =	sst s10  }
0x38: {  	s10 =	sld [smem:$0x3FB4]  }
0x39: {  	_ = 	snop;
	(pc) =	sbr.ind lr, $3  }
0x3a: {  	_ = 	snop  }
0x3b: {  	_ = 	snop  }
0x3c: {  	p2 =	seq.s32 s10, $0x1;
	s10 =	sld [smem:$0x3FB3]  }
0x3d: {  	_ =	shalt  }
0x3e: {  	_ =	shalt  }
0x3f: {  	_ =	shalt  }
0x40: {  	_ =	shalt  }
0x41: {  	_ =	shalt  }
0x42: {  	_ =	shalt  }
0x43: {  	_ =	shalt  }
0x44: {  	_ =	shalt  }
0x45: {  	_ =	shalt  }
0x46: {  	_ =	shalt  }
0x47: {  	_ =	shalt  }
0x48: {  	_ =	shalt  }
0x49: {  	_ =	shalt  }
0x4a: {  	_ =	shalt  }
0x4b: {  	_ =	shalt  }
0x4c: {  	_ =	shalt  }
0x4d: {  	_ =	shalt  }
0x4e: {  	_ =	shalt  }
0x4f: {  	_ =	shalt  }
0x50: {  	_ =	shalt  }
0x51: {  	_ =	shalt  }
0x52: {  	_ =	shalt  }
0x53: {  	_ =	shalt  }
0x54: {  	_ =	shalt  }
0x55: {  	_ =	shalt  }
0x56: {  	_ =	shalt  }
0x57: {  	_ =	shalt  }
0x58: {  	_ =	shalt  }
0x59: {  	_ =	shalt  }
0x5a: {  	_ =	shalt  }
0x5b: {  	_ =	shalt  }
0x5c: {  	_ =	shalt  }
0x5d: {  	_ =	shalt  }
0x5e: {  	_ =	shalt  }
0x5f: {  	_ =	shalt  }
0x60: {  	_ =	shalt  }
0x61: {  	_ =	shalt  }
0x62: {  	_ =	shalt  }
0x63: {  	_ =	shalt  }
0x64: {  	_ =	shalt  }
0x65: {  	_ =	shalt  }
0x66: {  	_ =	shalt  }
0x67: {  	_ =	shalt  }
0x68: {  	_ =	shalt  }
0x69: {  	_ =	shalt  }
0x6a: {  	_ =	shalt  }
0x6b: {  	_ =	shalt  }
0x6c: {  	_ =	shalt  }
0x6d: {  	_ =	shalt  }
0x6e: {  	_ =	shalt  }
0x6f: {  	_ =	shalt  }
0x70: {  	_ =	shalt  }
0x71: {  	_ =	shalt  }
0x72: {  	_ =	shalt  }
0x73: {  	_ =	shalt  }
0x74: {  	_ =	shalt  }
0x75: {  	_ =	shalt  }
0x76: {  	_ =	shalt  }
0x77: {  	_ =	shalt  }
0x78: {  	_ =	shalt  }
0x79: {  	_ =	shalt  }
0x7a: {  	_ =	shalt  }
0x7b: {  	_ =	shalt  }
0x7c: {  	_ =	shalt  }
0x7d: {  	_ =	shalt  }
0x7e: {  	_ =	shalt  }
0x7f: {  	_ =	shalt  }
0x80: {  	_ =	shalt  }
0x81: {  	_ =	shalt  }
0x82: {  	_ =	shalt  }
0x83: {  	_ =	shalt  }
0x84: {  	_ =	shalt  }
0x85: {  	_ =	shalt  }
0x86: {  	_ =	shalt  }
0x87: {  	_ =	shalt  }
.Lfunc_end0:
.L_simem_size_0:
called_computation.1_lowered:
.L_overlay_start_0:
0x88: {  	s2 =	sld [smem:$0x3FD9]  }
0x89: {  	s3 =	sld [smem:$0x3FFE];
	_ =	sdelay $0x1  }
0x8a: {  	s1 =	srdreg.scid  }
0x8b: {  	s0 =	sand.u32 $0x1, s1  }
0x8c: {  	s14 =	sshll.u32 s0, $0xA;
	s2 =	sadd.s32 s3, s2  }
0x8d: {  	s2 =	sadd.s32 s2, s14  }
0x8e: {  	[smem:$0x3FBF] =	sst s2  }
0x8f: {  	_ = 	snop  }
0x90: {  	s2 =	sld [smem:$0x3FD0];
	_ =	sdelay $0x2  }
0x91: {  	s15 =	simm.s32 $0xA;
	s4 =	simm.s32 $0x10  }
0x92: {  	[smem:s4], [sflag:s15] =	dma.local [hbm:s2], $0x1  }
0x93: {  	_ =	swait.eq [sflag:s15], $0x1  }
0x94: {  	s16 =	sld [smem:$0x10];
	[sflag:s15] =	ssyncset.done $0x0  }
0x95: {  	s17 =	sld [smem:$0x11];
	[sflag:s15] =	ssyncadd.s32 $0xFFFFFFFF  }
0x96: {  	s18 =	sld [smem:$0x12];
	(tm) =	ssettm $0x1  }
0x97: {  	s5 =	sld [smem:$0x3FFB];
	_ =	sdelay $0x3  }
0x98: {  	_ =	strace s5  }
0x99: {  	s5 =	sld [smem:$0x3FFC];
	_ =	sdelay $0x3  }
0x9a: {  	_ =	strace s5  }
0x9b: {  	s5 =	sld [smem:$0x3FFD];
	_ =	sdelay $0x3  }
0x9c: {  	_ =	strace s5  }
0x9d: {  	_ =	strace $0x8FFFFFFF  }
0x9e: {  	s19 =	sld [smem:$0x3FDB];
	_ =	sdelay $0x1  }
0x9f: {  	s6 =	simm.s32 $_scs_section_size  }
0xa0: {  	s7 =	simm.s32 $_size__tile_overlayer_lowered;
	s8 =	simm.s32 $_tile_overlayer_lowered  }
0xa1: {  	s22 =	simm.s32 $0x1BFF;
	s21 =	sshll.u32 s8, $0x1;
	s5 =	sadd.s32 s6, s19  }
0xa2: {  	s9 =	simm.s32 $0x0;
	s20 =	sshll.u32 s7, $0x1;
	s7 =	sadd.s32 s21, s5  }
0xa3: {  	[timem:s9], [sflag:s22] =	dma.local [hbm:s7], s20  }
0xa4: {  	_ =	swait.ge [sflag:s22], s20  }
0xa5: {  	s6 =	ssub.s32 $0x0, s20;
	[sflag:s22] =	ssyncset.done $0x0  }
0xa6: {  	[sflag:s22] =	ssyncadd.s32 s6;
	_ =	sdelay $0x1  }
0xa7: {  	s23 =	simm.s32 $0x1B8B  }
0xa8: {  	_ =	swait.ge [sflag:s23], $0x1  }
0xa9: {  	[sflag:s23] =	ssyncset.done $0x0  }
0xaa: {  	s25 =	simm.s32 $0x1B8E;
	s24 =	sld [smem:$0x3FFE];
	[sflag:s23] =	ssyncadd.s32 $0xFFFFFFFF  }
0xab: {  	s26 =	simm.s32 $execute0_lowered;
	[smem:$0x3FD2] =	sst s25  }
0xac: {  	s7 =	sshll.u32 s26, $0x1;
	_ =	strace $0x80000049;
	[dreg:$0x1] =	wrdreg $0xFFFFFFFF  }
0xad: {  	s28 =	simm.s32 $_size_execute0_lowered;
	s5 =	sadd.s32 s5, s7;
	[dreg:$0x0] =	wrdreg $0x0  }
0xae: {  	s7 =	sshll.u32 s28, $0x1;
	[dreg:$0x2] =	wrdreg s5  }
0xaf: {  	[dreg:$0x3] =	wrdreg s7  }
0xb0: {  	[dreg:$0x4] =	wrdreg $0xC0  }
0xb1: {  	_ =	task [dreg:s9], $0x5FFFF  }
0xb2: {  	[dreg:$0x1] =	wrdreg $0xFFFFFFFF  }
0xb3: {  	[dreg:$0x0] =	wrdreg $0x60  }
0xb4: {  	[dreg:$0x2] =	wrdreg s18  }
0xb5: {  	[dreg:$0x3] =	wrdreg s17  }
0xb6: {  	[dreg:$0x4] =	wrdreg s16  }
0xb7: {  	[dreg:$0x5] =	wrdreg s24  }
0xb8: {  	[dreg:$0x6] =	wrdreg $0xA8000  }
0xb9: {  	[dreg:$0x7] =	wrdreg $0x9  }
0xba: {  	_ =	task.clear_ibuf [dreg:s9], $0x8FFFF;
	_ =	strace $0x90000049  }
0xbb: {  	s29 =	simm.s32 $0x9;
	_ =	strace $0x8000004B  }
0xbc: {  	_ =	swait.ge [sflag:s29], $0x1  }
0xbd: {  	[sflag:s29] =	ssyncadd.s32 $0xFFFFFFFF  }
0xbe: {  	_ =	strace $0x9000004B  }
0xbf: {  	_ =	sfence  }
0xc0: {  	s30 =	sld [smem:$0x0];
	_ =	sdelay $0x2  }
0xc1: {  	s31 =	sshll.u32 s1, $0xD;
	s1 =	sshrl.u32 s1, $0x2  }
0xc2: {  	s3 =	sand.u32 $0x4000, s31;
	s1 =	sadd.s32 s1, s30  }
0xc3: {  	s0 =	sor.u32 s3, s0;
	s1 =	sshll.u32 s1, $0x11  }
0xc4: {  	s0 =	sor.u32 s1, s0  }
0xc5: {  	s0 =	sadd.s32 $0x8F2B, s0  }
0xc6: {  	[sflag:s0] =	ssyncadd.remote.s32 $0x1  }
0xc7: {  	_ =	sfence.sel $0xFFFF  }
0xc8: {  	[dreg:$0x0] =	wrdreg $0xFFFFFFFF;
	(pc) =	sbr.abs _section_cstart, $3  }
0xc9: {  	[dreg:$0x1] =	wrdreg $0xFFFFFFFF  }
0xca: {  	_ =	task.clear_ibuf [dreg:s9], $0x2FFFF;
	_ =	strace $0x9FFFFFFF  }
0xcb: {  	(tm) =	ssettm $0x7FFFFFFF  }
tec
execute0_lowered:
.L_overlay_start_1:
0x0: {  	(tag) =	ssettag $0x1  }
0x1: {  	s1 =	rddreg [dreg:$0x0]  }
0x2: {  	s0 =	rddreg [dreg:$0x1]  }
0x3: {  	s11 =	rddreg [dreg:$0x2]  }
0x4: {  	s5 =	rddreg [dreg:$0x3]  }
0x5: {  	s3 =	rddreg [dreg:$0x4]  }
0x6: {  	s4 =	simm.s32 $0x0;
	s6 =	srdreg.scid;
	s2 =	stileid.u32  }
0x7: {  	s18 =	simm.s32 $0x2800;
	s19 =	simm.s32 $0x5;
	s20 =	simm.s32 $0x1400  }
0x8: {  	s21 =	simm.s32 $0x80;
	s28 =	simm.s32 $0x4;
	s29 =	simm.s32 $0x2700  }
0x9: {  	s30 =	simm.s32 $0x2780;
	[smem:$0x7FF] =	sst s4;
	s7 =	smul.u32 $0x4F000, s2  }
0xa: {  	s8 =	sand.u32 $0x1, s6;
	s22 =	sshll.u32 s2, $0x1;
	s25 =	smul.u32 $0x2780, s2  }
0xb: {  	s13 =	sadd.s32 $0x51800, s5;
	p0 =	seq.s32 s2, $0xF;
	s15 =	smul.u32 $0x27100, s8  }
0xc: {  	_ =	strace $0x8000004A;
	s6 =	sor.u32 s8, s22;
	s17 =	smul.u32 $0x138800, s8  }
0xd: {  	s23 =	ssub.s32 $0x2, s8;
	s22 =	simm.s32 $0x6800;
	s9 =	smul.u32 $0x500, s6  }
0xe: {  	s10 =	sshrl.u32 s23, $0x1;
	s7 =	sshrl.u32 s7, $0x2;
	s12 =	smul.u32 $0x2800, s6  }
0xf: {  	s6 =	sadd.s32 $0x138400, s3;
	s14 =	ssub.s32 s23, s10;
	s5 =	sadd.s32 s7, s3  }
0x10: {  	s26 =	sadd.s32 s25, s15;
	s31 =	sshrl.u32 s17, $0x3;
	s23 =	simm.s32 $0x1  }
0x11: {  	s24 =	sshrl.u32 s12, $0x3;
	s7 =	sadd.s32 $0x10000, s5;
	s8 =	sadd.s32 s0, s9  }
0x12: {  	s9 =	sadd.s32 s11, s9;
	s12 =	sadd.s32 s13, s26;
	s13 =	sadd.s32 s13, s31  }
0x13: {  	s14 =	smax.u32 s14, $0x1;
	s15 =	sadd.s32 $0x4000, s5;
	s17 =	sadd.s32 $0xC000, s5  }
0x14: {  	s26 =	simm.s32 $0x3;
	s16 =	sadd.s32 $0x280, s24;
	s13 =	sadd.s32 $0x25080, s13  }
0x15: {  	s24 =	simm.s32 $0x2;
	s10 =	sadd.s32 s0, s16;
	s0 =	sadd.s32 $0x128400, s3  }
0x16: {  	v0 =	vimm.f32 $0.0e+00;
	s11 =	sadd.s32 s11, s16;
	s16 =	sadd.s32 $0x8000, s5;
	s25 =	sshrl.u32 @p0 s0, $0x3  }
.LBB2_1:
0x17: {  	s31 =	simm.s32 $0x0;
	s0 =	simm.s32 $0x200  }
.LBB2_2:
0x18: {  	p1 =	sne.s32 s0, $0xFE00;
	[tilespmem:s31+$0x2870] =	vst v0  }
0x19: {  	[tilespmem:s31+$0x2800] =	vst v0  }
0x1a: {  	[tilespmem:s31+$0x2810] =	vst v0  }
.Ltmp0:
0x1b: {  	[tilespmem:s31+$0x2820] =	vst v0;
	(pc) =	sbr.rel @p1 .LBB2_2-.Ltmp0, $4  }
0x1c: {  	[tilespmem:s31+$0x2830] =	vst v0  }
0x1d: {  	[tilespmem:s31+$0x2840] =	vst v0  }
0x1e: {  	[tilespmem:s31+$0x2850] =	vst v0  }
0x1f: {  	[tilespmem:s31+$0x2860] =	vst v0;
	s31 =	sshra.s32 s0, $0x2;
	s0 =	sadd.s32 $0x200, s0  }
0x20: {  	[tilespmem:s31+$0x2870] =	vst v0  }
0x21: {  	[tilespmem:s31+$0x2800] =	vst v0  }
0x22: {  	[tilespmem:s31+$0x2810] =	vst v0  }
0x23: {  	[tilespmem:s31+$0x2820] =	vst v0  }
0x24: {  	[tilespmem:s31+$0x2830] =	vst v0  }
0x25: {  	[tilespmem:s31+$0x2840] =	vst v0  }
0x26: {  	[tilespmem:s31+$0x2850] =	vst v0  }
0x27: {  	[tilespmem:s31+$0x2860] =	vst v0  }
0x28: {  	[spmem:s5] =	stream.linear.scatter [tilespmem:s18], [sflag:$0x5], $0x4000, $0x38;
	[tilespmem:$0x1E0C0] =	vst v63  }
0x29: {  	_ =	swait.ge [sflag:s19], $0x4000  }
0x2a: {  	[sflag:s19] =	ssyncset.done $0x0  }
0x2b: {  	[sflag:s19] =	ssyncadd.s32 $0xFFFFC000  }
0x2c: {  	[spmem:s15] =	stream.linear.scatter [tilespmem:s18], [sflag:$0x5], $0x4000, $0x38;
	[tilespmem:$0x1E0C0] =	vst v63  }
0x2d: {  	_ =	swait.ge [sflag:s19], $0x4000  }
0x2e: {  	[sflag:s19] =	ssyncset.done $0x0  }
0x2f: {  	[sflag:s19] =	ssyncadd.s32 $0xFFFFC000  }
0x30: {  	[spmem:s16] =	stream.linear.scatter [tilespmem:s18], [sflag:$0x5], $0x4000, $0x38;
	[tilespmem:$0x1E0C0] =	vst v63  }
0x31: {  	_ =	swait.ge [sflag:s19], $0x4000  }
0x32: {  	[sflag:s19] =	ssyncset.done $0x0  }
0x33: {  	[sflag:s19] =	ssyncadd.s32 $0xFFFFC000  }
0x34: {  	[spmem:s17] =	stream.linear.scatter [tilespmem:s18], [sflag:$0x5], $0x4000, $0x38;
	[tilespmem:$0x1E0C0] =	vst v63  }
0x35: {  	_ =	swait.ge [sflag:s19], $0x4000  }
0x36: {  	[sflag:s19] =	ssyncset.done $0x0  }
0x37: {  	s0 =	simm.s32 @p0 $0x2800;
	[sflag:s19] =	ssyncadd.s32 $0xFFFFC000  }
0x38: {  	[spmem:s6] =	stream.linear.scatter @p0 [tilespmem:s0], [sflag:$0x5], $0x800, $0x38;
	[tilespmem:$0x1E0C0] =	vst v63  }
0x39: {  	s0 =	simm.s32 @p0 $0x5  }
0x3a: {  	_ =	swait.ge @p0 [sflag:s0], $0x800  }
0x3b: {  	[sflag:s0] =	ssyncset.done @p0 $0x0  }
0x3c: {  	[sflag:s0] =	ssyncadd.s32 @p0 $0xFFFFF800;
	s0 =	simm.s32 @!p0 $0x2800  }
0x3d: {  	[spmem:s7] =	stream.linear.scatter @!p0 [tilespmem:s0], [sflag:$0x5], $0x3C00, $0x38;
	[tilespmem:$0x1E0C0] =	vst v63  }
0x3e: {  	s0 =	simm.s32 @!p0 $0x5  }
0x3f: {  	_ =	swait.ge @!p0 [sflag:s0], $0x3C00  }
0x40: {  	[sflag:s0] =	ssyncset.done @!p0 $0x0  }
0x41: {  	[sflag:s0] =	ssyncadd.s32 @!p0 $0xFFFFC400  }
0x42: {  	s2 =	simm.s32 $0x0;
	[bflag:$0x0] =	sbarrier.arrive $0xFFFF  }
0x43: {  	[tilespmem:s2], [sflag:$0x5] =	stream.linear.gather [hbm4b:s8+s2], $0x1400, $0x38;
	[tilespmem:$0x1E0C0] =	vst v63  }
0x44: {  	_ =	swait.ge [sflag:s19], $0x1400  }
0x45: {  	[sflag:s19] =	ssyncset.done $0x0  }
0x46: {  	[sflag:s19] =	ssyncadd.s32 $0xFFFFEC00  }
0x47: {  	[tilespmem:s20], [sflag:$0x5] =	stream.linear.gather [hbm4b:s9+s2], $0x1400, $0x38;
	[tilespmem:$0x1E0C0] =	vst v63  }
0x48: {  	_ =	swait.ge [sflag:s19], $0x1400  }
0x49: {  	[sflag:s19] =	ssyncset.done $0x0  }
0x4a: {  	[sflag:s19] =	ssyncadd.s32 $0xFFFFEC00  }
0x4b: {  	[tilespmem:s18], [sflag:$0x1] =	stream.indirect.gather [hbm4b:s1+s21], $0x80, s2, s21, $0xb8;
	[tilespmem:$0x1E0C0] =	vst v63  }
0x4c: {  	_ = 	snop  }
0x4d: {  	[tilespmem:s22], [sflag:$0x2] =	stream.indirect.gather [hbm4b:s1+s21], $0x80, s21, s21, $0xb8;
	[tilespmem:$0x1E0C0] =	vst v63  }
0x4e: {  	_ =	swait.ge [sflag:s23], $0x4000  }
0x4f: {  	[sflag:s23] =	ssyncset.done $0x0  }
0x50: {  	s2 =	simm.s32 $0x1400;
	[sflag:s23] =	ssyncadd.s32 $0xFFFFC000  }
0x51: {  	[spmem:s3] =	stream.indirect.scatter.add.f32 [tilespmem:s18], [sflag:$0x3], $0x80, s2, s21, $0xb8;
	[tilespmem:$0x1E0C0] =	vst v63  }
0x52: {  	_ =	swait.ge [sflag:s24], $0x4000  }
0x53: {  	[sflag:s24] =	ssyncset.done $0x0  }
0x54: {  	s2 =	simm.s32 $0x1480;
	[sflag:s24] =	ssyncadd.s32 $0xFFFFC000  }
0x55: {  	[spmem:s3] =	stream.indirect.scatter.add.f32 [tilespmem:s22], [sflag:$0x4], $0x80, s2, s21, $0xb8;
	[tilespmem:$0x1E0C0] =	vst v63  }
0x56: {  	_ =	swait.ge [sflag:s26], $0x4000  }
0x57: {  	[sflag:s26] =	ssyncset.done $0x0  }
0x58: {  	s2 =	simm.s32 $0x100;
	[sflag:s26] =	ssyncadd.s32 $0xFFFFC000  }
0x59: {  	[tilespmem:s18], [sflag:$0x1] =	stream.indirect.gather [hbm4b:s1+s21], $0x80, s2, s21, $0xb8;
	[tilespmem:$0x1E0C0] =	vst v63  }
0x5a: {  	_ =	swait.ge [sflag:s28], $0x4000  }
0x5b: {  	[sflag:s28] =	ssyncset.done $0x0  }
0x5c: {  	s31 =	simm.s32 $0x400;
	s0 =	simm.s32 $0x180;
	[sflag:s28] =	ssyncadd.s32 $0xFFFFC000  }
.LBB2_4:
0x5d: {  	[tilespmem:s22], [sflag:$0x2] =	stream.indirect.gather [hbm4b:s1+s21], $0x80, s0, s21, $0xb8;
	[tilespmem:$0x1E0C0] =	vst v63  }
0x5e: {  	s0 =	smov.u32 s31  }
0x5f: {  	p1 =	sne.s32 s31, $0x4800;
	s31 =	sadd.s32 $0x400, s31;
	_ =	swait.ge [sflag:s23], $0x4000  }
0x60: {  	s0 =	sshra.s32 s0, $0x2;
	[sflag:s23] =	ssyncset.done $0x0  }
0x61: {  	s2 =	sadd.s32 $0x1400, s0;
	[sflag:s23] =	ssyncadd.s32 $0xFFFFC000  }
0x62: {  	[spmem:s3] =	stream.indirect.scatter.add.f32 [tilespmem:s18], [sflag:$0x3], $0x80, s2, s21, $0xb8;
	[tilespmem:$0x1E0C0] =	vst v63  }
0x63: {  	_ =	swait.ge [sflag:s24], $0x4000  }
0x64: {  	[sflag:s24] =	ssyncset.done $0x0  }
0x65: {  	s2 =	sadd.s32 $0x1480, s0;
	[sflag:s24] =	ssyncadd.s32 $0xFFFFC000  }
0x66: {  	[spmem:s3] =	stream.indirect.scatter.add.f32 [tilespmem:s22], [sflag:$0x4], $0x80, s2, s21, $0xb8;
	[tilespmem:$0x1E0C0] =	vst v63  }
0x67: {  	_ =	swait.ge [sflag:s26], $0x4000  }
0x68: {  	[sflag:s26] =	ssyncset.done $0x0  }
.Ltmp1:
0x69: {  	s2 =	sadd.s32 $0x100, s0;
	[sflag:s26] =	ssyncadd.s32 $0xFFFFC000;
	(pc) =	sbr.rel @p1 .LBB2_4-.Ltmp1, $4  }
0x6a: {  	[tilespmem:s18], [sflag:$0x1] =	stream.indirect.gather [hbm4b:s1+s21], $0x80, s2, s21, $0xb8;
	[tilespmem:$0x1E0C0] =	vst v63  }
0x6b: {  	_ =	swait.ge [sflag:s28], $0x4000  }
0x6c: {  	[sflag:s28] =	ssyncset.done $0x0  }
0x6d: {  	s0 =	sadd.s32 $0x180, s0;
	[sflag:s28] =	ssyncadd.s32 $0xFFFFC000  }
0x6e: {  	[tilespmem:s22], [sflag:$0x2] =	stream.indirect.gather [hbm4b:s1+s21], $0x80, s0, s21, $0xb8;
	[tilespmem:$0x1E0C0] =	vst v63  }
0x6f: {  	_ =	swait.ge [sflag:s23], $0x4000  }
0x70: {  	[sflag:s23] =	ssyncset.done $0x0  }
0x71: {  	[sflag:s23] =	ssyncadd.s32 $0xFFFFC000  }
0x72: {  	[spmem:s3] =	stream.indirect.scatter.add.f32 [tilespmem:s18], [sflag:$0x3], $0x80, s29, s21, $0xb8;
	[tilespmem:$0x1E0C0] =	vst v63  }
0x73: {  	_ =	swait.ge [sflag:s24], $0x4000  }
0x74: {  	[sflag:s24] =	ssyncset.done $0x0  }
0x75: {  	[sflag:s24] =	ssyncadd.s32 $0xFFFFC000  }
0x76: {  	[spmem:s3] =	stream.indirect.scatter.add.f32 [tilespmem:s22], [sflag:$0x4], $0x80, s30, s21, $0xb8;
	[tilespmem:$0x1E0C0] =	vst v63  }
0x77: {  	_ =	swait.ge [sflag:s26], $0x4000  }
0x78: {  	[sflag:s26] =	ssyncset.done $0x0  }
0x79: {  	[sflag:s26] =	ssyncadd.s32 $0xFFFFC000  }
0x7a: {  	_ =	swait.ge [sflag:s28], $0x4000  }
0x7b: {  	[sflag:s28] =	ssyncset.done $0x0  }
0x7c: {  	s2 =	simm.s32 $0x0;
	[sflag:s28] =	ssyncadd.s32 $0xFFFFC000  }
0x7d: {  	[tilespmem:s2], [sflag:$0x5] =	stream.linear.gather [hbm4b:s10+s2], $0x1400, $0x38;
	[tilespmem:$0x1E0C0] =	vst v63  }
0x7e: {  	_ =	swait.ge [sflag:s19], $0x1400  }
0x7f: {  	[sflag:s19] =	ssyncset.done $0x0  }
0x80: {  	[sflag:s19] =	ssyncadd.s32 $0xFFFFEC00  }
0x81: {  	[tilespmem:s20], [sflag:$0x5] =	stream.linear.gather [hbm4b:s11+s2], $0x1400, $0x38;
	[tilespmem:$0x1E0C0] =	vst v63  }
0x82: {  	_ =	swait.ge [sflag:s19], $0x1400  }
0x83: {  	[sflag:s19] =	ssyncset.done $0x0  }
0x84: {  	[sflag:s19] =	ssyncadd.s32 $0xFFFFEC00  }
0x85: {  	[tilespmem:s18], [sflag:$0x1] =	stream.indirect.gather [hbm4b:s1+s21], $0x80, s2, s21, $0xb8;
	[tilespmem:$0x1E0C0] =	vst v63  }
0x86: {  	_ = 	snop  }
0x87: {  	[tilespmem:s22], [sflag:$0x2] =	stream.indirect.gather [hbm4b:s1+s21], $0x80, s21, s21, $0xb8;
	[tilespmem:$0x1E0C0] =	vst v63  }
0x88: {  	_ =	swait.ge [sflag:s23], $0x4000  }
0x89: {  	[sflag:s23] =	ssyncset.done $0x0  }
0x8a: {  	s2 =	simm.s32 $0x1400;
	[sflag:s23] =	ssyncadd.s32 $0xFFFFC000  }
0x8b: {  	[spmem:s3] =	stream.indirect.scatter.add.f32 [tilespmem:s18], [sflag:$0x3], $0x80, s2, s21, $0xb8;
	[tilespmem:$0x1E0C0] =	vst v63  }
0x8c: {  	_ =	swait.ge [sflag:s24], $0x4000  }
0x8d: {  	[sflag:s24] =	ssyncset.done $0x0  }
0x8e: {  	s2 =	simm.s32 $0x1480;
	[sflag:s24] =	ssyncadd.s32 $0xFFFFC000  }
0x8f: {  	[spmem:s3] =	stream.indirect.scatter.add.f32 [tilespmem:s22], [sflag:$0x4], $0x80, s2, s21, $0xb8;
	[tilespmem:$0x1E0C0] =	vst v63  }
0x90: {  	_ =	swait.ge [sflag:s26], $0x4000  }
0x91: {  	[sflag:s26] =	ssyncset.done $0x0  }
0x92: {  	s2 =	simm.s32 $0x100;
	[sflag:s26] =	ssyncadd.s32 $0xFFFFC000  }
0x93: {  	[tilespmem:s18], [sflag:$0x1] =	stream.indirect.gather [hbm4b:s1+s21], $0x80, s2, s21, $0xb8;
	[tilespmem:$0x1E0C0] =	vst v63  }
0x94: {  	_ =	swait.ge [sflag:s28], $0x4000  }
0x95: {  	[sflag:s28] =	ssyncset.done $0x0  }
0x96: {  	s31 =	simm.s32 $0x400;
	s0 =	simm.s32 $0x180;
	[sflag:s28] =	ssyncadd.s32 $0xFFFFC000  }
.LBB2_6:
0x97: {  	[tilespmem:s22], [sflag:$0x2] =	stream.indirect.gather [hbm4b:s1+s21], $0x80, s0, s21, $0xb8;
	[tilespmem:$0x1E0C0] =	vst v63  }
0x98: {  	s0 =	smov.u32 s31  }
0x99: {  	p1 =	sne.s32 s31, $0x4800;
	s31 =	sadd.s32 $0x400, s31;
	_ =	swait.ge [sflag:s23], $0x4000  }
0x9a: {  	s0 =	sshra.s32 s0, $0x2;
	[sflag:s23] =	ssyncset.done $0x0  }
0x9b: {  	s2 =	sadd.s32 $0x1400, s0;
	[sflag:s23] =	ssyncadd.s32 $0xFFFFC000  }
0x9c: {  	[spmem:s3] =	stream.indirect.scatter.add.f32 [tilespmem:s18], [sflag:$0x3], $0x80, s2, s21, $0xb8;
	[tilespmem:$0x1E0C0] =	vst v63  }
0x9d: {  	_ =	swait.ge [sflag:s24], $0x4000  }
0x9e: {  	[sflag:s24] =	ssyncset.done $0x0  }
0x9f: {  	s2 =	sadd.s32 $0x1480, s0;
	[sflag:s24] =	ssyncadd.s32 $0xFFFFC000  }
0xa0: {  	[spmem:s3] =	stream.indirect.scatter.add.f32 [tilespmem:s22], [sflag:$0x4], $0x80, s2, s21, $0xb8;
	[tilespmem:$0x1E0C0] =	vst v63  }
0xa1: {  	_ =	swait.ge [sflag:s26], $0x4000  }
0xa2: {  	[sflag:s26] =	ssyncset.done $0x0  }
.Ltmp2:
0xa3: {  	s2 =	sadd.s32 $0x100, s0;
	[sflag:s26] =	ssyncadd.s32 $0xFFFFC000;
	(pc) =	sbr.rel @p1 .LBB2_6-.Ltmp2, $4  }
0xa4: {  	[tilespmem:s18], [sflag:$0x1] =	stream.indirect.gather [hbm4b:s1+s21], $0x80, s2, s21, $0xb8;
	[tilespmem:$0x1E0C0] =	vst v63  }
0xa5: {  	_ =	swait.ge [sflag:s28], $0x4000  }
0xa6: {  	[sflag:s28] =	ssyncset.done $0x0  }
0xa7: {  	s0 =	sadd.s32 $0x180, s0;
	[sflag:s28] =	ssyncadd.s32 $0xFFFFC000  }
0xa8: {  	[tilespmem:s22], [sflag:$0x2] =	stream.indirect.gather [hbm4b:s1+s21], $0x80, s0, s21, $0xb8;
	[tilespmem:$0x1E0C0] =	vst v63  }
0xa9: {  	_ =	swait.ge [sflag:s23], $0x4000  }
0xaa: {  	[sflag:s23] =	ssyncset.done $0x0  }
0xab: {  	[sflag:s23] =	ssyncadd.s32 $0xFFFFC000  }
0xac: {  	[spmem:s3] =	stream.indirect.scatter.add.f32 [tilespmem:s18], [sflag:$0x3], $0x80, s29, s21, $0xb8;
	[tilespmem:$0x1E0C0] =	vst v63  }
0xad: {  	_ =	swait.ge [sflag:s24], $0x4000  }
0xae: {  	[sflag:s24] =	ssyncset.done $0x0  }
0xaf: {  	[sflag:s24] =	ssyncadd.s32 $0xFFFFC000  }
0xb0: {  	[spmem:s3] =	stream.indirect.scatter.add.f32 [tilespmem:s22], [sflag:$0x4], $0x80, s30, s21, $0xb8;
	[tilespmem:$0x1E0C0] =	vst v63  }
0xb1: {  	_ =	swait.ge [sflag:s26], $0x4000  }
0xb2: {  	[sflag:s26] =	ssyncset.done $0x0  }
0xb3: {  	[sflag:s26] =	ssyncadd.s32 $0xFFFFC000  }
0xb4: {  	_ =	swait.ge [sflag:s28], $0x4000  }
0xb5: {  	[sflag:s28] =	ssyncset.done $0x0  }
0xb6: {  	[sflag:s28] =	ssyncadd.s32 $0xFFFFC000  }
0xb7: {  	s0 =	simm.s32 @p0 $0x1FC5;
	[bflag:$0x0] =	sbarrier.arrive $0xFFFF  }
0xb8: {  	[hbm:s13], [sflag:s0] =	dma.local @p0 [spmem:s25], $0x2080  }
0xb9: {  	s0 =	simm.s32 @p0 $0x5  }
0xba: {  	s2 =	stileid.u32;
	s4 =	sadd.s32 $0x1, s4;
	_ =	swait.ge @p0 [sflag:s0], $0x2080  }
0xbb: {  	s2 =	sshll.u32 @!p0 s2, $0x6;
	p1 =	sne.s32 s4, s14;
	[sflag:s0] =	ssyncset.done @p0 $0x0  }
0xbc: {  	[sflag:s0] =	ssyncadd.s32 @p0 $0xFFFFDF80;
	s0 =	sor.u32 @!p0 $0x1C05, s2;
	s2 =	sshrl.u32 @!p0 s5, $0x3  }
0xbd: {  	[hbm:s12], [sflag:s0] =	dma.local @!p0 [spmem:s2], $0x2780  }
.Ltmp3:
0xbe: {  	_ = 	snop;
	(pc) =	sbr.rel @p1 .LBB2_1-.Ltmp3, $4  }
0xbf: {  	s0 =	simm.s32 @!p0 $0x5  }
0xc0: {  	_ =	swait.ge @!p0 [sflag:s0], $0x2780  }
0xc1: {  	[sflag:s0] =	ssyncset.done @!p0 $0x0  }
0xc2: {  	[sflag:s0] =	ssyncadd.s32 @!p0 $0xFFFFD880  }
0xc3: {  	_ =	sfence.sel $0x180000  }
0xc4: {  	[bflag:$0x0] =	sbarrier.arrive $0xFFFF  }
0xc5: {  	_ =	strace $0x9000004A  }
0xc6: {  	s0 =	stileid.u32;
	[bflag:$0x2] =	sbarrier.arrive $0xFFFF  }
0xc7: {  	p0 =	sne.s32 s0, $0x0;
	s0 =	rddreg [dreg:$0x5]  }
0xc8: {  	s0 =	sadd.s32 @!p0 $0x100000, s0  }
0xc9: {  	[sflag:s0] =	ssyncadd.tile.s32 @!p0 $0x1;
	_ =	shalt  }
.Lfunc_end2:
_tile_overlayer_lowered:
.L_overlay_start_2:
0xca: {  	(tag) =	ssettag $0x2  }
0xcb: {  	s0 =	rddreg [dreg:$0x0];
	s2 =	stileid.u32  }
0xcc: {  	s1 =	rddreg [dreg:$0x1];
	p0 =	sne.s32 s2, $0x0  }
0xcd: {  	s3 =	rddreg [dreg:$0x2];
	[bflag:$0x3] =	sbarrier.arrive $0xFFFF;
	s2 =	simm.s32 @!p0 $0x1C05  }
0xce: {  	[timem:s3], [sflag:s2] =	dma.local @!p0 [hbm:s0], s1  }
0xcf: {  	s0 =	simm.s32 @!p0 $0x5  }
0xd0: {  	_ =	swait.ge @!p0 [sflag:s0], s1  }
0xd1: {  	s1 =	ssub.s32 @!p0 $0x0, s1;
	[sflag:s0] =	ssyncset.done @!p0 $0x0  }
0xd2: {  	[sflag:s0] =	ssyncadd.s32 @!p0 s1  }
0xd3: {  	[bflag:$0x3] =	sbarrier.arrive $0xFFFF  }
0xd4: {  	_ =	shalt  }

// kernel: kernel.14.cloned.1.call-start
scs
__scs_entry_jumppad:
0x0: {  	(pc) =	sbr.rel $0x88, $3  }
0x1: {  	(tag) =	ssettag $0x0;
	lr =	simm.s32 $0x1  }
0x2: {  	[smem:$0x3F98] =	sst lr;
	_ =	strace $0xD0000000  }
0x3: {  	_ = 	snop  }
0x4: {  	_ = 	snop  }
0x5: {  	_ = 	snop  }
0x6: {  	_ = 	snop  }
0x7: {  	_ = 	snop  }
__scs_overlays_trampoline_lowered:
0x8: {  	[smem:$0x3FA7] =	sst s0  }
0x9: {  	[smem:$0x3FA8] =	sst s1  }
0xa: {  	[smem:$0x3FA9] =	sst s2  }
0xb: {  	[smem:$0x3FAA] =	sst s3  }
0xc: {  	[smem:$0x3FAB] =	sst s4  }
0xd: {  	[smem:$0x3FAC] =	sst s5  }
0xe: {  	[smem:$0x3FAD] =	sst s6  }
0xf: {  	[smem:$0x3FAE] =	sst s7  }
0x10: {  	[smem:$0x3FAF] =	sst s8  }
0x11: {  	[smem:$0x3FB0] =	sst s9;
	s0 =	simm.s32 @!p0 $0x0  }
0x12: {  	s1 =	sld [smem:$0x3F96];
	s0 =	simm.s32 @p0 $0x1  }
0x13: {  	[smem:$0x3FB1] =	sst s0;
	s0 =	simm.s32 @!p1 $0x0  }
0x14: {  	s2 =	sld [smem:$0x3F95];
	s0 =	simm.s32 @p1 $0x1  }
0x15: {  	[smem:$0x3FB2] =	sst s0;
	s0 =	simm.s32 @!p2 $0x0  }
0x16: {  	s3 =	sld [smem:$0x3FDB];
	s0 =	simm.s32 @p2 $0x1  }
0x17: {  	s4 =	simm.s32 $0x1BF5;
	[smem:$0x3FB4] =	sst s0  }
0x18: {  	s0 =	sld [smem:$0x3F97];
	_ =	swait.ge [sflag:s4], $0x0  }
0x19: {  	s7 =	sld [smem:$0x3F98]  }
0x1a: {  	s8 =	sadd.s32 $0xFFFFE003, lr  }
0x1b: {  	s9 =	sadd.s32 $0xFFFFFEF7, lr;
	s5 =	simm.s32 $0xFFFFFFFF;
	p2 =	slt.u32 s8, $0xFFFFF086  }
0x1c: {  	p1 =	slt.u32 s9, $0xF7A;
	s5 =	simm.s32 @!p2 $0x0  }
0x1d: {  	s5 =	simm.s32 @p1 $0x1;
	p0 =	seq.s32 s7, s2  }
0x1e: {  	s7 =	smul.u32 @!p0 $0xF7A, s2;
	p2 =	seq.s32 @!p0 s5, $0x0  }
0x1f: {  	s9 =	smul.u32 $0xF7A, s1;
	s8 =	simm.s32 @!p0 $0x1BF5;
	p2 =	por !p2, p0  }
0x20: {  	[sflag:s8] =	ssyncset.s32 @!p0 $0xFFFFF086;
	s6 =	sadd.s32 @!p0 s3, s7;
	s7 =	simm.s32 @!p0 $0x108  }
0x21: {  	s3 =	sadd.s32 s3, s9;
	s6 =	sadd.s32 @!p0 $0x88, s6;
	s7 =	simm.s32 @p2 $0x1082  }
0x22: {  	[simem:s7], [sflag:s8] =	dma.local @!p0 [hbm:s6], $0xF7A  }
0x23: {  	s9 =	sor.u32 $0xD0000000, s2;
	s6 =	simm.s32 $0x108;
	_ =	swait.ge @!p0 [sflag:s8], $0x0  }
0x24: {  	s3 =	sadd.s32 $0x88, s3;
	s6 =	simm.s32 @!p1 $0x1082;
	[sflag:s4] =	ssyncset.s32 $0xFFFFF086  }
0x25: {  	[simem:s6], [sflag:s4] =	dma.local [hbm:s3], $0xF7A  }
0x26: {  	[smem:$0x3F98] =	sst s1;
	(tag) =	ssettag s2;
	_ =	strace s9  }
0x27: {  	s1 =	sld [smem:$0x3FA8]  }
0x28: {  	s2 =	sld [smem:$0x3FA9]  }
0x29: {  	s4 =	sld [smem:$0x3FAB]  }
0x2a: {  	p0 =	seq.s32 s5, $0x0;
	s5 =	sld [smem:$0x3FAC]  }
0x2b: {  	s6 =	sld [smem:$0x3FAD]  }
0x2c: {  	s7 =	sld [smem:$0x3FAE]  }
0x2d: {  	s3 =	simm.s32 $0x108;
	s8 =	sld [smem:$0x3FAF]  }
0x2e: {  	s3 =	simm.s32 @!p0 $0x1082;
	s9 =	sld [smem:$0x3FB0]  }
0x2f: {  	lr =	sadd.s32 s0, s3;
	s0 =	sld [smem:$0x3FA7]  }
0x30: {  	s3 =	sld [smem:$0x3FAA]  }
0x31: {  	[smem:$0x3FB3] =	sst s10  }
0x32: {  	s10 =	sld [smem:$0x3FB1];
	_ =	sdelay $0x3  }
0x33: {  	p0 =	seq.s32 s10, $0x1;
	s10 =	sld [smem:$0x3FB3];
	_ =	sdelay $0x3  }
0x34: {  	[smem:$0x3FB3] =	sst s10  }
0x35: {  	s10 =	sld [smem:$0x3FB2];
	_ =	sdelay $0x3  }
0x36: {  	p1 =	seq.s32 s10, $0x1;
	s10 =	sld [smem:$0x3FB3];
	_ =	sdelay $0x3  }
0x37: {  	[smem:$0x3FB3] =	sst s10  }
0x38: {  	s10 =	sld [smem:$0x3FB4]  }
0x39: {  	_ = 	snop;
	(pc) =	sbr.ind lr, $3  }
0x3a: {  	_ = 	snop  }
0x3b: {  	_ = 	snop  }
0x3c: {  	p2 =	seq.s32 s10, $0x1;
	s10 =	sld [smem:$0x3FB3]  }
0x3d: {  	_ =	shalt  }
0x3e: {  	_ =	shalt  }
0x3f: {  	_ =	shalt  }
0x40: {  	_ =	shalt  }
0x41: {  	_ =	shalt  }
0x42: {  	_ =	shalt  }
0x43: {  	_ =	shalt  }
0x44: {  	_ =	shalt  }
0x45: {  	_ =	shalt  }
0x46: {  	_ =	shalt  }
0x47: {  	_ =	shalt  }
0x48: {  	_ =	shalt  }
0x49: {  	_ =	shalt  }
0x4a: {  	_ =	shalt  }
0x4b: {  	_ =	shalt  }
0x4c: {  	_ =	shalt  }
0x4d: {  	_ =	shalt  }
0x4e: {  	_ =	shalt  }
0x4f: {  	_ =	shalt  }
0x50: {  	_ =	shalt  }
0x51: {  	_ =	shalt  }
0x52: {  	_ =	shalt  }
0x53: {  	_ =	shalt  }
0x54: {  	_ =	shalt  }
0x55: {  	_ =	shalt  }
0x56: {  	_ =	shalt  }
0x57: {  	_ =	shalt  }
0x58: {  	_ =	shalt  }
0x59: {  	_ =	shalt  }
0x5a: {  	_ =	shalt  }
0x5b: {  	_ =	shalt  }
0x5c: {  	_ =	shalt  }
0x5d: {  	_ =	shalt  }
0x5e: {  	_ =	shalt  }
0x5f: {  	_ =	shalt  }
0x60: {  	_ =	shalt  }
0x61: {  	_ =	shalt  }
0x62: {  	_ =	shalt  }
0x63: {  	_ =	shalt  }
0x64: {  	_ =	shalt  }
0x65: {  	_ =	shalt  }
0x66: {  	_ =	shalt  }
0x67: {  	_ =	shalt  }
0x68: {  	_ =	shalt  }
0x69: {  	_ =	shalt  }
0x6a: {  	_ =	shalt  }
0x6b: {  	_ =	shalt  }
0x6c: {  	_ =	shalt  }
0x6d: {  	_ =	shalt  }
0x6e: {  	_ =	shalt  }
0x6f: {  	_ =	shalt  }
0x70: {  	_ =	shalt  }
0x71: {  	_ =	shalt  }
0x72: {  	_ =	shalt  }
0x73: {  	_ =	shalt  }
0x74: {  	_ =	shalt  }
0x75: {  	_ =	shalt  }
0x76: {  	_ =	shalt  }
0x77: {  	_ =	shalt  }
0x78: {  	_ =	shalt  }
0x79: {  	_ =	shalt  }
0x7a: {  	_ =	shalt  }
0x7b: {  	_ =	shalt  }
0x7c: {  	_ =	shalt  }
0x7d: {  	_ =	shalt  }
0x7e: {  	_ =	shalt  }
0x7f: {  	_ =	shalt  }
0x80: {  	_ =	shalt  }
0x81: {  	_ =	shalt  }
0x82: {  	_ =	shalt  }
0x83: {  	_ =	shalt  }
0x84: {  	_ =	shalt  }
0x85: {  	_ =	shalt  }
0x86: {  	_ =	shalt  }
0x87: {  	_ =	shalt  }
.Lfunc_end0:
.L_simem_size_0:
called_computation.2_lowered:
.L_overlay_start_0:
0x88: {  	s2 =	sld [smem:$0x3FD9]  }
0x89: {  	s3 =	sld [smem:$0x3FFE];
	_ =	sdelay $0x1  }
0x8a: {  	s1 =	srdreg.scid  }
0x8b: {  	s0 =	sand.u32 $0x1, s1  }
0x8c: {  	s14 =	sshll.u32 s0, $0xA;
	s2 =	sadd.s32 s3, s2  }
0x8d: {  	s2 =	sadd.s32 s2, s14  }
0x8e: {  	[smem:$0x3FBF] =	sst s2  }
0x8f: {  	_ = 	snop  }
0x90: {  	s2 =	sld [smem:$0x3FD0];
	_ =	sdelay $0x2  }
0x91: {  	s15 =	simm.s32 $0xA;
	s4 =	simm.s32 $0x10  }
0x92: {  	[smem:s4], [sflag:s15] =	dma.local [hbm:s2], $0x1  }
0x93: {  	_ =	swait.eq [sflag:s15], $0x1  }
0x94: {  	s16 =	sld [smem:$0x10];
	[sflag:s15] =	ssyncset.done $0x0  }
0x95: {  	s17 =	sld [smem:$0x11];
	[sflag:s15] =	ssyncadd.s32 $0xFFFFFFFF  }
0x96: {  	s18 =	sld [smem:$0x12];
	(tm) =	ssettm $0x1  }
0x97: {  	s5 =	sld [smem:$0x3FFB];
	_ =	sdelay $0x3  }
0x98: {  	_ =	strace s5  }
0x99: {  	s5 =	sld [smem:$0x3FFC];
	_ =	sdelay $0x3  }
0x9a: {  	_ =	strace s5  }
0x9b: {  	s5 =	sld [smem:$0x3FFD];
	_ =	sdelay $0x3  }
0x9c: {  	_ =	strace s5  }
0x9d: {  	_ =	strace $0x8FFFFFFF  }
0x9e: {  	s19 =	sld [smem:$0x3FDB];
	_ =	sdelay $0x1  }
0x9f: {  	s6 =	simm.s32 $_scs_section_size  }
0xa0: {  	s7 =	simm.s32 $_size__tile_overlayer_lowered;
	s8 =	simm.s32 $_tile_overlayer_lowered  }
0xa1: {  	s22 =	simm.s32 $0x1BFF;
	s21 =	sshll.u32 s8, $0x1;
	s5 =	sadd.s32 s6, s19  }
0xa2: {  	s9 =	simm.s32 $0x0;
	s20 =	sshll.u32 s7, $0x1;
	s7 =	sadd.s32 s21, s5  }
0xa3: {  	[timem:s9], [sflag:s22] =	dma.local [hbm:s7], s20  }
0xa4: {  	_ =	swait.ge [sflag:s22], s20  }
0xa5: {  	s6 =	ssub.s32 $0x0, s20;
	[sflag:s22] =	ssyncset.done $0x0  }
0xa6: {  	[sflag:s22] =	ssyncadd.s32 s6;
	_ =	sdelay $0x1  }
0xa7: {  	s23 =	simm.s32 $0x1B8B  }
0xa8: {  	_ =	swait.ge [sflag:s23], $0x1  }
0xa9: {  	[sflag:s23] =	ssyncset.done $0x0  }
0xaa: {  	s25 =	simm.s32 $0x1B8E;
	s24 =	sld [smem:$0x3FFE];
	[sflag:s23] =	ssyncadd.s32 $0xFFFFFFFF  }
0xab: {  	s26 =	simm.s32 $execute0_lowered;
	[smem:$0x3FD2] =	sst s25  }
0xac: {  	s7 =	sshll.u32 s26, $0x1;
	_ =	strace $0x8000004C;
	[dreg:$0x1] =	wrdreg $0xFFFFFFFF  }
0xad: {  	s28 =	simm.s32 $_size_execute0_lowered;
	s5 =	sadd.s32 s5, s7;
	[dreg:$0x0] =	wrdreg $0x0  }
0xae: {  	s7 =	sshll.u32 s28, $0x1;
	[dreg:$0x2] =	wrdreg s5  }
0xaf: {  	[dreg:$0x3] =	wrdreg s7  }
0xb0: {  	[dreg:$0x4] =	wrdreg $0xC0  }
0xb1: {  	_ =	task [dreg:s9], $0x5FFFF  }
0xb2: {  	[dreg:$0x1] =	wrdreg $0xFFFFFFFF  }
0xb3: {  	[dreg:$0x0] =	wrdreg $0x60  }
0xb4: {  	[dreg:$0x2] =	wrdreg s18  }
0xb5: {  	[dreg:$0x3] =	wrdreg s17  }
0xb6: {  	[dreg:$0x4] =	wrdreg s16  }
0xb7: {  	[dreg:$0x5] =	wrdreg s24  }
0xb8: {  	[dreg:$0x6] =	wrdreg $0xA8000  }
0xb9: {  	[dreg:$0x7] =	wrdreg $0x9  }
0xba: {  	_ =	task.clear_ibuf [dreg:s9], $0x8FFFF;
	_ =	strace $0x9000004C  }
0xbb: {  	s29 =	simm.s32 $0x9;
	_ =	strace $0x8000004E  }
0xbc: {  	_ =	swait.ge [sflag:s29], $0x1  }
0xbd: {  	[sflag:s29] =	ssyncadd.s32 $0xFFFFFFFF  }
0xbe: {  	_ =	strace $0x9000004E  }
0xbf: {  	_ =	sfence  }
0xc0: {  	s30 =	sld [smem:$0x0];
	_ =	sdelay $0x2  }
0xc1: {  	s31 =	sshll.u32 s1, $0xD;
	s1 =	sshrl.u32 s1, $0x2  }
0xc2: {  	s3 =	sand.u32 $0x4000, s31;
	s1 =	sadd.s32 s1, s30  }
0xc3: {  	s0 =	sor.u32 s3, s0;
	s1 =	sshll.u32 s1, $0x11  }
0xc4: {  	s0 =	sor.u32 s1, s0  }
0xc5: {  	s0 =	sadd.s32 $0x8F2B, s0  }
0xc6: {  	[sflag:s0] =	ssyncadd.remote.s32 $0x1  }
0xc7: {  	_ =	sfence.sel $0xFFFF  }
0xc8: {  	[dreg:$0x0] =	wrdreg $0xFFFFFFFF;
	(pc) =	sbr.abs _section_cstart, $3  }
0xc9: {  	[dreg:$0x1] =	wrdreg $0xFFFFFFFF  }
0xca: {  	_ =	task.clear_ibuf [dreg:s9], $0x2FFFF;
	_ =	strace $0x9FFFFFFF  }
0xcb: {  	(tm) =	ssettm $0x7FFFFFFF  }
tec
execute0_lowered:
.L_overlay_start_1:
0x0: {  	(tag) =	ssettag $0x1  }
0x1: {  	s1 =	rddreg [dreg:$0x0]  }
0x2: {  	s0 =	rddreg [dreg:$0x1]  }
0x3: {  	s11 =	rddreg [dreg:$0x2]  }
0x4: {  	s5 =	rddreg [dreg:$0x3]  }
0x5: {  	s3 =	rddreg [dreg:$0x4]  }
0x6: {  	s4 =	simm.s32 $0x0;
	s6 =	srdreg.scid;
	s2 =	stileid.u32  }
0x7: {  	s18 =	simm.s32 $0x2800;
	s19 =	simm.s32 $0x5;
	s20 =	simm.s32 $0x1400  }
0x8: {  	s21 =	simm.s32 $0x80;
	s28 =	simm.s32 $0x4;
	s29 =	simm.s32 $0x2700  }
0x9: {  	s30 =	simm.s32 $0x2780;
	[smem:$0x7FF] =	sst s4;
	s7 =	smul.u32 $0x4F000, s2  }
0xa: {  	s8 =	sand.u32 $0x1, s6;
	s22 =	sshll.u32 s2, $0x1;
	s25 =	smul.u32 $0x2780, s2  }
0xb: {  	s13 =	sadd.s32 $0x51800, s5;
	p0 =	seq.s32 s2, $0xF;
	s15 =	smul.u32 $0x27100, s8  }
0xc: {  	_ =	strace $0x8000004D;
	s6 =	sor.u32 s8, s22;
	s17 =	smul.u32 $0x138800, s8  }
0xd: {  	s23 =	ssub.s32 $0x2, s8;
	s22 =	simm.s32 $0x6800;
	s9 =	smul.u32 $0x500, s6  }
0xe: {  	s10 =	sshrl.u32 s23, $0x1;
	s7 =	sshrl.u32 s7, $0x2;
	s12 =	smul.u32 $0x2800, s6  }
0xf: {  	s6 =	sadd.s32 $0x138400, s3;
	s14 =	ssub.s32 s23, s10;
	s5 =	sadd.s32 s7, s3  }
0x10: {  	s26 =	sadd.s32 s25, s15;
	s31 =	sshrl.u32 s17, $0x3;
	s23 =	simm.s32 $0x1  }
0x11: {  	s24 =	sshrl.u32 s12, $0x3;
	s7 =	sadd.s32 $0x10000, s5;
	s8 =	sadd.s32 s0, s9  }
0x12: {  	s9 =	sadd.s32 s11, s9;
	s12 =	sadd.s32 s13, s26;
	s13 =	sadd.s32 s13, s31  }
0x13: {  	s14 =	smax.u32 s14, $0x1;
	s15 =	sadd.s32 $0x4000, s5;
	s17 =	sadd.s32 $0xC000, s5  }
0x14: {  	s26 =	simm.s32 $0x3;
	s16 =	sadd.s32 $0x280, s24;
	s13 =	sadd.s32 $0x25080, s13  }
0x15: {  	s24 =	simm.s32 $0x2;
	s10 =	sadd.s32 s0, s16;
	s0 =	sadd.s32 $0x128400, s3  }
0x16: {  	v0 =	vimm.f32 $0.0e+00;
	s11 =	sadd.s32 s11, s16;
	s16 =	sadd.s32 $0x8000, s5;
	s25 =	sshrl.u32 @p0 s0, $0x3  }
.LBB2_1:
0x17: {  	s31 =	simm.s32 $0x0;
	s0 =	simm.s32 $0x200  }
.LBB2_2:
0x18: {  	p1 =	sne.s32 s0, $0xFE00;
	[tilespmem:s31+$0x2870] =	vst v0  }
0x19: {  	[tilespmem:s31+$0x2800] =	vst v0  }
0x1a: {  	[tilespmem:s31+$0x2810] =	vst v0  }
.Ltmp0:
0x1b: {  	[tilespmem:s31+$0x2820] =	vst v0;
	(pc) =	sbr.rel @p1 .LBB2_2-.Ltmp0, $4  }
0x1c: {  	[tilespmem:s31+$0x2830] =	vst v0  }
0x1d: {  	[tilespmem:s31+$0x2840] =	vst v0  }
0x1e: {  	[tilespmem:s31+$0x2850] =	vst v0  }
0x1f: {  	[tilespmem:s31+$0x2860] =	vst v0;
	s31 =	sshra.s32 s0, $0x2;
	s0 =	sadd.s32 $0x200, s0  }
0x20: {  	[tilespmem:s31+$0x2870] =	vst v0  }
0x21: {  	[tilespmem:s31+$0x2800] =	vst v0  }
0x22: {  	[tilespmem:s31+$0x2810] =	vst v0  }
0x23: {  	[tilespmem:s31+$0x2820] =	vst v0  }
0x24: {  	[tilespmem:s31+$0x2830] =	vst v0  }
0x25: {  	[tilespmem:s31+$0x2840] =	vst v0  }
0x26: {  	[tilespmem:s31+$0x2850] =	vst v0  }
0x27: {  	[tilespmem:s31+$0x2860] =	vst v0  }
0x28: {  	[spmem:s5] =	stream.linear.scatter [tilespmem:s18], [sflag:$0x5], $0x4000, $0x38;
	[tilespmem:$0x1E0C0] =	vst v63  }
0x29: {  	_ =	swait.ge [sflag:s19], $0x4000  }
0x2a: {  	[sflag:s19] =	ssyncset.done $0x0  }
0x2b: {  	[sflag:s19] =	ssyncadd.s32 $0xFFFFC000  }
0x2c: {  	[spmem:s15] =	stream.linear.scatter [tilespmem:s18], [sflag:$0x5], $0x4000, $0x38;
	[tilespmem:$0x1E0C0] =	vst v63  }
0x2d: {  	_ =	swait.ge [sflag:s19], $0x4000  }
0x2e: {  	[sflag:s19] =	ssyncset.done $0x0  }
0x2f: {  	[sflag:s19] =	ssyncadd.s32 $0xFFFFC000  }
0x30: {  	[spmem:s16] =	stream.linear.scatter [tilespmem:s18], [sflag:$0x5], $0x4000, $0x38;
	[tilespmem:$0x1E0C0] =	vst v63  }
0x31: {  	_ =	swait.ge [sflag:s19], $0x4000  }
0x32: {  	[sflag:s19] =	ssyncset.done $0x0  }
0x33: {  	[sflag:s19] =	ssyncadd.s32 $0xFFFFC000  }
0x34: {  	[spmem:s17] =	stream.linear.scatter [tilespmem:s18], [sflag:$0x5], $0x4000, $0x38;
	[tilespmem:$0x1E0C0] =	vst v63  }
0x35: {  	_ =	swait.ge [sflag:s19], $0x4000  }
0x36: {  	[sflag:s19] =	ssyncset.done $0x0  }
0x37: {  	s0 =	simm.s32 @p0 $0x2800;
	[sflag:s19] =	ssyncadd.s32 $0xFFFFC000  }
0x38: {  	[spmem:s6] =	stream.linear.scatter @p0 [tilespmem:s0], [sflag:$0x5], $0x800, $0x38;
	[tilespmem:$0x1E0C0] =	vst v63  }
0x39: {  	s0 =	simm.s32 @p0 $0x5  }
0x3a: {  	_ =	swait.ge @p0 [sflag:s0], $0x800  }
0x3b: {  	[sflag:s0] =	ssyncset.done @p0 $0x0  }
0x3c: {  	[sflag:s0] =	ssyncadd.s32 @p0 $0xFFFFF800;
	s0 =	simm.s32 @!p0 $0x2800  }
0x3d: {  	[spmem:s7] =	stream.linear.scatter @!p0 [tilespmem:s0], [sflag:$0x5], $0x3C00, $0x38;
	[tilespmem:$0x1E0C0] =	vst v63  }
0x3e: {  	s0 =	simm.s32 @!p0 $0x5  }
0x3f: {  	_ =	swait.ge @!p0 [sflag:s0], $0x3C00  }
0x40: {  	[sflag:s0] =	ssyncset.done @!p0 $0x0  }
0x41: {  	[sflag:s0] =	ssyncadd.s32 @!p0 $0xFFFFC400  }
0x42: {  	s2 =	simm.s32 $0x0;
	[bflag:$0x0] =	sbarrier.arrive $0xFFFF  }
0x43: {  	[tilespmem:s2], [sflag:$0x5] =	stream.linear.gather [hbm4b:s8+s2], $0x1400, $0x38;
	[tilespmem:$0x1E0C0] =	vst v63  }
0x44: {  	_ =	swait.ge [sflag:s19], $0x1400  }
0x45: {  	[sflag:s19] =	ssyncset.done $0x0  }
0x46: {  	[sflag:s19] =	ssyncadd.s32 $0xFFFFEC00  }
0x47: {  	[tilespmem:s20], [sflag:$0x5] =	stream.linear.gather [hbm4b:s9+s2], $0x1400, $0x38;
	[tilespmem:$0x1E0C0] =	vst v63  }
0x48: {  	_ =	swait.ge [sflag:s19], $0x1400  }
0x49: {  	[sflag:s19] =	ssyncset.done $0x0  }
0x4a: {  	[sflag:s19] =	ssyncadd.s32 $0xFFFFEC00  }
0x4b: {  	[tilespmem:s18], [sflag:$0x1] =	stream.indirect.gather [hbm4b:s1+s21], $0x80, s2, s21, $0xb8;
	[tilespmem:$0x1E0C0] =	vst v63  }
0x4c: {  	_ = 	snop  }
0x4d: {  	[tilespmem:s22], [sflag:$0x2] =	stream.indirect.gather [hbm4b:s1+s21], $0x80, s21, s21, $0xb8;
	[tilespmem:$0x1E0C0] =	vst v63  }
0x4e: {  	_ =	swait.ge [sflag:s23], $0x4000  }
0x4f: {  	[sflag:s23] =	ssyncset.done $0x0  }
0x50: {  	s2 =	simm.s32 $0x1400;
	[sflag:s23] =	ssyncadd.s32 $0xFFFFC000  }
0x51: {  	[spmem:s3] =	stream.indirect.scatter.add.f32 [tilespmem:s18], [sflag:$0x3], $0x80, s2, s21, $0xb8;
	[tilespmem:$0x1E0C0] =	vst v63  }
0x52: {  	_ =	swait.ge [sflag:s24], $0x4000  }
0x53: {  	[sflag:s24] =	ssyncset.done $0x0  }
0x54: {  	s2 =	simm.s32 $0x1480;
	[sflag:s24] =	ssyncadd.s32 $0xFFFFC000  }
0x55: {  	[spmem:s3] =	stream.indirect.scatter.add.f32 [tilespmem:s22], [sflag:$0x4], $0x80, s2, s21, $0xb8;
	[tilespmem:$0x1E0C0] =	vst v63  }
0x56: {  	_ =	swait.ge [sflag:s26], $0x4000  }
0x57: {  	[sflag:s26] =	ssyncset.done $0x0  }
0x58: {  	s2 =	simm.s32 $0x100;
	[sflag:s26] =	ssyncadd.s32 $0xFFFFC000  }
0x59: {  	[tilespmem:s18], [sflag:$0x1] =	stream.indirect.gather [hbm4b:s1+s21], $0x80, s2, s21, $0xb8;
	[tilespmem:$0x1E0C0] =	vst v63  }
0x5a: {  	_ =	swait.ge [sflag:s28], $0x4000  }
0x5b: {  	[sflag:s28] =	ssyncset.done $0x0  }
0x5c: {  	s31 =	simm.s32 $0x400;
	s0 =	simm.s32 $0x180;
	[sflag:s28] =	ssyncadd.s32 $0xFFFFC000  }
.LBB2_4:
0x5d: {  	[tilespmem:s22], [sflag:$0x2] =	stream.indirect.gather [hbm4b:s1+s21], $0x80, s0, s21, $0xb8;
	[tilespmem:$0x1E0C0] =	vst v63  }
0x5e: {  	s0 =	smov.u32 s31  }
0x5f: {  	p1 =	sne.s32 s31, $0x4800;
	s31 =	sadd.s32 $0x400, s31;
	_ =	swait.ge [sflag:s23], $0x4000  }
0x60: {  	s0 =	sshra.s32 s0, $0x2;
	[sflag:s23] =	ssyncset.done $0x0  }
0x61: {  	s2 =	sadd.s32 $0x1400, s0;
	[sflag:s23] =	ssyncadd.s32 $0xFFFFC000  }
0x62: {  	[spmem:s3] =	stream.indirect.scatter.add.f32 [tilespmem:s18], [sflag:$0x3], $0x80, s2, s21, $0xb8;
	[tilespmem:$0x1E0C0] =	vst v63  }
0x63: {  	_ =	swait.ge [sflag:s24], $0x4000  }
0x64: {  	[sflag:s24] =	ssyncset.done $0x0  }
0x65: {  	s2 =	sadd.s32 $0x1480, s0;
	[sflag:s24] =	ssyncadd.s32 $0xFFFFC000  }
0x66: {  	[spmem:s3] =	stream.indirect.scatter.add.f32 [tilespmem:s22], [sflag:$0x4], $0x80, s2, s21, $0xb8;
	[tilespmem:$0x1E0C0] =	vst v63  }
0x67: {  	_ =	swait.ge [sflag:s26], $0x4000  }
0x68: {  	[sflag:s26] =	ssyncset.done $0x0  }
.Ltmp1:
0x69: {  	s2 =	sadd.s32 $0x100, s0;
	[sflag:s26] =	ssyncadd.s32 $0xFFFFC000;
	(pc) =	sbr.rel @p1 .LBB2_4-.Ltmp1, $4  }
0x6a: {  	[tilespmem:s18], [sflag:$0x1] =	stream.indirect.gather [hbm4b:s1+s21], $0x80, s2, s21, $0xb8;
	[tilespmem:$0x1E0C0] =	vst v63  }
0x6b: {  	_ =	swait.ge [sflag:s28], $0x4000  }
0x6c: {  	[sflag:s28] =	ssyncset.done $0x0  }
0x6d: {  	s0 =	sadd.s32 $0x180, s0;
	[sflag:s28] =	ssyncadd.s32 $0xFFFFC000  }
0x6e: {  	[tilespmem:s22], [sflag:$0x2] =	stream.indirect.gather [hbm4b:s1+s21], $0x80, s0, s21, $0xb8;
	[tilespmem:$0x1E0C0] =	vst v63  }
0x6f: {  	_ =	swait.ge [sflag:s23], $0x4000  }
0x70: {  	[sflag:s23] =	ssyncset.done $0x0  }
0x71: {  	[sflag:s23] =	ssyncadd.s32 $0xFFFFC000  }
0x72: {  	[spmem:s3] =	stream.indirect.scatter.add.f32 [tilespmem:s18], [sflag:$0x3], $0x80, s29, s21, $0xb8;
	[tilespmem:$0x1E0C0] =	vst v63  }
0x73: {  	_ =	swait.ge [sflag:s24], $0x4000  }
0x74: {  	[sflag:s24] =	ssyncset.done $0x0  }
0x75: {  	[sflag:s24] =	ssyncadd.s32 $0xFFFFC000  }
0x76: {  	[spmem:s3] =	stream.indirect.scatter.add.f32 [tilespmem:s22], [sflag:$0x4], $0x80, s30, s21, $0xb8;
	[tilespmem:$0x1E0C0] =	vst v63  }
0x77: {  	_ =	swait.ge [sflag:s26], $0x4000  }
0x78: {  	[sflag:s26] =	ssyncset.done $0x0  }
0x79: {  	[sflag:s26] =	ssyncadd.s32 $0xFFFFC000  }
0x7a: {  	_ =	swait.ge [sflag:s28], $0x4000  }
0x7b: {  	[sflag:s28] =	ssyncset.done $0x0  }
0x7c: {  	s2 =	simm.s32 $0x0;
	[sflag:s28] =	ssyncadd.s32 $0xFFFFC000  }
0x7d: {  	[tilespmem:s2], [sflag:$0x5] =	stream.linear.gather [hbm4b:s10+s2], $0x1400, $0x38;
	[tilespmem:$0x1E0C0] =	vst v63  }
0x7e: {  	_ =	swait.ge [sflag:s19], $0x1400  }
0x7f: {  	[sflag:s19] =	ssyncset.done $0x0  }
0x80: {  	[sflag:s19] =	ssyncadd.s32 $0xFFFFEC00  }
0x81: {  	[tilespmem:s20], [sflag:$0x5] =	stream.linear.gather [hbm4b:s11+s2], $0x1400, $0x38;
	[tilespmem:$0x1E0C0] =	vst v63  }
0x82: {  	_ =	swait.ge [sflag:s19], $0x1400  }
0x83: {  	[sflag:s19] =	ssyncset.done $0x0  }
0x84: {  	[sflag:s19] =	ssyncadd.s32 $0xFFFFEC00  }
0x85: {  	[tilespmem:s18], [sflag:$0x1] =	stream.indirect.gather [hbm4b:s1+s21], $0x80, s2, s21, $0xb8;
	[tilespmem:$0x1E0C0] =	vst v63  }
0x86: {  	_ = 	snop  }
0x87: {  	[tilespmem:s22], [sflag:$0x2] =	stream.indirect.gather [hbm4b:s1+s21], $0x80, s21, s21, $0xb8;
	[tilespmem:$0x1E0C0] =	vst v63  }
0x88: {  	_ =	swait.ge [sflag:s23], $0x4000  }
0x89: {  	[sflag:s23] =	ssyncset.done $0x0  }
0x8a: {  	s2 =	simm.s32 $0x1400;
	[sflag:s23] =	ssyncadd.s32 $0xFFFFC000  }
0x8b: {  	[spmem:s3] =	stream.indirect.scatter.add.f32 [tilespmem:s18], [sflag:$0x3], $0x80, s2, s21, $0xb8;
	[tilespmem:$0x1E0C0] =	vst v63  }
0x8c: {  	_ =	swait.ge [sflag:s24], $0x4000  }
0x8d: {  	[sflag:s24] =	ssyncset.done $0x0  }
0x8e: {  	s2 =	simm.s32 $0x1480;
	[sflag:s24] =	ssyncadd.s32 $0xFFFFC000  }
0x8f: {  	[spmem:s3] =	stream.indirect.scatter.add.f32 [tilespmem:s22], [sflag:$0x4], $0x80, s2, s21, $0xb8;
	[tilespmem:$0x1E0C0] =	vst v63  }
0x90: {  	_ =	swait.ge [sflag:s26], $0x4000  }
0x91: {  	[sflag:s26] =	ssyncset.done $0x0  }
0x92: {  	s2 =	simm.s32 $0x100;
	[sflag:s26] =	ssyncadd.s32 $0xFFFFC000  }
0x93: {  	[tilespmem:s18], [sflag:$0x1] =	stream.indirect.gather [hbm4b:s1+s21], $0x80, s2, s21, $0xb8;
	[tilespmem:$0x1E0C0] =	vst v63  }
0x94: {  	_ =	swait.ge [sflag:s28], $0x4000  }
0x95: {  	[sflag:s28] =	ssyncset.done $0x0  }
0x96: {  	s31 =	simm.s32 $0x400;
	s0 =	simm.s32 $0x180;
	[sflag:s28] =	ssyncadd.s32 $0xFFFFC000  }
.LBB2_6:
0x97: {  	[tilespmem:s22], [sflag:$0x2] =	stream.indirect.gather [hbm4b:s1+s21], $0x80, s0, s21, $0xb8;
	[tilespmem:$0x1E0C0] =	vst v63  }
0x98: {  	s0 =	smov.u32 s31  }
0x99: {  	p1 =	sne.s32 s31, $0x4800;
	s31 =	sadd.s32 $0x400, s31;
	_ =	swait.ge [sflag:s23], $0x4000  }
0x9a: {  	s0 =	sshra.s32 s0, $0x2;
	[sflag:s23] =	ssyncset.done $0x0  }
0x9b: {  	s2 =	sadd.s32 $0x1400, s0;
	[sflag:s23] =	ssyncadd.s32 $0xFFFFC000  }
0x9c: {  	[spmem:s3] =	stream.indirect.scatter.add.f32 [tilespmem:s18], [sflag:$0x3], $0x80, s2, s21, $0xb8;
	[tilespmem:$0x1E0C0] =	vst v63  }
0x9d: {  	_ =	swait.ge [sflag:s24], $0x4000  }
0x9e: {  	[sflag:s24] =	ssyncset.done $0x0  }
0x9f: {  	s2 =	sadd.s32 $0x1480, s0;
	[sflag:s24] =	ssyncadd.s32 $0xFFFFC000  }
0xa0: {  	[spmem:s3] =	stream.indirect.scatter.add.f32 [tilespmem:s22], [sflag:$0x4], $0x80, s2, s21, $0xb8;
	[tilespmem:$0x1E0C0] =	vst v63  }
0xa1: {  	_ =	swait.ge [sflag:s26], $0x4000  }
0xa2: {  	[sflag:s26] =	ssyncset.done $0x0  }
.Ltmp2:
0xa3: {  	s2 =	sadd.s32 $0x100, s0;
	[sflag:s26] =	ssyncadd.s32 $0xFFFFC000;
	(pc) =	sbr.rel @p1 .LBB2_6-.Ltmp2, $4  }
0xa4: {  	[tilespmem:s18], [sflag:$0x1] =	stream.indirect.gather [hbm4b:s1+s21], $0x80, s2, s21, $0xb8;
	[tilespmem:$0x1E0C0] =	vst v63  }
0xa5: {  	_ =	swait.ge [sflag:s28], $0x4000  }
0xa6: {  	[sflag:s28] =	ssyncset.done $0x0  }
0xa7: {  	s0 =	sadd.s32 $0x180, s0;
	[sflag:s28] =	ssyncadd.s32 $0xFFFFC000  }
0xa8: {  	[tilespmem:s22], [sflag:$0x2] =	stream.indirect.gather [hbm4b:s1+s21], $0x80, s0, s21, $0xb8;
	[tilespmem:$0x1E0C0] =	vst v63  }
0xa9: {  	_ =	swait.ge [sflag:s23], $0x4000  }
0xaa: {  	[sflag:s23] =	ssyncset.done $0x0  }
0xab: {  	[sflag:s23] =	ssyncadd.s32 $0xFFFFC000  }
0xac: {  	[spmem:s3] =	stream.indirect.scatter.add.f32 [tilespmem:s18], [sflag:$0x3], $0x80, s29, s21, $0xb8;
	[tilespmem:$0x1E0C0] =	vst v63  }
0xad: {  	_ =	swait.ge [sflag:s24], $0x4000  }
0xae: {  	[sflag:s24] =	ssyncset.done $0x0  }
0xaf: {  	[sflag:s24] =	ssyncadd.s32 $0xFFFFC000  }
0xb0: {  	[spmem:s3] =	stream.indirect.scatter.add.f32 [tilespmem:s22], [sflag:$0x4], $0x80, s30, s21, $0xb8;
	[tilespmem:$0x1E0C0] =	vst v63  }
0xb1: {  	_ =	swait.ge [sflag:s26], $0x4000  }
0xb2: {  	[sflag:s26] =	ssyncset.done $0x0  }
0xb3: {  	[sflag:s26] =	ssyncadd.s32 $0xFFFFC000  }
0xb4: {  	_ =	swait.ge [sflag:s28], $0x4000  }
0xb5: {  	[sflag:s28] =	ssyncset.done $0x0  }
0xb6: {  	[sflag:s28] =	ssyncadd.s32 $0xFFFFC000  }
0xb7: {  	s0 =	simm.s32 @p0 $0x1FC5;
	[bflag:$0x0] =	sbarrier.arrive $0xFFFF  }
0xb8: {  	[hbm:s13], [sflag:s0] =	dma.local @p0 [spmem:s25], $0x2080  }
0xb9: {  	s0 =	simm.s32 @p0 $0x5  }
0xba: {  	s2 =	stileid.u32;
	s4 =	sadd.s32 $0x1, s4;
	_ =	swait.ge @p0 [sflag:s0], $0x2080  }
0xbb: {  	s2 =	sshll.u32 @!p0 s2, $0x6;
	p1 =	sne.s32 s4, s14;
	[sflag:s0] =	ssyncset.done @p0 $0x0  }
0xbc: {  	[sflag:s0] =	ssyncadd.s32 @p0 $0xFFFFDF80;
	s0 =	sor.u32 @!p0 $0x1C05, s2;
	s2 =	sshrl.u32 @!p0 s5, $0x3  }
0xbd: {  	[hbm:s12], [sflag:s0] =	dma.local @!p0 [spmem:s2], $0x2780  }
.Ltmp3:
0xbe: {  	_ = 	snop;
	(pc) =	sbr.rel @p1 .LBB2_1-.Ltmp3, $4  }
0xbf: {  	s0 =	simm.s32 @!p0 $0x5  }
0xc0: {  	_ =	swait.ge @!p0 [sflag:s0], $0x2780  }
0xc1: {  	[sflag:s0] =	ssyncset.done @!p0 $0x0  }
0xc2: {  	[sflag:s0] =	ssyncadd.s32 @!p0 $0xFFFFD880  }
0xc3: {  	_ =	sfence.sel $0x180000  }
0xc4: {  	[bflag:$0x0] =	sbarrier.arrive $0xFFFF  }
0xc5: {  	_ =	strace $0x9000004D  }
0xc6: {  	s0 =	stileid.u32;
	[bflag:$0x2] =	sbarrier.arrive $0xFFFF  }
0xc7: {  	p0 =	sne.s32 s0, $0x0;
	s0 =	rddreg [dreg:$0x5]  }
0xc8: {  	s0 =	sadd.s32 @!p0 $0x100000, s0  }
0xc9: {  	[sflag:s0] =	ssyncadd.tile.s32 @!p0 $0x1;
	_ =	shalt  }
.Lfunc_end2:
_tile_overlayer_lowered:
.L_overlay_start_2:
0xca: {  	(tag) =	ssettag $0x2  }
0xcb: {  	s0 =	rddreg [dreg:$0x0];
	s2 =	stileid.u32  }
0xcc: {  	s1 =	rddreg [dreg:$0x1];
	p0 =	sne.s32 s2, $0x0  }
0xcd: {  	s3 =	rddreg [dreg:$0x2];
	[bflag:$0x3] =	sbarrier.arrive $0xFFFF;
	s2 =	simm.s32 @!p0 $0x1C05  }
0xce: {  	[timem:s3], [sflag:s2] =	dma.local @!p0 [hbm:s0], s1  }
0xcf: {  	s0 =	simm.s32 @!p0 $0x5  }
0xd0: {  	_ =	swait.ge @!p0 [sflag:s0], s1  }
0xd1: {  	s1 =	ssub.s32 @!p0 $0x0, s1;
	[sflag:s0] =	ssyncset.done @!p0 $0x0  }
0xd2: {  	[sflag:s0] =	ssyncadd.s32 @!p0 s1  }
0xd3: {  	[bflag:$0x3] =	sbarrier.arrive $0xFFFF  }
0xd4: {  	_ =	shalt  }

// kernel: kernel.8.cloned.1.call-start
scs
__scs_entry_jumppad:
0x0: {  	(pc) =	sbr.rel $0x88, $3  }
0x1: {  	(tag) =	ssettag $0x0;
	lr =	simm.s32 $0x1  }
0x2: {  	[smem:$0x3F98] =	sst lr;
	_ =	strace $0xD0000000  }
0x3: {  	_ = 	snop  }
0x4: {  	_ = 	snop  }
0x5: {  	_ = 	snop  }
0x6: {  	_ = 	snop  }
0x7: {  	_ = 	snop  }
__scs_overlays_trampoline_lowered:
0x8: {  	[smem:$0x3FA7] =	sst s0  }
0x9: {  	[smem:$0x3FA8] =	sst s1  }
0xa: {  	[smem:$0x3FA9] =	sst s2  }
0xb: {  	[smem:$0x3FAA] =	sst s3  }
0xc: {  	[smem:$0x3FAB] =	sst s4  }
0xd: {  	[smem:$0x3FAC] =	sst s5  }
0xe: {  	[smem:$0x3FAD] =	sst s6  }
0xf: {  	[smem:$0x3FAE] =	sst s7  }
0x10: {  	[smem:$0x3FAF] =	sst s8  }
0x11: {  	[smem:$0x3FB0] =	sst s9;
	s0 =	simm.s32 @!p0 $0x0  }
0x12: {  	s1 =	sld [smem:$0x3F96];
	s0 =	simm.s32 @p0 $0x1  }
0x13: {  	[smem:$0x3FB1] =	sst s0;
	s0 =	simm.s32 @!p1 $0x0  }
0x14: {  	s2 =	sld [smem:$0x3F95];
	s0 =	simm.s32 @p1 $0x1  }
0x15: {  	[smem:$0x3FB2] =	sst s0;
	s0 =	simm.s32 @!p2 $0x0  }
0x16: {  	s3 =	sld [smem:$0x3FDB];
	s0 =	simm.s32 @p2 $0x1  }
0x17: {  	s4 =	simm.s32 $0x1BF5;
	[smem:$0x3FB4] =	sst s0  }
0x18: {  	s0 =	sld [smem:$0x3F97];
	_ =	swait.ge [sflag:s4], $0x0  }
0x19: {  	s7 =	sld [smem:$0x3F98]  }
0x1a: {  	s8 =	sadd.s32 $0xFFFFE003, lr  }
0x1b: {  	s9 =	sadd.s32 $0xFFFFFEF7, lr;
	s5 =	simm.s32 $0xFFFFFFFF;
	p2 =	slt.u32 s8, $0xFFFFF086  }
0x1c: {  	p1 =	slt.u32 s9, $0xF7A;
	s5 =	simm.s32 @!p2 $0x0  }
0x1d: {  	s5 =	simm.s32 @p1 $0x1;
	p0 =	seq.s32 s7, s2  }
0x1e: {  	s7 =	smul.u32 @!p0 $0xF7A, s2;
	p2 =	seq.s32 @!p0 s5, $0x0  }
0x1f: {  	s9 =	smul.u32 $0xF7A, s1;
	s8 =	simm.s32 @!p0 $0x1BF5;
	p2 =	por !p2, p0  }
0x20: {  	[sflag:s8] =	ssyncset.s32 @!p0 $0xFFFFF086;
	s6 =	sadd.s32 @!p0 s3, s7;
	s7 =	simm.s32 @!p0 $0x108  }
0x21: {  	s3 =	sadd.s32 s3, s9;
	s6 =	sadd.s32 @!p0 $0x88, s6;
	s7 =	simm.s32 @p2 $0x1082  }
0x22: {  	[simem:s7], [sflag:s8] =	dma.local @!p0 [hbm:s6], $0xF7A  }
0x23: {  	s9 =	sor.u32 $0xD0000000, s2;
	s6 =	simm.s32 $0x108;
	_ =	swait.ge @!p0 [sflag:s8], $0x0  }
0x24: {  	s3 =	sadd.s32 $0x88, s3;
	s6 =	simm.s32 @!p1 $0x1082;
	[sflag:s4] =	ssyncset.s32 $0xFFFFF086  }
0x25: {  	[simem:s6], [sflag:s4] =	dma.local [hbm:s3], $0xF7A  }
0x26: {  	[smem:$0x3F98] =	sst s1;
	(tag) =	ssettag s2;
	_ =	strace s9  }
0x27: {  	s1 =	sld [smem:$0x3FA8]  }
0x28: {  	s2 =	sld [smem:$0x3FA9]  }
0x29: {  	s4 =	sld [smem:$0x3FAB]  }
0x2a: {  	p0 =	seq.s32 s5, $0x0;
	s5 =	sld [smem:$0x3FAC]  }
0x2b: {  	s6 =	sld [smem:$0x3FAD]  }
0x2c: {  	s7 =	sld [smem:$0x3FAE]  }
0x2d: {  	s3 =	simm.s32 $0x108;
	s8 =	sld [smem:$0x3FAF]  }
0x2e: {  	s3 =	simm.s32 @!p0 $0x1082;
	s9 =	sld [smem:$0x3FB0]  }
0x2f: {  	lr =	sadd.s32 s0, s3;
	s0 =	sld [smem:$0x3FA7]  }
0x30: {  	s3 =	sld [smem:$0x3FAA]  }
0x31: {  	[smem:$0x3FB3] =	sst s10  }
0x32: {  	s10 =	sld [smem:$0x3FB1];
	_ =	sdelay $0x3  }
0x33: {  	p0 =	seq.s32 s10, $0x1;
	s10 =	sld [smem:$0x3FB3];
	_ =	sdelay $0x3  }
0x34: {  	[smem:$0x3FB3] =	sst s10  }
0x35: {  	s10 =	sld [smem:$0x3FB2];
	_ =	sdelay $0x3  }
0x36: {  	p1 =	seq.s32 s10, $0x1;
	s10 =	sld [smem:$0x3FB3];
	_ =	sdelay $0x3  }
0x37: {  	[smem:$0x3FB3] =	sst s10  }
0x38: {  	s10 =	sld [smem:$0x3FB4]  }
0x39: {  	_ = 	snop;
	(pc) =	sbr.ind lr, $3  }
0x3a: {  	_ = 	snop  }
0x3b: {  	_ = 	snop  }
0x3c: {  	p2 =	seq.s32 s10, $0x1;
	s10 =	sld [smem:$0x3FB3]  }
0x3d: {  	_ =	shalt  }
0x3e: {  	_ =	shalt  }
0x3f: {  	_ =	shalt  }
0x40: {  	_ =	shalt  }
0x41: {  	_ =	shalt  }
0x42: {  	_ =	shalt  }
0x43: {  	_ =	shalt  }
0x44: {  	_ =	shalt  }
0x45: {  	_ =	shalt  }
0x46: {  	_ =	shalt  }
0x47: {  	_ =	shalt  }
0x48: {  	_ =	shalt  }
0x49: {  	_ =	shalt  }
0x4a: {  	_ =	shalt  }
0x4b: {  	_ =	shalt  }
0x4c: {  	_ =	shalt  }
0x4d: {  	_ =	shalt  }
0x4e: {  	_ =	shalt  }
0x4f: {  	_ =	shalt  }
0x50: {  	_ =	shalt  }
0x51: {  	_ =	shalt  }
0x52: {  	_ =	shalt  }
0x53: {  	_ =	shalt  }
0x54: {  	_ =	shalt  }
0x55: {  	_ =	shalt  }
0x56: {  	_ =	shalt  }
0x57: {  	_ =	shalt  }
0x58: {  	_ =	shalt  }
0x59: {  	_ =	shalt  }
0x5a: {  	_ =	shalt  }
0x5b: {  	_ =	shalt  }
0x5c: {  	_ =	shalt  }
0x5d: {  	_ =	shalt  }
0x5e: {  	_ =	shalt  }
0x5f: {  	_ =	shalt  }
0x60: {  	_ =	shalt  }
0x61: {  	_ =	shalt  }
0x62: {  	_ =	shalt  }
0x63: {  	_ =	shalt  }
0x64: {  	_ =	shalt  }
0x65: {  	_ =	shalt  }
0x66: {  	_ =	shalt  }
0x67: {  	_ =	shalt  }
0x68: {  	_ =	shalt  }
0x69: {  	_ =	shalt  }
0x6a: {  	_ =	shalt  }
0x6b: {  	_ =	shalt  }
0x6c: {  	_ =	shalt  }
0x6d: {  	_ =	shalt  }
0x6e: {  	_ =	shalt  }
0x6f: {  	_ =	shalt  }
0x70: {  	_ =	shalt  }
0x71: {  	_ =	shalt  }
0x72: {  	_ =	shalt  }
0x73: {  	_ =	shalt  }
0x74: {  	_ =	shalt  }
0x75: {  	_ =	shalt  }
0x76: {  	_ =	shalt  }
0x77: {  	_ =	shalt  }
0x78: {  	_ =	shalt  }
0x79: {  	_ =	shalt  }
0x7a: {  	_ =	shalt  }
0x7b: {  	_ =	shalt  }
0x7c: {  	_ =	shalt  }
0x7d: {  	_ =	shalt  }
0x7e: {  	_ =	shalt  }
0x7f: {  	_ =	shalt  }
0x80: {  	_ =	shalt  }
0x81: {  	_ =	shalt  }
0x82: {  	_ =	shalt  }
0x83: {  	_ =	shalt  }
0x84: {  	_ =	shalt  }
0x85: {  	_ =	shalt  }
0x86: {  	_ =	shalt  }
0x87: {  	_ =	shalt  }
.Lfunc_end0:
.L_simem_size_0:
called_computation_lowered:
.L_overlay_start_0:
0x88: {  	s2 =	sld [smem:$0x3FD9]  }
0x89: {  	s3 =	sld [smem:$0x3FFE];
	_ =	sdelay $0x1  }
0x8a: {  	s1 =	srdreg.scid  }
0x8b: {  	s0 =	sand.u32 $0x1, s1  }
0x8c: {  	s14 =	sshll.u32 s0, $0xA;
	s2 =	sadd.s32 s3, s2  }
0x8d: {  	s2 =	sadd.s32 s2, s14  }
0x8e: {  	[smem:$0x3FBF] =	sst s2  }
0x8f: {  	_ = 	snop  }
0x90: {  	s2 =	sld [smem:$0x3FD0];
	_ =	sdelay $0x2  }
0x91: {  	s15 =	simm.s32 $0xA;
	s4 =	simm.s32 $0x10  }
0x92: {  	[smem:s4], [sflag:s15] =	dma.local [hbm:s2], $0x1  }
0x93: {  	_ =	swait.eq [sflag:s15], $0x1  }
0x94: {  	[sflag:s15] =	ssyncset.done $0x0  }
0x95: {  	[sflag:s15] =	ssyncadd.s32 $0xFFFFFFFF  }
0x96: {  	s16 =	sld [smem:$0x10];
	(tm) =	ssettm $0x1  }
0x97: {  	s17 =	sld [smem:$0x3FFB];
	_ =	sdelay $0x3  }
0x98: {  	_ =	strace s17  }
0x99: {  	s3 =	sld [smem:$0x3FFC];
	_ =	sdelay $0x3  }
0x9a: {  	_ =	strace s3  }
0x9b: {  	s3 =	sld [smem:$0x3FFD];
	_ =	sdelay $0x3  }
0x9c: {  	_ =	strace s3  }
0x9d: {  	_ =	strace $0x8FFFFFFF  }
0x9e: {  	s18 =	sld [smem:$0x3FDB];
	_ =	sdelay $0x1  }
0x9f: {  	s19 =	simm.s32 $_scs_section_size  }
0xa0: {  	s5 =	simm.s32 $_size__tile_overlayer_lowered;
	s6 =	simm.s32 $_tile_overlayer_lowered  }
0xa1: {  	s22 =	simm.s32 $0x1BFF;
	s21 =	sshll.u32 s6, $0x1;
	s3 =	sadd.s32 s19, s18  }
0xa2: {  	s7 =	simm.s32 $0x0;
	s20 =	sshll.u32 s5, $0x1;
	s5 =	sadd.s32 s21, s3  }
0xa3: {  	[timem:s7], [sflag:s22] =	dma.local [hbm:s5], s20  }
0xa4: {  	_ =	swait.ge [sflag:s22], s20  }
0xa5: {  	s4 =	ssub.s32 $0x0, s20;
	[sflag:s22] =	ssyncset.done $0x0  }
0xa6: {  	[sflag:s22] =	ssyncadd.s32 s4;
	_ =	sdelay $0x1  }
0xa7: {  	s23 =	simm.s32 $0x1B8B  }
0xa8: {  	_ =	swait.ge [sflag:s23], $0x1  }
0xa9: {  	[sflag:s23] =	ssyncset.done $0x0  }
0xaa: {  	s25 =	simm.s32 $0x1B8E;
	s24 =	sld [smem:$0x3FFE];
	[sflag:s23] =	ssyncadd.s32 $0xFFFFFFFF  }
0xab: {  	s26 =	simm.s32 $execute0_lowered;
	[smem:$0x3FD2] =	sst s25  }
0xac: {  	s5 =	sshll.u32 s26, $0x1;
	_ =	strace $0x80000046;
	[dreg:$0x1] =	wrdreg $0xFFFFFFFF  }
0xad: {  	s28 =	simm.s32 $_size_execute0_lowered;
	s3 =	sadd.s32 s3, s5;
	[dreg:$0x0] =	wrdreg $0x0  }
0xae: {  	s5 =	sshll.u32 s28, $0x1;
	[dreg:$0x2] =	wrdreg s3  }
0xaf: {  	[dreg:$0x3] =	wrdreg s5  }
0xb0: {  	[dreg:$0x4] =	wrdreg $0xC0  }
0xb1: {  	_ =	task [dreg:s7], $0x5FFFF  }
0xb2: {  	[dreg:$0x1] =	wrdreg $0xFFFFFFFF  }
0xb3: {  	[dreg:$0x0] =	wrdreg $0x60  }
0xb4: {  	[dreg:$0x2] =	wrdreg s16  }
0xb5: {  	[dreg:$0x3] =	wrdreg s24  }
0xb6: {  	[dreg:$0x4] =	wrdreg $0xA8000  }
0xb7: {  	[dreg:$0x5] =	wrdreg $0x9  }
0xb8: {  	_ =	task.clear_ibuf [dreg:s7], $0x6FFFF;
	_ =	strace $0x90000046  }
0xb9: {  	s29 =	simm.s32 $0x9;
	_ =	strace $0x80000048  }
0xba: {  	_ =	swait.ge [sflag:s29], $0x1  }
0xbb: {  	[sflag:s29] =	ssyncadd.s32 $0xFFFFFFFF  }
0xbc: {  	_ =	strace $0x90000048  }
0xbd: {  	_ =	sfence  }
0xbe: {  	s30 =	sld [smem:$0x0];
	_ =	sdelay $0x2  }
0xbf: {  	s31 =	sshll.u32 s1, $0xD;
	s1 =	sshrl.u32 s1, $0x2  }
0xc0: {  	s3 =	sand.u32 $0x4000, s31;
	s1 =	sadd.s32 s1, s30  }
0xc1: {  	s0 =	sor.u32 s3, s0;
	s1 =	sshll.u32 s1, $0x11  }
0xc2: {  	s0 =	sor.u32 s1, s0  }
0xc3: {  	s0 =	sadd.s32 $0x8F2B, s0  }
0xc4: {  	[sflag:s0] =	ssyncadd.remote.s32 $0x1  }
0xc5: {  	_ =	sfence.sel $0xFFFF  }
0xc6: {  	[dreg:$0x0] =	wrdreg $0xFFFFFFFF;
	(pc) =	sbr.abs _section_cstart, $3  }
0xc7: {  	[dreg:$0x1] =	wrdreg $0xFFFFFFFF  }
0xc8: {  	_ =	task.clear_ibuf [dreg:s7], $0x2FFFF;
	_ =	strace $0x9FFFFFFF  }
0xc9: {  	(tm) =	ssettm $0x7FFFFFFF  }
tec
execute0_lowered:
.L_overlay_start_1:
0x0: {  	(tag) =	ssettag $0x1  }
0x1: {  	s7 =	rddreg [dreg:$0x0]  }
0x2: {  	s4 =	rddreg [dreg:$0x1]  }
0x3: {  	s1 =	rddreg [dreg:$0x2]  }
0x4: {  	s0 =	rddreg [dreg:$0x3];
	s3 =	simm.s32 $0x0;
	s5 =	srdreg.scid  }
0x5: {  	s2 =	stileid.u32;
	s14 =	simm.s32 $0x6800;
	s15 =	simm.s32 $0x1  }
0x6: {  	s16 =	simm.s32 $0x80;
	s17 =	simm.s32 $0x2800;
	[smem:$0x7FF] =	sst s3  }
0x7: {  	s5 =	sand.u32 $0x1, s5;
	s8 =	smul.u32 $0x4F000, s2;
	s9 =	sadd.s32 $0x3600, s4  }
0x8: {  	s29 =	sshll.u32 s2, $0x1;
	s12 =	smul.u32 $0x2780, s2;
	s18 =	sadd.s32 $0x128400, s1  }
0x9: {  	p0 =	seq.s32 s2, $0xF;
	_ =	strace $0x80000047;
	s11 =	smul.u32 $0x27100, s5  }
0xa: {  	s6 =	ssub.s32 $0x2, s5;
	s13 =	sor.u32 s5, s29;
	s30 =	smul.u32 $0x138800, s5  }
0xb: {  	s19 =	sshll.u32 @!p0 s2, $0x6;
	s18 =	sshrl.u32 @p0 s18, $0x3;
	s10 =	sshrl.u32 s6, $0x1  }
0xc: {  	s8 =	sshrl.u32 s8, $0x2;
	s13 =	smul.u32 $0x500, s13;
	s19 =	sor.u32 @!p0 $0x1C01, s19  }
0xd: {  	s4 =	sadd.s32 s8, s1;
	s10 =	ssub.s32 s6, s10;
	s6 =	sadd.s32 $0x138400, s1  }
0xe: {  	s11 =	sadd.s32 s12, s11;
	s31 =	sshrl.u32 s30, $0x3;
	s5 =	sadd.s32 $0x10000, s4  }
0xf: {  	s7 =	sadd.s32 s7, s13;
	s8 =	sadd.s32 s9, s11;
	s9 =	sadd.s32 s9, s31  }
0x10: {  	s10 =	smax.u32 s10, $0x1;
	s11 =	sadd.s32 $0x4000, s4;
	s12 =	sadd.s32 $0x8000, s4  }
0x11: {  	v0 =	vimm.f32 $1.000000000e+00;
	v1 =	vimm.f32 $0.0e+00;
	s13 =	sadd.s32 $0xC000, s4;
	s20 =	sshrl.u32 @!p0 s4, $0x3;
	s9 =	sadd.s32 $0x25080, s9  }
.LBB2_1:
0x12: {  	s21 =	simm.s32 $0x200;
	s22 =	simm.s32 $0x0  }
.LBB2_2:
0x13: {  	p1 =	sne.s32 s21, $0xFE00;
	[tilespmem:s22+$0x2800] =	vst v0;
	s23 =	smov.u32 s21;
	s21 =	sadd.s32 $0x200, s21  }
.Ltmp0:
0x14: {  	[tilespmem:s22+$0x6800] =	vst v1;
	(pc) =	sbr.rel @p1 .LBB2_2-.Ltmp0, $2  }
0x15: {  	_ =	sdelay $0x2  }
0x16: {  	s22 =	sshra.s32 s23, $0x2  }
0x17: {  	[tilespmem:s22+$0x2800] =	vst v0  }
0x18: {  	[tilespmem:s22+$0x6800] =	vst v1  }
0x19: {  	[spmem:s4] =	stream.linear.scatter [tilespmem:s14], [sflag:$0x1], $0x4000, $0x38;
	[tilespmem:$0xCF18] =	vst v63  }
0x1a: {  	_ =	swait.ge [sflag:s15], $0x4000  }
0x1b: {  	[sflag:s15] =	ssyncset.done $0x0  }
0x1c: {  	[sflag:s15] =	ssyncadd.s32 $0xFFFFC000  }
0x1d: {  	[spmem:s11] =	stream.linear.scatter [tilespmem:s14], [sflag:$0x1], $0x4000, $0x38;
	[tilespmem:$0xCF18] =	vst v63  }
0x1e: {  	_ =	swait.ge [sflag:s15], $0x4000  }
0x1f: {  	[sflag:s15] =	ssyncset.done $0x0  }
0x20: {  	[sflag:s15] =	ssyncadd.s32 $0xFFFFC000  }
0x21: {  	[spmem:s12] =	stream.linear.scatter [tilespmem:s14], [sflag:$0x1], $0x4000, $0x38;
	[tilespmem:$0xCF18] =	vst v63  }
0x22: {  	_ =	swait.ge [sflag:s15], $0x4000  }
0x23: {  	[sflag:s15] =	ssyncset.done $0x0  }
0x24: {  	[sflag:s15] =	ssyncadd.s32 $0xFFFFC000  }
0x25: {  	[spmem:s13] =	stream.linear.scatter [tilespmem:s14], [sflag:$0x1], $0x4000, $0x38;
	[tilespmem:$0xCF18] =	vst v63  }
0x26: {  	_ =	swait.ge [sflag:s15], $0x4000  }
0x27: {  	[sflag:s15] =	ssyncset.done $0x0  }
0x28: {  	s21 =	simm.s32 @p0 $0x6800;
	[sflag:s15] =	ssyncadd.s32 $0xFFFFC000  }
0x29: {  	[spmem:s6] =	stream.linear.scatter @p0 [tilespmem:s21], [sflag:$0x1], $0x800, $0x38;
	[tilespmem:$0xCF18] =	vst v63  }
0x2a: {  	s21 =	simm.s32 @p0 $0x1  }
0x2b: {  	_ =	swait.ge @p0 [sflag:s21], $0x800  }
0x2c: {  	[sflag:s21] =	ssyncset.done @p0 $0x0  }
0x2d: {  	[sflag:s21] =	ssyncadd.s32 @p0 $0xFFFFF800;
	s21 =	simm.s32 @!p0 $0x6800  }
0x2e: {  	[spmem:s5] =	stream.linear.scatter @!p0 [tilespmem:s21], [sflag:$0x1], $0x3C00, $0x38;
	[tilespmem:$0xCF18] =	vst v63  }
0x2f: {  	s21 =	simm.s32 @!p0 $0x1  }
0x30: {  	_ =	swait.ge @!p0 [sflag:s21], $0x3C00  }
0x31: {  	[sflag:s21] =	ssyncset.done @!p0 $0x0  }
0x32: {  	[sflag:s21] =	ssyncadd.s32 @!p0 $0xFFFFC400  }
0x33: {  	s30 =	simm.s32 $0x0;
	[bflag:$0x0] =	sbarrier.arrive $0xFFFF  }
0x34: {  	[tilespmem:s30], [sflag:$0x1] =	stream.linear.gather [hbm4b:s7+s30], $0x2800, $0x38;
	[tilespmem:$0xCF18] =	vst v63  }
0x35: {  	_ =	swait.ge [sflag:s15], $0x2800  }
0x36: {  	[sflag:s15] =	ssyncset.done $0x0  }
0x37: {  	s31 =	simm.s32 $0x0;
	[sflag:s15] =	ssyncadd.s32 $0xFFFFD800  }
0x38: {  	[spmem:s1] =	stream.indirect.scatter.add.f32 [tilespmem:s17], [sflag:$0x1], $0x10, s31, s16, $0xb8;
	[tilespmem:$0xCF18] =	vst v63  }
0x39: {  	_ =	swait.ge [sflag:s15], $0x800  }
0x3a: {  	s21 =	simm.s32 $0x200;
	[sflag:s15] =	ssyncset.done $0x0  }
.LBB2_4:
0x3b: {  	s22 =	sshra.s32 s21, $0x2;
	[sflag:s15] =	ssyncadd.s32 $0xFFFFF800;
	p1 =	sne.s32 s21, $0x9E00  }
0x3c: {  	[spmem:s1] =	stream.indirect.scatter.add.f32 [tilespmem:s17], [sflag:$0x1], $0x10, s22, s16, $0xb8;
	[tilespmem:$0xCF18] =	vst v63  }
.Ltmp1:
0x3d: {  	_ = 	snop;
	(pc) =	sbr.rel @p1 .LBB2_4-.Ltmp1, $4  }
0x3e: {  	_ = 	snop  }
0x3f: {  	s21 =	sadd.s32 $0x200, s21  }
0x40: {  	_ =	swait.ge [sflag:s15], $0x800  }
0x41: {  	[sflag:s15] =	ssyncset.done $0x0  }
0x42: {  	[sflag:s15] =	ssyncadd.s32 $0xFFFFF800  }
0x43: {  	s21 =	simm.s32 @p0 $0x1FC1;
	[bflag:$0x0] =	sbarrier.arrive $0xFFFF  }
0x44: {  	[hbm:s9], [sflag:s21] =	dma.local @p0 [spmem:s18], $0x2080  }
0x45: {  	s21 =	simm.s32 @p0 $0x1  }
0x46: {  	s3 =	sadd.s32 $0x1, s3;
	_ =	swait.ge @p0 [sflag:s21], $0x2080  }
0x47: {  	p1 =	sne.s32 s3, s10;
	[sflag:s21] =	ssyncset.done @p0 $0x0  }
.Ltmp2:
0x48: {  	[sflag:s21] =	ssyncadd.s32 @p0 $0xFFFFDF80;
	s21 =	simm.s32 @!p0 $0x1;
	(pc) =	sbr.rel @p1 .LBB2_1-.Ltmp2, $4  }
0x49: {  	[hbm:s8], [sflag:s19] =	dma.local @!p0 [spmem:s20], $0x2780  }
0x4a: {  	_ =	swait.ge @!p0 [sflag:s21], $0x2780  }
0x4b: {  	[sflag:s21] =	ssyncset.done @!p0 $0x0  }
0x4c: {  	[sflag:s21] =	ssyncadd.s32 @!p0 $0xFFFFD880  }
0x4d: {  	_ =	sfence.sel $0x180000  }
0x4e: {  	[bflag:$0x0] =	sbarrier.arrive $0xFFFF  }
0x4f: {  	p0 =	sne.s32 s2, $0x0;
	_ =	strace $0x90000047  }
0x50: {  	s0 =	sadd.s32 @!p0 $0x100000, s0;
	[bflag:$0x2] =	sbarrier.arrive $0xFFFF  }
0x51: {  	[sflag:s0] =	ssyncadd.tile.s32 @!p0 $0x1;
	_ =	shalt  }
.Lfunc_end2:
_tile_overlayer_lowered:
.L_overlay_start_2:
0x52: {  	(tag) =	ssettag $0x2  }
0x53: {  	s0 =	rddreg [dreg:$0x0];
	s2 =	stileid.u32  }
0x54: {  	s1 =	rddreg [dreg:$0x1];
	p0 =	sne.s32 s2, $0x0  }
0x55: {  	s3 =	rddreg [dreg:$0x2];
	[bflag:$0x3] =	sbarrier.arrive $0xFFFF;
	s2 =	simm.s32 @!p0 $0x1C01  }
0x56: {  	[timem:s3], [sflag:s2] =	dma.local @!p0 [hbm:s0], s1  }
0x57: {  	s0 =	simm.s32 @!p0 $0x1  }
0x58: {  	_ =	swait.ge @!p0 [sflag:s0], s1  }
0x59: {  	s1 =	ssub.s32 @!p0 $0x0, s1;
	[sflag:s0] =	ssyncset.done @!p0 $0x0  }
0x5a: {  	[sflag:s0] =	ssyncadd.s32 @!p0 s1  }
0x5b: {  	[bflag:$0x3] =	sbarrier.arrive $0xFFFF  }
0x5c: {  	_ =	shalt  }

</sc_bundles>
